<compile_context>
chip_gen: v7x
topology: tpu7x:2x2x1
jax: 0.10.2.dev20260603
libtpu: 0.0.44.dev20260713+nightly
codegen_flags: <defaults>
</compile_context>

<pallas_src>
import math

import jax
import jax.numpy as jnp
from jax import lax
from jax.experimental import pallas as pl
from jax.experimental.pallas import tpu as pltpu
from jax.experimental.pallas import tpu_sc as plsc

N_NODES = 10000
N_EDGES = 320000
F = 128
H = 4
FH = F // H

NC = 2
NS = 16
NW = NC * NS
EPW = N_EDGES // NW
BLK = 40
NBLK = EPW // BLK
STRIPE = 624
TAIL = N_NODES - (NS - 1) * STRIPE
ZC = 16
BPAD = 48


def _qkv_body(x_ref, wq_ref, wkv_ref, q_ref, kv_ref):
    xb = x_ref[...]
    hi = jax.lax.Precision.HIGHEST
    q_ref[...] = jnp.dot(xb, wq_ref[...], preferred_element_type=jnp.float32,
                         precision=hi)
    kv_ref[...] = jnp.dot(xb, wkv_ref[...], preferred_element_type=jnp.float32,
                          precision=hi)


def _edge_body(q_hbm, kv_hbm, w_hbm, phi_hbm, ii_hbm, ij_hbm, out_hbm,
               iiA, iiB, ijA, ijB, iscA, iscB, qA, qB, kvA, kvB, wA, wB,
               phiA, phiB,
               orows,
               acc,
               sii_a, sii_b, sij_a, sij_b, sq_a, sq_b, skv_a, skv_b,
               sw_a, sw_b, sp_a, sp_b, s_sc):
    c = lax.axis_index("c")
    s = lax.axis_index("s")
    ii_s = (iiA, iiB)
    ij_s = (ijA, ijB)
    isc_s = (iscA, iscB)
    q_s = (qA, qB)
    kv_s = (kvA, kvB)
    w_s = (wA, wB)
    phi_s = (phiA, phiB)
    sii = (sii_a, sii_b)
    sij = (sij_a, sij_b)
    sq = (sq_a, sq_b)
    skv = (skv_a, skv_b)
    sw = (sw_a, sw_b)
    sp = (sp_a, sp_b)

    z16 = jnp.zeros((16,), jnp.float32)
    z16i = jnp.zeros((16,), jnp.int32)

    def zrow(r, carry):
        for g in range(F // 16):
            orows[r, pl.ds(g * 16, 16)] = z16
        return carry

    lax.fori_loop(0, BPAD, zrow, 0)
    iiA[pl.ds(BPAD - 16, 16)] = z16i
    iiB[pl.ds(BPAD - 16, 16)] = z16i
    zsrc = orows.at[pl.ds(0, ZC)]

    def zcopy(r, carry):
        pltpu.sync_copy(zsrc, acc.at[pl.ds(s * STRIPE + r * ZC, ZC)])
        return carry

    lax.fori_loop(0, STRIPE // ZC, zcopy, 0)

    @pl.when(s == NS - 1)
    def _ztail():
        def ztail(r, carry):
            pltpu.sync_copy(zsrc, acc.at[pl.ds((NS - 1) * STRIPE + r * ZC, ZC)])
            return carry
        lax.fori_loop(STRIPE // ZC, TAIL // ZC, ztail, 0)

    plsc.subcore_barrier()

    ebase = (c * NS + s) * EPW

    def fire_idx(b, slot):
        base = ebase + b * BLK
        pltpu.async_copy(ii_hbm.at[pl.ds(base, BLK)],
                         ii_s[slot].at[pl.ds(0, BLK)], sii[slot])
        pltpu.async_copy(ij_hbm.at[pl.ds(base, BLK)],
                         ij_s[slot].at[pl.ds(0, BLK)], sij[slot])

    def wait_idx(slot):
        pltpu.make_async_copy(ii_hbm.at[pl.ds(0, BLK)],
                              ii_s[slot].at[pl.ds(0, BLK)], sii[slot]).wait()
        pltpu.make_async_copy(ij_hbm.at[pl.ds(0, BLK)],
                              ij_s[slot].at[pl.ds(0, BLK)], sij[slot]).wait()

    def fire_rows(b, slot):
        base = ebase + b * BLK
        pltpu.async_copy(q_hbm.at[ii_s[slot].at[pl.ds(0, BLK)]], q_s[slot],
                         sq[slot])
        pltpu.async_copy(kv_hbm.at[ij_s[slot].at[pl.ds(0, BLK)]], kv_s[slot],
                         skv[slot])
        pltpu.async_copy(w_hbm.at[pl.ds(base, BLK)], w_s[slot], sw[slot])
        pltpu.async_copy(phi_hbm.at[pl.ds(base, BLK)], phi_s[slot], sp[slot])

    def wait_rows(slot):
        pltpu.make_async_copy(q_hbm.at[ii_s[slot].at[pl.ds(0, BLK)]],
                              q_s[slot], sq[slot]).wait()
        pltpu.make_async_copy(kv_hbm.at[ij_s[slot].at[pl.ds(0, BLK)]],
                              kv_s[slot], skv[slot]).wait()
        pltpu.make_async_copy(w_hbm.at[pl.ds(0, BLK)], w_s[slot], sw[slot]).wait()
        pltpu.make_async_copy(phi_hbm.at[pl.ds(0, BLK)], phi_s[slot], sp[slot]).wait()

    def compute(slot):
        qr, kvr, wr, pr = q_s[slot], kv_s[slot], w_s[slot], phi_s[slot]

        @plsc.parallel_loop(0, BLK, unroll=4)
        def edge_body(e):
            pidx = jnp.full((16,), e, jnp.int32)
            psplat = plsc.load_gather(pr, [pidx])
            for h in range(H):
                c0 = h * FH
                c1 = h * FH + 16
                q0 = qr[e, pl.ds(c0, 16)]
                q1 = qr[e, pl.ds(c1, 16)]
                k0 = kvr[e, pl.ds(c0, 16)]
                k1 = kvr[e, pl.ds(c1, 16)]
                w0 = wr[e, pl.ds(c0, 16)]
                w1 = wr[e, pl.ds(c1, 16)]
                sv = q0 * w0 * k0 + q1 * w1 * k1
                a = jnp.sum(sv)
                av = a * psplat
                orows[e, pl.ds(c0, 16)] = av * kvr[e, pl.ds(F + c0, 16)]
                orows[e, pl.ds(c1, 16)] = av * kvr[e, pl.ds(F + c1, 16)]

    fire_idx(0, 0)
    wait_idx(0)
    fire_rows(0, 0)
    fire_idx(1, 1)

    def wait_scatter(slot):
        pltpu.make_async_copy(orows, acc.at[isc_s[slot]], s_sc).wait()

    def step(b, slot):
        nslot = 1 - slot
        wait_rows(slot)

        @pl.when(b + 1 < NBLK)
        def _prefetch():
            wait_idx(nslot)
            fire_rows(b + 1, nslot)

        @pl.when(b > 0)
        def _drain():
            wait_scatter(nslot)

        for g in range(BPAD // 16):
            isc_s[slot][pl.ds(g * 16, 16)] = ii_s[slot][pl.ds(g * 16, 16)]

        @pl.when(b + 2 < NBLK)
        def _previdx():
            fire_idx(b + 2, slot)

        compute(slot)
        pltpu.async_copy(orows, acc.at[isc_s[slot]], s_sc, add=True)

    def pair(p, carry):
        step(2 * p, 0)
        step(2 * p + 1, 1)
        return carry

    lax.fori_loop(0, NBLK // 2, pair, 0)
    wait_scatter(1)
    plsc.subcore_barrier()

    for h in range(H):
        @pl.when(s < NS - 1)
        def _wfull(h=h):
            pltpu.sync_copy(acc.at[pl.ds(s * STRIPE, STRIPE), pl.ds(h * FH, FH)],
                            out_hbm.at[c, h, pl.ds(s * STRIPE, STRIPE)])

        @pl.when(s == NS - 1)
        def _wtail(h=h):
            pltpu.sync_copy(
                acc.at[pl.ds((NS - 1) * STRIPE, TAIL), pl.ds(h * FH, FH)],
                out_hbm.at[c, h, pl.ds((NS - 1) * STRIPE, TAIL)])


def _add_body(p_ref, o_ref):
    o_ref[...] = p_ref[0] + p_ref[1]


def kernel(x, w_ij, phi_r_cut, Wq, Wk, Wv, idx_i, idx_j):
    n = x.shape[0]
    inv = 1.0 / math.sqrt(FH)

    def blockdiag(W, scale):
        Wt = jnp.transpose(W, (0, 2, 1)) * scale
        eye = jnp.eye(H, dtype=W.dtype)
        return jnp.einsum("hio,hg->higo", Wt, eye).reshape(F, F)

    wq_bd = blockdiag(Wq, inv)
    wkv_bd = jnp.concatenate([blockdiag(Wk, 1.0), blockdiag(Wv, 1.0)], axis=1)

    rows_blk = 2000
    grid = n // rows_blk
    q, kv = pl.pallas_call(
        _qkv_body,
        grid=(grid,),
        in_specs=[
            pl.BlockSpec((rows_blk, F), lambda i: (i, 0)),
            pl.BlockSpec((F, F), lambda i: (0, 0)),
            pl.BlockSpec((F, 2 * F), lambda i: (0, 0)),
        ],
        out_specs=[
            pl.BlockSpec((rows_blk, F), lambda i: (i, 0)),
            pl.BlockSpec((rows_blk, 2 * F), lambda i: (i, 0)),
        ],
        out_shape=[jax.ShapeDtypeStruct((n, F), jnp.float32),
                   jax.ShapeDtypeStruct((n, 2 * F), jnp.float32)],
    )(x, wq_bd, wkv_bd)

    phi = phi_r_cut.reshape(-1)
    ii = idx_i.astype(jnp.int32)
    ij = idx_j.astype(jnp.int32)

    mesh = plsc.VectorSubcoreMesh(core_axis_name="c", subcore_axis_name="s",
                                  num_cores=NC, num_subcores=NS)
    edge_kernel = pl.kernel(
        _edge_body,
        out_type=jax.ShapeDtypeStruct((NC, H, n, FH), jnp.float32),
        mesh=mesh,
        compiler_params=pltpu.CompilerParams(
            needs_layout_passes=False, use_tc_tiling_on_sc=False),
        scratch_types=[
            pltpu.VMEM((BPAD,), jnp.int32),
            pltpu.VMEM((BPAD,), jnp.int32),
            pltpu.VMEM((BPAD,), jnp.int32),
            pltpu.VMEM((BPAD,), jnp.int32),
            pltpu.VMEM((BPAD,), jnp.int32),
            pltpu.VMEM((BPAD,), jnp.int32),
            pltpu.VMEM((BLK, F), jnp.float32),
            pltpu.VMEM((BLK, F), jnp.float32),
            pltpu.VMEM((BLK, 2 * F), jnp.float32),
            pltpu.VMEM((BLK, 2 * F), jnp.float32),
            pltpu.VMEM((BLK, F), jnp.float32),
            pltpu.VMEM((BLK, F), jnp.float32),
            pltpu.VMEM((BLK,), jnp.float32),
            pltpu.VMEM((BLK,), jnp.float32),
            pltpu.VMEM((BPAD, F), jnp.float32),
            pltpu.VMEM_SHARED((N_NODES, F), jnp.float32),
            pltpu.SemaphoreType.DMA,
            pltpu.SemaphoreType.DMA,
            pltpu.SemaphoreType.DMA,
            pltpu.SemaphoreType.DMA,
            pltpu.SemaphoreType.DMA,
            pltpu.SemaphoreType.DMA,
            pltpu.SemaphoreType.DMA,
            pltpu.SemaphoreType.DMA,
            pltpu.SemaphoreType.DMA,
            pltpu.SemaphoreType.DMA,
            pltpu.SemaphoreType.DMA,
            pltpu.SemaphoreType.DMA,
            pltpu.SemaphoreType.DMA,
        ],
    )
    partial = edge_kernel(q, kv, w_ij, phi, ii, ij)

    partial_r = partial.reshape(NC, n, F)
    out = pl.pallas_call(
        _add_body,
        grid=(5,),
        in_specs=[pl.BlockSpec((NC, n // 5, F), lambda i: (0, i, 0))],
        out_specs=pl.BlockSpec((n // 5, F), lambda i: (i, 0)),
        out_shape=jax.ShapeDtypeStruct((n, F), jnp.float32),
    )(partial_r)
    return out

# --- scband reference (transcript-rebuilt; emitter-appended) ---
"""Pipeline reference for scband-vmap-conv-attention-62053687492657 (READ-ONLY COPY).

The authoritative reference and input builder live on the scoring server;
editing this copy changes nothing except your own understanding.
"""

import math
import jax, jax.numpy as jnp
import numpy as np

N_NODES = 10000
N_EDGES = 320000
F = 128
H = 4
FH = F // H


def setup_inputs(seed: int = 0) -> dict:
    key = jax.random.key(seed)
    ks = jax.random.split(key, 8)
    x = jax.random.normal(ks[0], (N_NODES, F), dtype=jnp.float32)
    w_ij = jax.random.normal(ks[1], (N_EDGES, F), dtype=jnp.float32)
    idx_i = jax.random.randint(ks[2], (N_EDGES,), 0, N_NODES, dtype=jnp.int64 if jax.config.read('jax_enable_x64') else jnp.int32)
    idx_j = jax.random.randint(ks[3], (N_EDGES,), 0, N_NODES, dtype=jnp.int64 if jax.config.read('jax_enable_x64') else jnp.int32)
    phi_r_cut = jax.random.uniform(ks[4], (N_EDGES, 1), dtype=jnp.float32)
    # per-head Linear weights (torch nn.Linear weight shape: (out, in) = (FH, FH)), no bias
    s = 1.0 / math.sqrt(FH)
    Wq = jax.random.uniform(ks[5], (H, FH, FH), minval=-s, maxval=s, dtype=jnp.float32)
    Wk = jax.random.uniform(ks[6], (H, FH, FH), minval=-s, maxval=s, dtype=jnp.float32)
    Wv = jax.random.uniform(ks[7], (H, FH, FH), minval=-s, maxval=s, dtype=jnp.float32)
    return {"x": x, "w_ij": w_ij, "phi_r_cut": phi_r_cut, "Wq": Wq, "Wk": Wk, "Wv": Wv, "idx_i": idx_i, "idx_j": idx_j}


def reference(x, w_ij, phi_r_cut, Wq, Wk, Wv, idx_i, idx_j):
    n = x.shape[0]
    # split into heads: (H, n, FH) and (H, E, FH)
    x_heads = jnp.transpose(x.reshape(n, H, FH), (1, 0, 2))
    w_heads = jnp.transpose(w_ij.reshape(-1, H, FH), (1, 0, 2))

    def coeff(xh, wh, Wqh, Wkh):
        q_i = jnp.take(xh @ Wqh.T, idx_i, axis=0)
        k_j = jnp.take(xh @ Wkh.T, idx_j, axis=0)
        return (q_i * wh * k_j).sum(axis=-1) / math.sqrt(FH)

    # vmap over heads, stacked at out axis 1 -> (E, H)
    alpha = jax.vmap(coeff, in_axes=(0, 0, 0, 0), out_axes=1)(x_heads, w_heads, Wq, Wk)
    alpha = alpha * phi_r_cut  # (E, H) * (E, 1)
    alpha = alpha.T  # (H, E)

    def agg(xh, ah, Wvh):
        v_j = jnp.take(xh @ Wvh.T, idx_j, axis=0)  # (E, FH)
        y = jax.ops.segment_sum(ah[:, None] * v_j, idx_i, num_segments=n)
        return y

    # vmap over heads, stacked at out axis 1 -> (n, H, FH)
    out = jax.vmap(agg, in_axes=(0, 0, 0), out_axes=1)(x_heads, alpha, Wv)
    # faithful to torch: out.permute(1,0,2).contiguous().view(n, -1)
    x_ = jnp.transpose(out, (1, 0, 2)).reshape(n, -1)
    return x_

if __name__ == "__main__":
    import jax
    _d = setup_inputs()
    print(jax.jit(kernel)(*tuple(_d.values())))

</pallas_src>

<mosaic_0001>
#map = affine_map<(d0, d1) -> (0, 0)>
#map1 = affine_map<(d0, d1) -> (0)>
#map2 = affine_map<(d0, d1) -> (0, 0, 0, 0)>
module attributes {stable_mosaic.version = 14 : i64} {
  func.func @_edge_body(%arg0: i32, %arg1: i32, %arg2: memref<10000x128xf32, #tpu.memory_space<hbm>>, %arg3: memref<10000x256xf32, #tpu.memory_space<hbm>>, %arg4: memref<320000x128xf32, #tpu.memory_space<hbm>>, %arg5: memref<320000xf32, #tpu.memory_space<hbm>>, %arg6: memref<320000xi32, #tpu.memory_space<hbm>>, %arg7: memref<320000xi32, #tpu.memory_space<hbm>>, %arg8: memref<2x4x10000x32xf32, #tpu.memory_space<hbm>>, %arg9: memref<48xi32, #tpu.memory_space<vmem>>, %arg10: memref<48xi32, #tpu.memory_space<vmem>>, %arg11: memref<48xi32, #tpu.memory_space<vmem>>, %arg12: memref<48xi32, #tpu.memory_space<vmem>>, %arg13: memref<48xi32, #tpu.memory_space<vmem>>, %arg14: memref<48xi32, #tpu.memory_space<vmem>>, %arg15: memref<40x128xf32, #tpu.memory_space<vmem>>, %arg16: memref<40x128xf32, #tpu.memory_space<vmem>>, %arg17: memref<40x256xf32, #tpu.memory_space<vmem>>, %arg18: memref<40x256xf32, #tpu.memory_space<vmem>>, %arg19: memref<40x128xf32, #tpu.memory_space<vmem>>, %arg20: memref<40x128xf32, #tpu.memory_space<vmem>>, %arg21: memref<40xf32, #tpu.memory_space<vmem>>, %arg22: memref<40xf32, #tpu.memory_space<vmem>>, %arg23: memref<48x128xf32, #tpu.memory_space<vmem>>, %arg24: memref<10000x128xf32, #tpu.memory_space<vmem_shared>>, %arg25: memref<!tpu.dma_semaphore, #tpu.memory_space<semaphore_mem>>, %arg26: memref<!tpu.dma_semaphore, #tpu.memory_space<semaphore_mem>>, %arg27: memref<!tpu.dma_semaphore, #tpu.memory_space<semaphore_mem>>, %arg28: memref<!tpu.dma_semaphore, #tpu.memory_space<semaphore_mem>>, %arg29: memref<!tpu.dma_semaphore, #tpu.memory_space<semaphore_mem>>, %arg30: memref<!tpu.dma_semaphore, #tpu.memory_space<semaphore_mem>>, %arg31: memref<!tpu.dma_semaphore, #tpu.memory_space<semaphore_mem>>, %arg32: memref<!tpu.dma_semaphore, #tpu.memory_space<semaphore_mem>>, %arg33: memref<!tpu.dma_semaphore, #tpu.memory_space<semaphore_mem>>, %arg34: memref<!tpu.dma_semaphore, #tpu.memory_space<semaphore_mem>>, %arg35: memref<!tpu.dma_semaphore, #tpu.memory_space<semaphore_mem>>, %arg36: memref<!tpu.dma_semaphore, #tpu.memory_space<semaphore_mem>>, %arg37: memref<!tpu.dma_semaphore, #tpu.memory_space<semaphore_mem>>) attributes {dimension_semantics = [#tpu.dimension_semantics<core_parallel>, #tpu.dimension_semantics<subcore_parallel>], iteration_bounds = array<i64: 2, 16>, scalar_prefetch = 0 : i64, scratch_operands = 29 : i64, tpu.core_type = #tpu.core_type<sc_vector_subcore>, window_params = [{transform_indices = #map}, {transform_indices = #map}, {transform_indices = #map}, {transform_indices = #map1}, {transform_indices = #map1}, {transform_indices = #map1}, {transform_indices = #map2}]} {
    %broadcast_in_dim3A = arith.constant 0.000000e+00 : f32
    %broadcast_in_dim3A_0 = vector.broadcast %broadcast_in_dim3A : f32 to vector<16xf32>
    %broadcast_in_dim3A_1 = arith.constant 0 : i32
    %broadcast_in_dim3A_2 = vector.broadcast %broadcast_in_dim3A_1 : i32 to vector<16xi32>
    %scan3A = arith.constant 0 : i32
    %scan3A_3 = arith.constant 0 : i32
    %scan3A_4 = arith.constant 48 : i32
    %scan3A_5 = arith.addi %scan3A_3, %scan3A_4 : i32
    %scan3A_6 = arith.constant 1 : i32
    scf.for %scan3A_131 = %scan3A_3 to %scan3A_5 step %scan3A_6  : i32 {
      %swap3A_132 = arith.index_cast %scan3A_131 : i32 to index
      %swap3A_133 = arith.constant 0 : index
      %swap3A_134 = tpu.vector_load %arg23[%swap3A_132, %swap3A_133] {strides = array<i32>} : memref<48x128xf32, #tpu.memory_space<vmem>>, vector<16xf32>,
      tpu.vector_store %arg23[%swap3A_132, %swap3A_133], %broadcast_in_dim3A_0 {strides = array<i32>} : memref<48x128xf32, #tpu.memory_space<vmem>>, vector<16xf32>,
      %swap3A_135 = arith.index_cast %scan3A_131 : i32 to index
      %swap3A_136 = arith.constant 16 : index
      %swap3A_137 = tpu.vector_load %arg23[%swap3A_135, %swap3A_136] {strides = array<i32>} : memref<48x128xf32, #tpu.memory_space<vmem>>, vector<16xf32>,
      tpu.vector_store %arg23[%swap3A_135, %swap3A_136], %broadcast_in_dim3A_0 {strides = array<i32>} : memref<48x128xf32, #tpu.memory_space<vmem>>, vector<16xf32>,
      %swap3A_138 = arith.index_cast %scan3A_131 : i32 to index
      %swap3A_139 = arith.constant 32 : index
      %swap3A_140 = tpu.vector_load %arg23[%swap3A_138, %swap3A_139] {strides = array<i32>} : memref<48x128xf32, #tpu.memory_space<vmem>>, vector<16xf32>,
      tpu.vector_store %arg23[%swap3A_138, %swap3A_139], %broadcast_in_dim3A_0 {strides = array<i32>} : memref<48x128xf32, #tpu.memory_space<vmem>>, vector<16xf32>,
      %swap3A_141 = arith.index_cast %scan3A_131 : i32 to index
      %swap3A_142 = arith.constant 48 : index
      %swap3A_143 = tpu.vector_load %arg23[%swap3A_141, %swap3A_142] {strides = array<i32>} : memref<48x128xf32, #tpu.memory_space<vmem>>, vector<16xf32>,
      tpu.vector_store %arg23[%swap3A_141, %swap3A_142], %broadcast_in_dim3A_0 {strides = array<i32>} : memref<48x128xf32, #tpu.memory_space<vmem>>, vector<16xf32>,
      %swap3A_144 = arith.index_cast %scan3A_131 : i32 to index
      %swap3A_145 = arith.constant 64 : index
      %swap3A_146 = tpu.vector_load %arg23[%swap3A_144, %swap3A_145] {strides = array<i32>} : memref<48x128xf32, #tpu.memory_space<vmem>>, vector<16xf32>,
      tpu.vector_store %arg23[%swap3A_144, %swap3A_145], %broadcast_in_dim3A_0 {strides = array<i32>} : memref<48x128xf32, #tpu.memory_space<vmem>>, vector<16xf32>,
      %swap3A_147 = arith.index_cast %scan3A_131 : i32 to index
      %swap3A_148 = arith.constant 80 : index
      %swap3A_149 = tpu.vector_load %arg23[%swap3A_147, %swap3A_148] {strides = array<i32>} : memref<48x128xf32, #tpu.memory_space<vmem>>, vector<16xf32>,
      tpu.vector_store %arg23[%swap3A_147, %swap3A_148], %broadcast_in_dim3A_0 {strides = array<i32>} : memref<48x128xf32, #tpu.memory_space<vmem>>, vector<16xf32>,
      %swap3A_150 = arith.index_cast %scan3A_131 : i32 to index
      %swap3A_151 = arith.constant 96 : index
      %swap3A_152 = tpu.vector_load %arg23[%swap3A_150, %swap3A_151] {strides = array<i32>} : memref<48x128xf32, #tpu.memory_space<vmem>>, vector<16xf32>,
      tpu.vector_store %arg23[%swap3A_150, %swap3A_151], %broadcast_in_dim3A_0 {strides = array<i32>} : memref<48x128xf32, #tpu.memory_space<vmem>>, vector<16xf32>,
      %swap3A_153 = arith.index_cast %scan3A_131 : i32 to index
      %swap3A_154 = arith.constant 112 : index
      %swap3A_155 = tpu.vector_load %arg23[%swap3A_153, %swap3A_154] {strides = array<i32>} : memref<48x128xf32, #tpu.memory_space<vmem>>, vector<16xf32>,
      tpu.vector_store %arg23[%swap3A_153, %swap3A_154], %broadcast_in_dim3A_0 {strides = array<i32>} : memref<48x128xf32, #tpu.memory_space<vmem>>, vector<16xf32>,
    }
    %scan3A_7 = arith.constant 48 : i32
    %swap3A = arith.constant 32 : index
    %swap3A_8 = tpu.vector_load %arg9[%swap3A] {strides = array<i32>} : memref<48xi32, #tpu.memory_space<vmem>>, vector<16xi32>,
    tpu.vector_store %arg9[%swap3A], %broadcast_in_dim3A_2 {strides = array<i32>} : memref<48xi32, #tpu.memory_space<vmem>>, vector<16xi32>,
    %swap3A_9 = arith.constant 32 : index
    %swap3A_10 = tpu.vector_load %arg10[%swap3A_9] {strides = array<i32>} : memref<48xi32, #tpu.memory_space<vmem>>, vector<16xi32>,
    tpu.vector_store %arg10[%swap3A_9], %broadcast_in_dim3A_2 {strides = array<i32>} : memref<48xi32, #tpu.memory_space<vmem>>, vector<16xi32>,
    %scan3A_11 = arith.constant 0 : i32
    %scan3A_12 = arith.constant 0 : i32
    %scan3A_13 = arith.constant 39 : i32
    %scan3A_14 = arith.addi %scan3A_12, %scan3A_13 : i32
    %scan3A_15 = arith.constant 1 : i32
    scf.for %scan3A_131 = %scan3A_12 to %scan3A_14 step %scan3A_15  : i32 {
      %mul3A_132 = arith.constant 624 : i32
      %mul3A_133 = arith.muli %arg1, %mul3A_132 : i32
      %mul3A_134 = arith.constant 16 : i32
      %mul3A_135 = arith.muli %scan3A_131, %mul3A_134 : i32
      %add3A_136 = arith.addi %mul3A_133, %mul3A_135 : i32
      "tpu.region"() ({
        %run_scoped3A = tpu.sem_alloc : memref<!tpu.dma_semaphore, #tpu.memory_space<semaphore_mem>>
        %dma_start3A_137 = arith.constant 0 : i32
        %dma_start3A_138 = arith.constant 0 : i32
        %dma_start3A_139 = tpu.memref_slice %arg23[%dma_start3A_137, %dma_start3A_138] : memref<48x128xf32, #tpu.memory_space<vmem>> -> memref<16x128xf32, #tpu.memory_space<vmem>>
        %dma_start3A_140 = arith.constant 0 : i32
        %dma_start3A_141 = tpu.memref_slice %arg24[%add3A_136, %dma_start3A_140] : memref<10000x128xf32, #tpu.memory_space<vmem_shared>> -> memref<16x128xf32, #tpu.memory_space<vmem_shared>>
        %dma_start3A_142 = arith.constant 0 : i32
        %dma_start3A_143 = tpu.memref_slice %arg24[%add3A_136, %dma_start3A_142] : memref<10000x128xf32, #tpu.memory_space<vmem_shared>> -> memref<16x128xf32, #tpu.memory_space<vmem_shared>>
        %dma_start3A_144 = arith.constant 0 : i32
        %dma_start3A_145 = arith.constant 0 : i32
        %dma_start3A_146 = tpu.memref_slice %arg23[%dma_start3A_144, %dma_start3A_145] : memref<48x128xf32, #tpu.memory_space<vmem>> -> memref<16x128xf32, #tpu.memory_space<vmem>>
        tpu.enqueue_dma source(%dma_start3A_146 : memref<16x128xf32, #tpu.memory_space<vmem>>) target(%dma_start3A_143 : memref<16x128xf32, #tpu.memory_space<vmem_shared>>) target_semaphore(%run_scoped3A : memref<!tpu.dma_semaphore, #tpu.memory_space<semaphore_mem>>)
        %dma_wait3A_147 = arith.constant 0 : i32
        %dma_wait3A_148 = arith.constant 0 : i32
        %dma_wait3A_149 = tpu.memref_slice %arg23[%dma_wait3A_147, %dma_wait3A_148] : memref<48x128xf32, #tpu.memory_space<vmem>> -> memref<16x128xf32, #tpu.memory_space<vmem>>
        %dma_wait3A_150 = arith.constant 0 : i32
        %dma_wait3A_151 = tpu.memref_slice %arg24[%add3A_136, %dma_wait3A_150] : memref<10000x128xf32, #tpu.memory_space<vmem_shared>> -> memref<16x128xf32, #tpu.memory_space<vmem_shared>>
        %dma_wait3A_152 = arith.constant 0 : i32
        %dma_wait3A_153 = tpu.memref_slice %arg24[%add3A_136, %dma_wait3A_152] : memref<10000x128xf32, #tpu.memory_space<vmem_shared>> -> memref<16x128xf32, #tpu.memory_space<vmem_shared>>
        %dma_wait3A_154 = arith.constant 0 : i32
        %dma_wait3A_155 = arith.constant 0 : i32
        %dma_wait3A_156 = tpu.memref_slice %arg23[%dma_wait3A_154, %dma_wait3A_155] : memref<48x128xf32, #tpu.memory_space<vmem>> -> memref<16x128xf32, #tpu.memory_space<vmem>>
        tpu.wait_dma2 semaphore(%run_scoped3A : memref<!tpu.dma_semaphore, #tpu.memory_space<semaphore_mem>>) src(%dma_wait3A_156 : memref<16x128xf32, #tpu.memory_space<vmem>>) dst(%dma_wait3A_153 : memref<16x128xf32, #tpu.memory_space<vmem_shared>>)
        tpu.yield
      }) : () -> ()
    }
    %scan3A_16 = arith.constant 39 : i32
    %eq3A = arith.constant 15 : i32
    %eq3A_17 = arith.cmpi eq, %arg1, %eq3A : i32
    %convert_element_type3A = arith.extui %eq3A_17 : i1 to i32
    %cond3A = arith.constant 0 : i32
    %cond3A_18 = arith.cmpi ne, %convert_element_type3A, %cond3A : i32
    scf.if %cond3A_18 {
      %scan3A_131 = arith.constant 0 : i32
      %scan3A_132 = arith.constant 39 : i32
      %mul3A_133 = arith.constant 16 : i32
      %mul3A_134 = arith.muli %scan3A_132, %mul3A_133 : i32
      %add3A_135 = arith.constant 9360 : i32
      %add3A_136 = arith.addi %add3A_135, %mul3A_134 : i32
      "tpu.region"() ({
        %run_scoped3A = tpu.sem_alloc : memref<!tpu.dma_semaphore, #tpu.memory_space<semaphore_mem>>
        %dma_start3A_138 = arith.constant 0 : i32
        %dma_start3A_139 = arith.constant 0 : i32
        %dma_start3A_140 = tpu.memref_slice %arg23[%dma_start3A_138, %dma_start3A_139] : memref<48x128xf32, #tpu.memory_space<vmem>> -> memref<16x128xf32, #tpu.memory_space<vmem>>
        %dma_start3A_141 = arith.constant 0 : i32
        %dma_start3A_142 = tpu.memref_slice %arg24[%add3A_136, %dma_start3A_141] : memref<10000x128xf32, #tpu.memory_space<vmem_shared>> -> memref<16x128xf32, #tpu.memory_space<vmem_shared>>
        %dma_start3A_143 = arith.constant 0 : i32
        %dma_start3A_144 = tpu.memref_slice %arg24[%add3A_136, %dma_start3A_143] : memref<10000x128xf32, #tpu.memory_space<vmem_shared>> -> memref<16x128xf32, #tpu.memory_space<vmem_shared>>
        %dma_start3A_145 = arith.constant 0 : i32
        %dma_start3A_146 = arith.constant 0 : i32
        %dma_start3A_147 = tpu.memref_slice %arg23[%dma_start3A_145, %dma_start3A_146] : memref<48x128xf32, #tpu.memory_space<vmem>> -> memref<16x128xf32, #tpu.memory_space<vmem>>
        tpu.enqueue_dma source(%dma_start3A_147 : memref<16x128xf32, #tpu.memory_space<vmem>>) target(%dma_start3A_144 : memref<16x128xf32, #tpu.memory_space<vmem_shared>>) target_semaphore(%run_scoped3A : memref<!tpu.dma_semaphore, #tpu.memory_space<semaphore_mem>>)
        %dma_wait3A_148 = arith.constant 0 : i32
        %dma_wait3A_149 = arith.constant 0 : i32
        %dma_wait3A_150 = tpu.memref_slice %arg23[%dma_wait3A_148, %dma_wait3A_149] : memref<48x128xf32, #tpu.memory_space<vmem>> -> memref<16x128xf32, #tpu.memory_space<vmem>>
        %dma_wait3A_151 = arith.constant 0 : i32
        %dma_wait3A_152 = tpu.memref_slice %arg24[%add3A_136, %dma_wait3A_151] : memref<10000x128xf32, #tpu.memory_space<vmem_shared>> -> memref<16x128xf32, #tpu.memory_space<vmem_shared>>
        %dma_wait3A_153 = arith.constant 0 : i32
        %dma_wait3A_154 = tpu.memref_slice %arg24[%add3A_136, %dma_wait3A_153] : memref<10000x128xf32, #tpu.memory_space<vmem_shared>> -> memref<16x128xf32, #tpu.memory_space<vmem_shared>>
        %dma_wait3A_155 = arith.constant 0 : i32
        %dma_wait3A_156 = arith.constant 0 : i32
        %dma_wait3A_157 = tpu.memref_slice %arg23[%dma_wait3A_155, %dma_wait3A_156] : memref<48x128xf32, #tpu.memory_space<vmem>> -> memref<16x128xf32, #tpu.memory_space<vmem>>
        tpu.wait_dma2 semaphore(%run_scoped3A : memref<!tpu.dma_semaphore, #tpu.memory_space<semaphore_mem>>) src(%dma_wait3A_157 : memref<16x128xf32, #tpu.memory_space<vmem>>) dst(%dma_wait3A_154 : memref<16x128xf32, #tpu.memory_space<vmem_shared>>)
        tpu.yield
      }) : () -> ()
      %scan3A_137 = arith.constant 1 : i32
    } else {
    }
    %barrier3A = arith.constant 0 : index
    tpu.barrier barrier_id(%barrier3A)
    %mul3A = arith.constant 16 : i32
    %mul3A_19 = arith.muli %arg0, %mul3A : i32
    %add3A = arith.addi %mul3A_19, %arg1 : i32
    %mul3A_20 = arith.constant 10000 : i32
    %mul3A_21 = arith.muli %add3A, %mul3A_20 : i32
    %add3A_22 = arith.constant 0 : i32
    %add3A_23 = arith.addi %mul3A_21, %add3A_22 : i32
    %dma_start3A = arith.constant 0 : i32
    %dma_start3A_24 = tpu.memref_slice %arg9[%dma_start3A] : memref<48xi32, #tpu.memory_space<vmem>> -> memref<40xi32, #tpu.memory_space<vmem>>
    %dma_start3A_25 = tpu.memref_slice %arg6[%add3A_23] : memref<320000xi32, #tpu.memory_space<hbm>> -> memref<40xi32, #tpu.memory_space<hbm>>
    %dma_start3A_26 = arith.constant 0 : i32
    %dma_start3A_27 = tpu.memref_slice %arg9[%dma_start3A_26] : memref<48xi32, #tpu.memory_space<vmem>> -> memref<40xi32, #tpu.memory_space<vmem>>
    %dma_start3A_28 = tpu.memref_slice %arg6[%add3A_23] : memref<320000xi32, #tpu.memory_space<hbm>> -> memref<40xi32, #tpu.memory_space<hbm>>
    tpu.enqueue_dma source(%dma_start3A_28 : memref<40xi32, #tpu.memory_space<hbm>>) target(%dma_start3A_27 : memref<40xi32, #tpu.memory_space<vmem>>) target_semaphore(%arg25 : memref<!tpu.dma_semaphore, #tpu.memory_space<semaphore_mem>>)
    %dma_start3A_29 = arith.constant 0 : i32
    %dma_start3A_30 = tpu.memref_slice %arg11[%dma_start3A_29] : memref<48xi32, #tpu.memory_space<vmem>> -> memref<40xi32, #tpu.memory_space<vmem>>
    %dma_start3A_31 = tpu.memref_slice %arg7[%add3A_23] : memref<320000xi32, #tpu.memory_space<hbm>> -> memref<40xi32, #tpu.memory_space<hbm>>
    %dma_start3A_32 = arith.constant 0 : i32
    %dma_start3A_33 = tpu.memref_slice %arg11[%dma_start3A_32] : memref<48xi32, #tpu.memory_space<vmem>> -> memref<40xi32, #tpu.memory_space<vmem>>
    %dma_start3A_34 = tpu.memref_slice %arg7[%add3A_23] : memref<320000xi32, #tpu.memory_space<hbm>> -> memref<40xi32, #tpu.memory_space<hbm>>
    tpu.enqueue_dma source(%dma_start3A_34 : memref<40xi32, #tpu.memory_space<hbm>>) target(%dma_start3A_33 : memref<40xi32, #tpu.memory_space<vmem>>) target_semaphore(%arg27 : memref<!tpu.dma_semaphore, #tpu.memory_space<semaphore_mem>>)
    %dma_wait3A = arith.constant 0 : i32
    %dma_wait3A_35 = tpu.memref_slice %arg9[%dma_wait3A] : memref<48xi32, #tpu.memory_space<vmem>> -> memref<40xi32, #tpu.memory_space<vmem>>
    %dma_wait3A_36 = arith.constant 0 : i32
    %dma_wait3A_37 = tpu.memref_slice %arg6[%dma_wait3A_36] : memref<320000xi32, #tpu.memory_space<hbm>> -> memref<40xi32, #tpu.memory_space<hbm>>
    %dma_wait3A_38 = arith.constant 0 : i32
    %dma_wait3A_39 = tpu.memref_slice %arg9[%dma_wait3A_38] : memref<48xi32, #tpu.memory_space<vmem>> -> memref<40xi32, #tpu.memory_space<vmem>>
    %dma_wait3A_40 = arith.constant 0 : i32
    %dma_wait3A_41 = tpu.memref_slice %arg6[%dma_wait3A_40] : memref<320000xi32, #tpu.memory_space<hbm>> -> memref<40xi32, #tpu.memory_space<hbm>>
    tpu.wait_dma2 semaphore(%arg25 : memref<!tpu.dma_semaphore, #tpu.memory_space<semaphore_mem>>) src(%dma_wait3A_41 : memref<40xi32, #tpu.memory_space<hbm>>) dst(%dma_wait3A_39 : memref<40xi32, #tpu.memory_space<vmem>>)
    %dma_wait3A_42 = arith.constant 0 : i32
    %dma_wait3A_43 = tpu.memref_slice %arg11[%dma_wait3A_42] : memref<48xi32, #tpu.memory_space<vmem>> -> memref<40xi32, #tpu.memory_space<vmem>>
    %dma_wait3A_44 = arith.constant 0 : i32
    %dma_wait3A_45 = tpu.memref_slice %arg7[%dma_wait3A_44] : memref<320000xi32, #tpu.memory_space<hbm>> -> memref<40xi32, #tpu.memory_space<hbm>>
    %dma_wait3A_46 = arith.constant 0 : i32
    %dma_wait3A_47 = tpu.memref_slice %arg11[%dma_wait3A_46] : memref<48xi32, #tpu.memory_space<vmem>> -> memref<40xi32, #tpu.memory_space<vmem>>
    %dma_wait3A_48 = arith.constant 0 : i32
    %dma_wait3A_49 = tpu.memref_slice %arg7[%dma_wait3A_48] : memref<320000xi32, #tpu.memory_space<hbm>> -> memref<40xi32, #tpu.memory_space<hbm>>
    tpu.wait_dma2 semaphore(%arg27 : memref<!tpu.dma_semaphore, #tpu.memory_space<semaphore_mem>>) src(%dma_wait3A_49 : memref<40xi32, #tpu.memory_space<hbm>>) dst(%dma_wait3A_47 : memref<40xi32, #tpu.memory_space<vmem>>)
    %add3A_50 = arith.constant 0 : i32
    %add3A_51 = arith.addi %mul3A_21, %add3A_50 : i32
    %dma_start3A_52 = arith.constant 0 : i32
    %dma_start3A_53 = tpu.memref_slice %arg9[%dma_start3A_52] : memref<48xi32, #tpu.memory_space<vmem>> -> memref<40xi32, #tpu.memory_space<vmem>>
    %dma_start3A_54 = arith.constant 0 : i32
    %dma_start3A_55 = arith.constant 0 : i32
    %dma_start3A_56 = tpu.memref_slice %arg2[%dma_start3A_54, %dma_start3A_55] : memref<10000x128xf32, #tpu.memory_space<hbm>> -> memref<10000x128xf32, #tpu.memory_space<hbm>>
    tpu.enqueue_indirect_dma source(%dma_start3A_56 : memref<10000x128xf32, #tpu.memory_space<hbm>>) target(%arg15 : memref<40x128xf32, #tpu.memory_space<vmem>>) offsets(%dma_start3A_53 : memref<40xi32, #tpu.memory_space<vmem>>) semaphore(%arg29 : memref<!tpu.dma_semaphore, #tpu.memory_space<semaphore_mem>>)
    %dma_start3A_57 = arith.constant 0 : i32
    %dma_start3A_58 = tpu.memref_slice %arg11[%dma_start3A_57] : memref<48xi32, #tpu.memory_space<vmem>> -> memref<40xi32, #tpu.memory_space<vmem>>
    %dma_start3A_59 = arith.constant 0 : i32
    %dma_start3A_60 = arith.constant 0 : i32
    %dma_start3A_61 = tpu.memref_slice %arg3[%dma_start3A_59, %dma_start3A_60] : memref<10000x256xf32, #tpu.memory_space<hbm>> -> memref<10000x256xf32, #tpu.memory_space<hbm>>
    tpu.enqueue_indirect_dma source(%dma_start3A_61 : memref<10000x256xf32, #tpu.memory_space<hbm>>) target(%arg17 : memref<40x256xf32, #tpu.memory_space<vmem>>) offsets(%dma_start3A_58 : memref<40xi32, #tpu.memory_space<vmem>>) semaphore(%arg31 : memref<!tpu.dma_semaphore, #tpu.memory_space<semaphore_mem>>)
    %dma_start3A_62 = arith.constant 0 : i32
    %dma_start3A_63 = tpu.memref_slice %arg4[%add3A_51, %dma_start3A_62] : memref<320000x128xf32, #tpu.memory_space<hbm>> -> memref<40x128xf32, #tpu.memory_space<hbm>>
    %dma_start3A_64 = arith.constant 0 : i32
    %dma_start3A_65 = tpu.memref_slice %arg4[%add3A_51, %dma_start3A_64] : memref<320000x128xf32, #tpu.memory_space<hbm>> -> memref<40x128xf32, #tpu.memory_space<hbm>>
    tpu.enqueue_dma source(%dma_start3A_65 : memref<40x128xf32, #tpu.memory_space<hbm>>) target(%arg19 : memref<40x128xf32, #tpu.memory_space<vmem>>) target_semaphore(%arg33 : memref<!tpu.dma_semaphore, #tpu.memory_space<semaphore_mem>>)
    %dma_start3A_66 = tpu.memref_slice %arg5[%add3A_51] : memref<320000xf32, #tpu.memory_space<hbm>> -> memref<40xf32, #tpu.memory_space<hbm>>
    %dma_start3A_67 = tpu.memref_slice %arg5[%add3A_51] : memref<320000xf32, #tpu.memory_space<hbm>> -> memref<40xf32, #tpu.memory_space<hbm>>
    tpu.enqueue_dma source(%dma_start3A_67 : memref<40xf32, #tpu.memory_space<hbm>>) target(%arg21 : memref<40xf32, #tpu.memory_space<vmem>>) target_semaphore(%arg35 : memref<!tpu.dma_semaphore, #tpu.memory_space<semaphore_mem>>)
    %add3A_68 = arith.constant 40 : i32
    %add3A_69 = arith.addi %mul3A_21, %add3A_68 : i32
    %dma_start3A_70 = arith.constant 0 : i32
    %dma_start3A_71 = tpu.memref_slice %arg10[%dma_start3A_70] : memref<48xi32, #tpu.memory_space<vmem>> -> memref<40xi32, #tpu.memory_space<vmem>>
    %dma_start3A_72 = tpu.memref_slice %arg6[%add3A_69] : memref<320000xi32, #tpu.memory_space<hbm>> -> memref<40xi32, #tpu.memory_space<hbm>>
    %dma_start3A_73 = arith.constant 0 : i32
    %dma_start3A_74 = tpu.memref_slice %arg10[%dma_start3A_73] : memref<48xi32, #tpu.memory_space<vmem>> -> memref<40xi32, #tpu.memory_space<vmem>>
    %dma_start3A_75 = tpu.memref_slice %arg6[%add3A_69] : memref<320000xi32, #tpu.memory_space<hbm>> -> memref<40xi32, #tpu.memory_space<hbm>>
    tpu.enqueue_dma source(%dma_start3A_75 : memref<40xi32, #tpu.memory_space<hbm>>) target(%dma_start3A_74 : memref<40xi32, #tpu.memory_space<vmem>>) target_semaphore(%arg26 : memref<!tpu.dma_semaphore, #tpu.memory_space<semaphore_mem>>)
    %dma_start3A_76 = arith.constant 0 : i32
    %dma_start3A_77 = tpu.memref_slice %arg12[%dma_start3A_76] : memref<48xi32, #tpu.memory_space<vmem>> -> memref<40xi32, #tpu.memory_space<vmem>>
    %dma_start3A_78 = tpu.memref_slice %arg7[%add3A_69] : memref<320000xi32, #tpu.memory_space<hbm>> -> memref<40xi32, #tpu.memory_space<hbm>>
    %dma_start3A_79 = arith.constant 0 : i32
    %dma_start3A_80 = tpu.memref_slice %arg12[%dma_start3A_79] : memref<48xi32, #tpu.memory_space<vmem>> -> memref<40xi32, #tpu.memory_space<vmem>>
    %dma_start3A_81 = tpu.memref_slice %arg7[%add3A_69] : memref<320000xi32, #tpu.memory_space<hbm>> -> memref<40xi32, #tpu.memory_space<hbm>>
    tpu.enqueue_dma source(%dma_start3A_81 : memref<40xi32, #tpu.memory_space<hbm>>) target(%dma_start3A_80 : memref<40xi32, #tpu.memory_space<vmem>>) target_semaphore(%arg28 : memref<!tpu.dma_semaphore, #tpu.memory_space<semaphore_mem>>)
    %scan3A_82 = arith.constant 0 : i32
    %scan3A_83 = arith.constant 0 : i32
    %scan3A_84 = arith.constant 125 : i32
    %scan3A_85 = arith.addi %scan3A_83, %scan3A_84 : i32
    %scan3A_86 = arith.constant 1 : i32
    scf.for %scan3A_131 = %scan3A_83 to %scan3A_85 step %scan3A_86  : i32 {
      %mul3A_132 = arith.constant 2 : i32
      %mul3A_133 = arith.muli %mul3A_132, %scan3A_131 : i32
      %dma_wait3A_134 = arith.constant 0 : i32
      %dma_wait3A_135 = tpu.memref_slice %arg9[%dma_wait3A_134] : memref<48xi32, #tpu.memory_space<vmem>> -> memref<40xi32, #tpu.memory_space<vmem>>
      %dma_wait3A_136 = arith.constant 0 : i32
      %dma_wait3A_137 = arith.constant 0 : i32
      %dma_wait3A_138 = tpu.memref_slice %arg2[%dma_wait3A_136, %dma_wait3A_137] : memref<10000x128xf32, #tpu.memory_space<hbm>> -> memref<10000x128xf32, #tpu.memory_space<hbm>>
      tpu.wait_indirect_dma semaphore(%arg29 : memref<!tpu.dma_semaphore, #tpu.memory_space<semaphore_mem>>) src(%dma_wait3A_138 : memref<10000x128xf32, #tpu.memory_space<hbm>>) dst(%arg15 : memref<40x128xf32, #tpu.memory_space<vmem>>)
      %dma_wait3A_139 = arith.constant 0 : i32
      %dma_wait3A_140 = tpu.memref_slice %arg11[%dma_wait3A_139] : memref<48xi32, #tpu.memory_space<vmem>> -> memref<40xi32, #tpu.memory_space<vmem>>
      %dma_wait3A_141 = arith.constant 0 : i32
      %dma_wait3A_142 = arith.constant 0 : i32
      %dma_wait3A_143 = tpu.memref_slice %arg3[%dma_wait3A_141, %dma_wait3A_142] : memref<10000x256xf32, #tpu.memory_space<hbm>> -> memref<10000x256xf32, #tpu.memory_space<hbm>>
      tpu.wait_indirect_dma semaphore(%arg31 : memref<!tpu.dma_semaphore, #tpu.memory_space<semaphore_mem>>) src(%dma_wait3A_143 : memref<10000x256xf32, #tpu.memory_space<hbm>>) dst(%arg17 : memref<40x256xf32, #tpu.memory_space<vmem>>)
      %dma_wait3A_144 = arith.constant 0 : i32
      %dma_wait3A_145 = arith.constant 0 : i32
      %dma_wait3A_146 = tpu.memref_slice %arg4[%dma_wait3A_144, %dma_wait3A_145] : memref<320000x128xf32, #tpu.memory_space<hbm>> -> memref<40x128xf32, #tpu.memory_space<hbm>>
      %dma_wait3A_147 = arith.constant 0 : i32
      %dma_wait3A_148 = arith.constant 0 : i32
      %dma_wait3A_149 = tpu.memref_slice %arg4[%dma_wait3A_147, %dma_wait3A_148] : memref<320000x128xf32, #tpu.memory_space<hbm>> -> memref<40x128xf32, #tpu.memory_space<hbm>>
      tpu.wait_dma2 semaphore(%arg33 : memref<!tpu.dma_semaphore, #tpu.memory_space<semaphore_mem>>) src(%dma_wait3A_149 : memref<40x128xf32, #tpu.memory_space<hbm>>) dst(%arg19 : memref<40x128xf32, #tpu.memory_space<vmem>>)
      %dma_wait3A_150 = arith.constant 0 : i32
      %dma_wait3A_151 = tpu.memref_slice %arg5[%dma_wait3A_150] : memref<320000xf32, #tpu.memory_space<hbm>> -> memref<40xf32, #tpu.memory_space<hbm>>
      %dma_wait3A_152 = arith.constant 0 : i32
      %dma_wait3A_153 = tpu.memref_slice %arg5[%dma_wait3A_152] : memref<320000xf32, #tpu.memory_space<hbm>> -> memref<40xf32, #tpu.memory_space<hbm>>
      tpu.wait_dma2 semaphore(%arg35 : memref<!tpu.dma_semaphore, #tpu.memory_space<semaphore_mem>>) src(%dma_wait3A_153 : memref<40xf32, #tpu.memory_space<hbm>>) dst(%arg21 : memref<40xf32, #tpu.memory_space<vmem>>)
      %add3A_154 = arith.constant 1 : i32
      %add3A_155 = arith.addi %mul3A_133, %add3A_154 : i32
      %lt3A_156 = arith.constant 250 : i32
      %lt3A_157 = arith.cmpi slt, %add3A_155, %lt3A_156 : i32
      %convert_element_type3A_158 = arith.extui %lt3A_157 : i1 to i32
      %cond3A_159 = arith.constant 0 : i32
      %cond3A_160 = arith.cmpi ne, %convert_element_type3A_158, %cond3A_159 : i32
      scf.if %cond3A_160 {
        %dma_wait3A_249 = arith.constant 0 : i32
        %dma_wait3A_250 = tpu.memref_slice %arg10[%dma_wait3A_249] : memref<48xi32, #tpu.memory_space<vmem>> -> memref<40xi32, #tpu.memory_space<vmem>>
        %dma_wait3A_251 = arith.constant 0 : i32
        %dma_wait3A_252 = tpu.memref_slice %arg6[%dma_wait3A_251] : memref<320000xi32, #tpu.memory_space<hbm>> -> memref<40xi32, #tpu.memory_space<hbm>>
        %dma_wait3A_253 = arith.constant 0 : i32
        %dma_wait3A_254 = tpu.memref_slice %arg10[%dma_wait3A_253] : memref<48xi32, #tpu.memory_space<vmem>> -> memref<40xi32, #tpu.memory_space<vmem>>
        %dma_wait3A_255 = arith.constant 0 : i32
        %dma_wait3A_256 = tpu.memref_slice %arg6[%dma_wait3A_255] : memref<320000xi32, #tpu.memory_space<hbm>> -> memref<40xi32, #tpu.memory_space<hbm>>
        tpu.wait_dma2 semaphore(%arg26 : memref<!tpu.dma_semaphore, #tpu.memory_space<semaphore_mem>>) src(%dma_wait3A_256 : memref<40xi32, #tpu.memory_space<hbm>>) dst(%dma_wait3A_254 : memref<40xi32, #tpu.memory_space<vmem>>)
        %dma_wait3A_257 = arith.constant 0 : i32
        %dma_wait3A_258 = tpu.memref_slice %arg12[%dma_wait3A_257] : memref<48xi32, #tpu.memory_space<vmem>> -> memref<40xi32, #tpu.memory_space<vmem>>
        %dma_wait3A_259 = arith.constant 0 : i32
        %dma_wait3A_260 = tpu.memref_slice %arg7[%dma_wait3A_259] : memref<320000xi32, #tpu.memory_space<hbm>> -> memref<40xi32, #tpu.memory_space<hbm>>
        %dma_wait3A_261 = arith.constant 0 : i32
        %dma_wait3A_262 = tpu.memref_slice %arg12[%dma_wait3A_261] : memref<48xi32, #tpu.memory_space<vmem>> -> memref<40xi32, #tpu.memory_space<vmem>>
        %dma_wait3A_263 = arith.constant 0 : i32
        %dma_wait3A_264 = tpu.memref_slice %arg7[%dma_wait3A_263] : memref<320000xi32, #tpu.memory_space<hbm>> -> memref<40xi32, #tpu.memory_space<hbm>>
        tpu.wait_dma2 semaphore(%arg28 : memref<!tpu.dma_semaphore, #tpu.memory_space<semaphore_mem>>) src(%dma_wait3A_264 : memref<40xi32, #tpu.memory_space<hbm>>) dst(%dma_wait3A_262 : memref<40xi32, #tpu.memory_space<vmem>>)
        %add3A_265 = arith.constant 1 : i32
        %add3A_266 = arith.addi %mul3A_133, %add3A_265 : i32
        %mul3A_267 = arith.constant 40 : i32
        %mul3A_268 = arith.muli %add3A_266, %mul3A_267 : i32
        %add3A_269 = arith.addi %mul3A_21, %mul3A_268 : i32
        %dma_start3A_270 = arith.constant 0 : i32
        %dma_start3A_271 = tpu.memref_slice %arg10[%dma_start3A_270] : memref<48xi32, #tpu.memory_space<vmem>> -> memref<40xi32, #tpu.memory_space<vmem>>
        %dma_start3A_272 = arith.constant 0 : i32
        %dma_start3A_273 = arith.constant 0 : i32
        %dma_start3A_274 = tpu.memref_slice %arg2[%dma_start3A_272, %dma_start3A_273] : memref<10000x128xf32, #tpu.memory_space<hbm>> -> memref<10000x128xf32, #tpu.memory_space<hbm>>
        tpu.enqueue_indirect_dma source(%dma_start3A_274 : memref<10000x128xf32, #tpu.memory_space<hbm>>) target(%arg16 : memref<40x128xf32, #tpu.memory_space<vmem>>) offsets(%dma_start3A_271 : memref<40xi32, #tpu.memory_space<vmem>>) semaphore(%arg30 : memref<!tpu.dma_semaphore, #tpu.memory_space<semaphore_mem>>)
        %dma_start3A_275 = arith.constant 0 : i32
        %dma_start3A_276 = tpu.memref_slice %arg12[%dma_start3A_275] : memref<48xi32, #tpu.memory_space<vmem>> -> memref<40xi32, #tpu.memory_space<vmem>>
        %dma_start3A_277 = arith.constant 0 : i32
        %dma_start3A_278 = arith.constant 0 : i32
        %dma_start3A_279 = tpu.memref_slice %arg3[%dma_start3A_277, %dma_start3A_278] : memref<10000x256xf32, #tpu.memory_space<hbm>> -> memref<10000x256xf32, #tpu.memory_space<hbm>>
        tpu.enqueue_indirect_dma source(%dma_start3A_279 : memref<10000x256xf32, #tpu.memory_space<hbm>>) target(%arg18 : memref<40x256xf32, #tpu.memory_space<vmem>>) offsets(%dma_start3A_276 : memref<40xi32, #tpu.memory_space<vmem>>) semaphore(%arg32 : memref<!tpu.dma_semaphore, #tpu.memory_space<semaphore_mem>>)
        %dma_start3A_280 = arith.constant 0 : i32
        %dma_start3A_281 = tpu.memref_slice %arg4[%add3A_269, %dma_start3A_280] : memref<320000x128xf32, #tpu.memory_space<hbm>> -> memref<40x128xf32, #tpu.memory_space<hbm>>
        %dma_start3A_282 = arith.constant 0 : i32
        %dma_start3A_283 = tpu.memref_slice %arg4[%add3A_269, %dma_start3A_282] : memref<320000x128xf32, #tpu.memory_space<hbm>> -> memref<40x128xf32, #tpu.memory_space<hbm>>
        tpu.enqueue_dma source(%dma_start3A_283 : memref<40x128xf32, #tpu.memory_space<hbm>>) target(%arg20 : memref<40x128xf32, #tpu.memory_space<vmem>>) target_semaphore(%arg34 : memref<!tpu.dma_semaphore, #tpu.memory_space<semaphore_mem>>)
        %dma_start3A_284 = tpu.memref_slice %arg5[%add3A_269] : memref<320000xf32, #tpu.memory_space<hbm>> -> memref<40xf32, #tpu.memory_space<hbm>>
        %dma_start3A_285 = tpu.memref_slice %arg5[%add3A_269] : memref<320000xf32, #tpu.memory_space<hbm>> -> memref<40xf32, #tpu.memory_space<hbm>>
        tpu.enqueue_dma source(%dma_start3A_285 : memref<40xf32, #tpu.memory_space<hbm>>) target(%arg22 : memref<40xf32, #tpu.memory_space<vmem>>) target_semaphore(%arg36 : memref<!tpu.dma_semaphore, #tpu.memory_space<semaphore_mem>>)
      } else {
      }
      %gt3A = arith.constant 0 : i32
      %gt3A_161 = arith.cmpi sgt, %mul3A_133, %gt3A : i32
      %convert_element_type3A_162 = arith.extui %gt3A_161 : i1 to i32
      %cond3A_163 = arith.constant 0 : i32
      %cond3A_164 = arith.cmpi ne, %convert_element_type3A_162, %cond3A_163 : i32
      scf.if %cond3A_164 {
        %dma_wait3A_249 = arith.constant 0 : i32
        %dma_wait3A_250 = arith.constant 0 : i32
        %dma_wait3A_251 = tpu.memref_slice %arg24[%dma_wait3A_249, %dma_wait3A_250] : memref<10000x128xf32, #tpu.memory_space<vmem_shared>> -> memref<10000x128xf32, #tpu.memory_space<vmem_shared>>
        tpu.wait_indirect_dma semaphore(%arg37 : memref<!tpu.dma_semaphore, #tpu.memory_space<semaphore_mem>>) src(%arg23 : memref<48x128xf32, #tpu.memory_space<vmem>>) dst(%dma_wait3A_251 : memref<10000x128xf32, #tpu.memory_space<vmem_shared>>)
      } else {
      }
      %get3A = arith.constant 0 : index
      %get3A_165 = tpu.vector_load %arg9[%get3A] {strides = array<i32>} : memref<48xi32, #tpu.memory_space<vmem>>, vector<16xi32>,
      %swap3A_166 = arith.constant 0 : index
      %swap3A_167 = tpu.vector_load %arg13[%swap3A_166] {strides = array<i32>} : memref<48xi32, #tpu.memory_space<vmem>>, vector<16xi32>,
      tpu.vector_store %arg13[%swap3A_166], %get3A_165 {strides = array<i32>} : memref<48xi32, #tpu.memory_space<vmem>>, vector<16xi32>,
      %get3A_168 = arith.constant 16 : index
      %get3A_169 = tpu.vector_load %arg9[%get3A_168] {strides = array<i32>} : memref<48xi32, #tpu.memory_space<vmem>>, vector<16xi32>,
      %swap3A_170 = arith.constant 16 : index
      %swap3A_171 = tpu.vector_load %arg13[%swap3A_170] {strides = array<i32>} : memref<48xi32, #tpu.memory_space<vmem>>, vector<16xi32>,
      tpu.vector_store %arg13[%swap3A_170], %get3A_169 {strides = array<i32>} : memref<48xi32, #tpu.memory_space<vmem>>, vector<16xi32>,
      %get3A_172 = arith.constant 32 : index
      %get3A_173 = tpu.vector_load %arg9[%get3A_172] {strides = array<i32>} : memref<48xi32, #tpu.memory_space<vmem>>, vector<16xi32>,
      %swap3A_174 = arith.constant 32 : index
      %swap3A_175 = tpu.vector_load %arg13[%swap3A_174] {strides = array<i32>} : memref<48xi32, #tpu.memory_space<vmem>>, vector<16xi32>,
      tpu.vector_store %arg13[%swap3A_174], %get3A_173 {strides = array<i32>} : memref<48xi32, #tpu.memory_space<vmem>>, vector<16xi32>,
      %add3A_176 = arith.constant 2 : i32
      %add3A_177 = arith.addi %mul3A_133, %add3A_176 : i32
      %lt3A_178 = arith.constant 250 : i32
      %lt3A_179 = arith.cmpi slt, %add3A_177, %lt3A_178 : i32
      %convert_element_type3A_180 = arith.extui %lt3A_179 : i1 to i32
      %cond3A_181 = arith.constant 0 : i32
      %cond3A_182 = arith.cmpi ne, %convert_element_type3A_180, %cond3A_181 : i32
      scf.if %cond3A_182 {
        %add3A_249 = arith.constant 2 : i32
        %add3A_250 = arith.addi %mul3A_133, %add3A_249 : i32
        %mul3A_251 = arith.constant 40 : i32
        %mul3A_252 = arith.muli %add3A_250, %mul3A_251 : i32
        %add3A_253 = arith.addi %mul3A_21, %mul3A_252 : i32
        %dma_start3A_254 = arith.constant 0 : i32
        %dma_start3A_255 = tpu.memref_slice %arg9[%dma_start3A_254] : memref<48xi32, #tpu.memory_space<vmem>> -> memref<40xi32, #tpu.memory_space<vmem>>
        %dma_start3A_256 = tpu.memref_slice %arg6[%add3A_253] : memref<320000xi32, #tpu.memory_space<hbm>> -> memref<40xi32, #tpu.memory_space<hbm>>
        %dma_start3A_257 = arith.constant 0 : i32
        %dma_start3A_258 = tpu.memref_slice %arg9[%dma_start3A_257] : memref<48xi32, #tpu.memory_space<vmem>> -> memref<40xi32, #tpu.memory_space<vmem>>
        %dma_start3A_259 = tpu.memref_slice %arg6[%add3A_253] : memref<320000xi32, #tpu.memory_space<hbm>> -> memref<40xi32, #tpu.memory_space<hbm>>
        tpu.enqueue_dma source(%dma_start3A_259 : memref<40xi32, #tpu.memory_space<hbm>>) target(%dma_start3A_258 : memref<40xi32, #tpu.memory_space<vmem>>) target_semaphore(%arg25 : memref<!tpu.dma_semaphore, #tpu.memory_space<semaphore_mem>>)
        %dma_start3A_260 = arith.constant 0 : i32
        %dma_start3A_261 = tpu.memref_slice %arg11[%dma_start3A_260] : memref<48xi32, #tpu.memory_space<vmem>> -> memref<40xi32, #tpu.memory_space<vmem>>
        %dma_start3A_262 = tpu.memref_slice %arg7[%add3A_253] : memref<320000xi32, #tpu.memory_space<hbm>> -> memref<40xi32, #tpu.memory_space<hbm>>
        %dma_start3A_263 = arith.constant 0 : i32
        %dma_start3A_264 = tpu.memref_slice %arg11[%dma_start3A_263] : memref<48xi32, #tpu.memory_space<vmem>> -> memref<40xi32, #tpu.memory_space<vmem>>
        %dma_start3A_265 = tpu.memref_slice %arg7[%add3A_253] : memref<320000xi32, #tpu.memory_space<hbm>> -> memref<40xi32, #tpu.memory_space<hbm>>
        tpu.enqueue_dma source(%dma_start3A_265 : memref<40xi32, #tpu.memory_space<hbm>>) target(%dma_start3A_264 : memref<40xi32, #tpu.memory_space<vmem>>) target_semaphore(%arg27 : memref<!tpu.dma_semaphore, #tpu.memory_space<semaphore_mem>>)
      } else {
      }
      %parallel_loop3A = arith.constant 0 : i32
      %parallel_loop3A_183 = arith.constant 40 : i32
      %parallel_loop3A_184 = arith.constant 1 : i32
      scf.for %parallel_loop3A_249 = %parallel_loop3A to %parallel_loop3A_183 step %parallel_loop3A_184  : i32 {
        %parallel_loop3A_250 = vector.broadcast %parallel_loop3A_249 : i32 to vector<16xi32>
        %parallel_loop3A_251 = tpu.vector_load_idx %arg21[%parallel_loop3A_250] : memref<40xf32, #tpu.memory_space<vmem>>[vector<16xi32>], vector<16xf32>,
        %parallel_loop3A_252 = arith.index_cast %parallel_loop3A_249 : i32 to index
        %parallel_loop3A_253 = arith.constant 0 : index
        %parallel_loop3A_254 = tpu.vector_load %arg15[%parallel_loop3A_252, %parallel_loop3A_253] {strides = array<i32>} : memref<40x128xf32, #tpu.memory_space<vmem>>, vector<16xf32>,
        %parallel_loop3A_255 = arith.index_cast %parallel_loop3A_249 : i32 to index
        %parallel_loop3A_256 = arith.constant 16 : index
        %parallel_loop3A_257 = tpu.vector_load %arg15[%parallel_loop3A_255, %parallel_loop3A_256] {strides = array<i32>} : memref<40x128xf32, #tpu.memory_space<vmem>>, vector<16xf32>,
        %parallel_loop3A_258 = arith.index_cast %parallel_loop3A_249 : i32 to index
        %parallel_loop3A_259 = arith.constant 0 : index
        %parallel_loop3A_260 = tpu.vector_load %arg17[%parallel_loop3A_258, %parallel_loop3A_259] {strides = array<i32>} : memref<40x256xf32, #tpu.memory_space<vmem>>, vector<16xf32>,
        %parallel_loop3A_261 = arith.index_cast %parallel_loop3A_249 : i32 to index
        %parallel_loop3A_262 = arith.constant 16 : index
        %parallel_loop3A_263 = tpu.vector_load %arg17[%parallel_loop3A_261, %parallel_loop3A_262] {strides = array<i32>} : memref<40x256xf32, #tpu.memory_space<vmem>>, vector<16xf32>,
        %parallel_loop3A_264 = arith.index_cast %parallel_loop3A_249 : i32 to index
        %parallel_loop3A_265 = arith.constant 0 : index
        %parallel_loop3A_266 = tpu.vector_load %arg19[%parallel_loop3A_264, %parallel_loop3A_265] {strides = array<i32>} : memref<40x128xf32, #tpu.memory_space<vmem>>, vector<16xf32>,
        %parallel_loop3A_267 = arith.index_cast %parallel_loop3A_249 : i32 to index
        %parallel_loop3A_268 = arith.constant 16 : index
        %parallel_loop3A_269 = tpu.vector_load %arg19[%parallel_loop3A_267, %parallel_loop3A_268] {strides = array<i32>} : memref<40x128xf32, #tpu.memory_space<vmem>>, vector<16xf32>,
        %parallel_loop3A_270 = arith.mulf %parallel_loop3A_254, %parallel_loop3A_266 : vector<16xf32>
        %parallel_loop3A_271 = arith.mulf %parallel_loop3A_270, %parallel_loop3A_260 : vector<16xf32>
        %parallel_loop3A_272 = arith.mulf %parallel_loop3A_257, %parallel_loop3A_269 : vector<16xf32>
        %parallel_loop3A_273 = arith.mulf %parallel_loop3A_272, %parallel_loop3A_263 : vector<16xf32>
        %parallel_loop3A_274 = arith.addf %parallel_loop3A_271, %parallel_loop3A_273 : vector<16xf32>
        %parallel_loop3A_275 = arith.constant true
        %parallel_loop3A_276 = vector.broadcast %parallel_loop3A_275 : i1 to vector<16xi1>
        %parallel_loop3A_277 = tpu.scan <sum>, %parallel_loop3A_274 masked %parallel_loop3A_276 : vector<16xf32>, vector<16xi1> -> vector<16xf32>
        %parallel_loop3A_278 = vector.extract %parallel_loop3A_277[15] : f32 from vector<16xf32>
        %parallel_loop3A_279 = vector.broadcast %parallel_loop3A_278 : f32 to vector<16xf32>
        %parallel_loop3A_280 = arith.mulf %parallel_loop3A_279, %parallel_loop3A_251 : vector<16xf32>
        %parallel_loop3A_281 = arith.index_cast %parallel_loop3A_249 : i32 to index
        %parallel_loop3A_282 = arith.constant 128 : index
        %parallel_loop3A_283 = tpu.vector_load %arg17[%parallel_loop3A_281, %parallel_loop3A_282] {strides = array<i32>} : memref<40x256xf32, #tpu.memory_space<vmem>>, vector<16xf32>,
        %parallel_loop3A_284 = arith.mulf %parallel_loop3A_280, %parallel_loop3A_283 : vector<16xf32>
        %parallel_loop3A_285 = arith.index_cast %parallel_loop3A_249 : i32 to index
        %parallel_loop3A_286 = arith.constant 0 : index
        %parallel_loop3A_287 = tpu.vector_load %arg23[%parallel_loop3A_285, %parallel_loop3A_286] {strides = array<i32>} : memref<48x128xf32, #tpu.memory_space<vmem>>, vector<16xf32>,
        tpu.vector_store %arg23[%parallel_loop3A_285, %parallel_loop3A_286], %parallel_loop3A_284 {strides = array<i32>} : memref<48x128xf32, #tpu.memory_space<vmem>>, vector<16xf32>,
        %parallel_loop3A_288 = arith.index_cast %parallel_loop3A_249 : i32 to index
        %parallel_loop3A_289 = arith.constant 144 : index
        %parallel_loop3A_290 = tpu.vector_load %arg17[%parallel_loop3A_288, %parallel_loop3A_289] {strides = array<i32>} : memref<40x256xf32, #tpu.memory_space<vmem>>, vector<16xf32>,
        %parallel_loop3A_291 = arith.mulf %parallel_loop3A_280, %parallel_loop3A_290 : vector<16xf32>
        %parallel_loop3A_292 = arith.index_cast %parallel_loop3A_249 : i32 to index
        %parallel_loop3A_293 = arith.constant 16 : index
        %parallel_loop3A_294 = tpu.vector_load %arg23[%parallel_loop3A_292, %parallel_loop3A_293] {strides = array<i32>} : memref<48x128xf32, #tpu.memory_space<vmem>>, vector<16xf32>,
        tpu.vector_store %arg23[%parallel_loop3A_292, %parallel_loop3A_293], %parallel_loop3A_291 {strides = array<i32>} : memref<48x128xf32, #tpu.memory_space<vmem>>, vector<16xf32>,
        %parallel_loop3A_295 = arith.index_cast %parallel_loop3A_249 : i32 to index
        %parallel_loop3A_296 = arith.constant 32 : index
        %parallel_loop3A_297 = tpu.vector_load %arg15[%parallel_loop3A_295, %parallel_loop3A_296] {strides = array<i32>} : memref<40x128xf32, #tpu.memory_space<vmem>>, vector<16xf32>,
        %parallel_loop3A_298 = arith.index_cast %parallel_loop3A_249 : i32 to index
        %parallel_loop3A_299 = arith.constant 48 : index
        %parallel_loop3A_300 = tpu.vector_load %arg15[%parallel_loop3A_298, %parallel_loop3A_299] {strides = array<i32>} : memref<40x128xf32, #tpu.memory_space<vmem>>, vector<16xf32>,
        %parallel_loop3A_301 = arith.index_cast %parallel_loop3A_249 : i32 to index
        %parallel_loop3A_302 = arith.constant 32 : index
        %parallel_loop3A_303 = tpu.vector_load %arg17[%parallel_loop3A_301, %parallel_loop3A_302] {strides = array<i32>} : memref<40x256xf32, #tpu.memory_space<vmem>>, vector<16xf32>,
        %parallel_loop3A_304 = arith.index_cast %parallel_loop3A_249 : i32 to index
        %parallel_loop3A_305 = arith.constant 48 : index
        %parallel_loop3A_306 = tpu.vector_load %arg17[%parallel_loop3A_304, %parallel_loop3A_305] {strides = array<i32>} : memref<40x256xf32, #tpu.memory_space<vmem>>, vector<16xf32>,
        %parallel_loop3A_307 = arith.index_cast %parallel_loop3A_249 : i32 to index
        %parallel_loop3A_308 = arith.constant 32 : index
        %parallel_loop3A_309 = tpu.vector_load %arg19[%parallel_loop3A_307, %parallel_loop3A_308] {strides = array<i32>} : memref<40x128xf32, #tpu.memory_space<vmem>>, vector<16xf32>,
        %parallel_loop3A_310 = arith.index_cast %parallel_loop3A_249 : i32 to index
        %parallel_loop3A_311 = arith.constant 48 : index
        %parallel_loop3A_312 = tpu.vector_load %arg19[%parallel_loop3A_310, %parallel_loop3A_311] {strides = array<i32>} : memref<40x128xf32, #tpu.memory_space<vmem>>, vector<16xf32>,
        %parallel_loop3A_313 = arith.mulf %parallel_loop3A_297, %parallel_loop3A_309 : vector<16xf32>
        %parallel_loop3A_314 = arith.mulf %parallel_loop3A_313, %parallel_loop3A_303 : vector<16xf32>
        %parallel_loop3A_315 = arith.mulf %parallel_loop3A_300, %parallel_loop3A_312 : vector<16xf32>
        %parallel_loop3A_316 = arith.mulf %parallel_loop3A_315, %parallel_loop3A_306 : vector<16xf32>
        %parallel_loop3A_317 = arith.addf %parallel_loop3A_314, %parallel_loop3A_316 : vector<16xf32>
        %parallel_loop3A_318 = arith.constant true
        %parallel_loop3A_319 = vector.broadcast %parallel_loop3A_318 : i1 to vector<16xi1>
        %parallel_loop3A_320 = tpu.scan <sum>, %parallel_loop3A_317 masked %parallel_loop3A_319 : vector<16xf32>, vector<16xi1> -> vector<16xf32>
        %parallel_loop3A_321 = vector.extract %parallel_loop3A_320[15] : f32 from vector<16xf32>
        %parallel_loop3A_322 = vector.broadcast %parallel_loop3A_321 : f32 to vector<16xf32>
        %parallel_loop3A_323 = arith.mulf %parallel_loop3A_322, %parallel_loop3A_251 : vector<16xf32>
        %parallel_loop3A_324 = arith.index_cast %parallel_loop3A_249 : i32 to index
        %parallel_loop3A_325 = arith.constant 160 : index
        %parallel_loop3A_326 = tpu.vector_load %arg17[%parallel_loop3A_324, %parallel_loop3A_325] {strides = array<i32>} : memref<40x256xf32, #tpu.memory_space<vmem>>, vector<16xf32>,
        %parallel_loop3A_327 = arith.mulf %parallel_loop3A_323, %parallel_loop3A_326 : vector<16xf32>
        %parallel_loop3A_328 = arith.index_cast %parallel_loop3A_249 : i32 to index
        %parallel_loop3A_329 = arith.constant 32 : index
        %parallel_loop3A_330 = tpu.vector_load %arg23[%parallel_loop3A_328, %parallel_loop3A_329] {strides = array<i32>} : memref<48x128xf32, #tpu.memory_space<vmem>>, vector<16xf32>,
        tpu.vector_store %arg23[%parallel_loop3A_328, %parallel_loop3A_329], %parallel_loop3A_327 {strides = array<i32>} : memref<48x128xf32, #tpu.memory_space<vmem>>, vector<16xf32>,
        %parallel_loop3A_331 = arith.index_cast %parallel_loop3A_249 : i32 to index
        %parallel_loop3A_332 = arith.constant 176 : index
        %parallel_loop3A_333 = tpu.vector_load %arg17[%parallel_loop3A_331, %parallel_loop3A_332] {strides = array<i32>} : memref<40x256xf32, #tpu.memory_space<vmem>>, vector<16xf32>,
        %parallel_loop3A_334 = arith.mulf %parallel_loop3A_323, %parallel_loop3A_333 : vector<16xf32>
        %parallel_loop3A_335 = arith.index_cast %parallel_loop3A_249 : i32 to index
        %parallel_loop3A_336 = arith.constant 48 : index
        %parallel_loop3A_337 = tpu.vector_load %arg23[%parallel_loop3A_335, %parallel_loop3A_336] {strides = array<i32>} : memref<48x128xf32, #tpu.memory_space<vmem>>, vector<16xf32>,
        tpu.vector_store %arg23[%parallel_loop3A_335, %parallel_loop3A_336], %parallel_loop3A_334 {strides = array<i32>} : memref<48x128xf32, #tpu.memory_space<vmem>>, vector<16xf32>,
        %parallel_loop3A_338 = arith.index_cast %parallel_loop3A_249 : i32 to index
        %parallel_loop3A_339 = arith.constant 64 : index
        %parallel_loop3A_340 = tpu.vector_load %arg15[%parallel_loop3A_338, %parallel_loop3A_339] {strides = array<i32>} : memref<40x128xf32, #tpu.memory_space<vmem>>, vector<16xf32>,
        %parallel_loop3A_341 = arith.index_cast %parallel_loop3A_249 : i32 to index
        %parallel_loop3A_342 = arith.constant 80 : index
        %parallel_loop3A_343 = tpu.vector_load %arg15[%parallel_loop3A_341, %parallel_loop3A_342] {strides = array<i32>} : memref<40x128xf32, #tpu.memory_space<vmem>>, vector<16xf32>,
        %parallel_loop3A_344 = arith.index_cast %parallel_loop3A_249 : i32 to index
        %parallel_loop3A_345 = arith.constant 64 : index
        %parallel_loop3A_346 = tpu.vector_load %arg17[%parallel_loop3A_344, %parallel_loop3A_345] {strides = array<i32>} : memref<40x256xf32, #tpu.memory_space<vmem>>, vector<16xf32>,
        %parallel_loop3A_347 = arith.index_cast %parallel_loop3A_249 : i32 to index
        %parallel_loop3A_348 = arith.constant 80 : index
        %parallel_loop3A_349 = tpu.vector_load %arg17[%parallel_loop3A_347, %parallel_loop3A_348] {strides = array<i32>} : memref<40x256xf32, #tpu.memory_space<vmem>>, vector<16xf32>,
        %parallel_loop3A_350 = arith.index_cast %parallel_loop3A_249 : i32 to index
        %parallel_loop3A_351 = arith.constant 64 : index
        %parallel_loop3A_352 = tpu.vector_load %arg19[%parallel_loop3A_350, %parallel_loop3A_351] {strides = array<i32>} : memref<40x128xf32, #tpu.memory_space<vmem>>, vector<16xf32>,
        %parallel_loop3A_353 = arith.index_cast %parallel_loop3A_249 : i32 to index
        %parallel_loop3A_354 = arith.constant 80 : index
        %parallel_loop3A_355 = tpu.vector_load %arg19[%parallel_loop3A_353, %parallel_loop3A_354] {strides = array<i32>} : memref<40x128xf32, #tpu.memory_space<vmem>>, vector<16xf32>,
        %parallel_loop3A_356 = arith.mulf %parallel_loop3A_340, %parallel_loop3A_352 : vector<16xf32>
        %parallel_loop3A_357 = arith.mulf %parallel_loop3A_356, %parallel_loop3A_346 : vector<16xf32>
        %parallel_loop3A_358 = arith.mulf %parallel_loop3A_343, %parallel_loop3A_355 : vector<16xf32>
        %parallel_loop3A_359 = arith.mulf %parallel_loop3A_358, %parallel_loop3A_349 : vector<16xf32>
        %parallel_loop3A_360 = arith.addf %parallel_loop3A_357, %parallel_loop3A_359 : vector<16xf32>
        %parallel_loop3A_361 = arith.constant true
        %parallel_loop3A_362 = vector.broadcast %parallel_loop3A_361 : i1 to vector<16xi1>
        %parallel_loop3A_363 = tpu.scan <sum>, %parallel_loop3A_360 masked %parallel_loop3A_362 : vector<16xf32>, vector<16xi1> -> vector<16xf32>
        %parallel_loop3A_364 = vector.extract %parallel_loop3A_363[15] : f32 from vector<16xf32>
        %parallel_loop3A_365 = vector.broadcast %parallel_loop3A_364 : f32 to vector<16xf32>
        %parallel_loop3A_366 = arith.mulf %parallel_loop3A_365, %parallel_loop3A_251 : vector<16xf32>
        %parallel_loop3A_367 = arith.index_cast %parallel_loop3A_249 : i32 to index
        %parallel_loop3A_368 = arith.constant 192 : index
        %parallel_loop3A_369 = tpu.vector_load %arg17[%parallel_loop3A_367, %parallel_loop3A_368] {strides = array<i32>} : memref<40x256xf32, #tpu.memory_space<vmem>>, vector<16xf32>,
        %parallel_loop3A_370 = arith.mulf %parallel_loop3A_366, %parallel_loop3A_369 : vector<16xf32>
        %parallel_loop3A_371 = arith.index_cast %parallel_loop3A_249 : i32 to index
        %parallel_loop3A_372 = arith.constant 64 : index
        %parallel_loop3A_373 = tpu.vector_load %arg23[%parallel_loop3A_371, %parallel_loop3A_372] {strides = array<i32>} : memref<48x128xf32, #tpu.memory_space<vmem>>, vector<16xf32>,
        tpu.vector_store %arg23[%parallel_loop3A_371, %parallel_loop3A_372], %parallel_loop3A_370 {strides = array<i32>} : memref<48x128xf32, #tpu.memory_space<vmem>>, vector<16xf32>,
        %parallel_loop3A_374 = arith.index_cast %parallel_loop3A_249 : i32 to index
        %parallel_loop3A_375 = arith.constant 208 : index
        %parallel_loop3A_376 = tpu.vector_load %arg17[%parallel_loop3A_374, %parallel_loop3A_375] {strides = array<i32>} : memref<40x256xf32, #tpu.memory_space<vmem>>, vector<16xf32>,
        %parallel_loop3A_377 = arith.mulf %parallel_loop3A_366, %parallel_loop3A_376 : vector<16xf32>
        %parallel_loop3A_378 = arith.index_cast %parallel_loop3A_249 : i32 to index
        %parallel_loop3A_379 = arith.constant 80 : index
        %parallel_loop3A_380 = tpu.vector_load %arg23[%parallel_loop3A_378, %parallel_loop3A_379] {strides = array<i32>} : memref<48x128xf32, #tpu.memory_space<vmem>>, vector<16xf32>,
        tpu.vector_store %arg23[%parallel_loop3A_378, %parallel_loop3A_379], %parallel_loop3A_377 {strides = array<i32>} : memref<48x128xf32, #tpu.memory_space<vmem>>, vector<16xf32>,
        %parallel_loop3A_381 = arith.index_cast %parallel_loop3A_249 : i32 to index
        %parallel_loop3A_382 = arith.constant 96 : index
        %parallel_loop3A_383 = tpu.vector_load %arg15[%parallel_loop3A_381, %parallel_loop3A_382] {strides = array<i32>} : memref<40x128xf32, #tpu.memory_space<vmem>>, vector<16xf32>,
        %parallel_loop3A_384 = arith.index_cast %parallel_loop3A_249 : i32 to index
        %parallel_loop3A_385 = arith.constant 112 : index
        %parallel_loop3A_386 = tpu.vector_load %arg15[%parallel_loop3A_384, %parallel_loop3A_385] {strides = array<i32>} : memref<40x128xf32, #tpu.memory_space<vmem>>, vector<16xf32>,
        %parallel_loop3A_387 = arith.index_cast %parallel_loop3A_249 : i32 to index
        %parallel_loop3A_388 = arith.constant 96 : index
        %parallel_loop3A_389 = tpu.vector_load %arg17[%parallel_loop3A_387, %parallel_loop3A_388] {strides = array<i32>} : memref<40x256xf32, #tpu.memory_space<vmem>>, vector<16xf32>,
        %parallel_loop3A_390 = arith.index_cast %parallel_loop3A_249 : i32 to index
        %parallel_loop3A_391 = arith.constant 112 : index
        %parallel_loop3A_392 = tpu.vector_load %arg17[%parallel_loop3A_390, %parallel_loop3A_391] {strides = array<i32>} : memref<40x256xf32, #tpu.memory_space<vmem>>, vector<16xf32>,
        %parallel_loop3A_393 = arith.index_cast %parallel_loop3A_249 : i32 to index
        %parallel_loop3A_394 = arith.constant 96 : index
        %parallel_loop3A_395 = tpu.vector_load %arg19[%parallel_loop3A_393, %parallel_loop3A_394] {strides = array<i32>} : memref<40x128xf32, #tpu.memory_space<vmem>>, vector<16xf32>,
        %parallel_loop3A_396 = arith.index_cast %parallel_loop3A_249 : i32 to index
        %parallel_loop3A_397 = arith.constant 112 : index
        %parallel_loop3A_398 = tpu.vector_load %arg19[%parallel_loop3A_396, %parallel_loop3A_397] {strides = array<i32>} : memref<40x128xf32, #tpu.memory_space<vmem>>, vector<16xf32>,
        %parallel_loop3A_399 = arith.mulf %parallel_loop3A_383, %parallel_loop3A_395 : vector<16xf32>
        %parallel_loop3A_400 = arith.mulf %parallel_loop3A_399, %parallel_loop3A_389 : vector<16xf32>
        %parallel_loop3A_401 = arith.mulf %parallel_loop3A_386, %parallel_loop3A_398 : vector<16xf32>
        %parallel_loop3A_402 = arith.mulf %parallel_loop3A_401, %parallel_loop3A_392 : vector<16xf32>
        %parallel_loop3A_403 = arith.addf %parallel_loop3A_400, %parallel_loop3A_402 : vector<16xf32>
        %parallel_loop3A_404 = arith.constant true
        %parallel_loop3A_405 = vector.broadcast %parallel_loop3A_404 : i1 to vector<16xi1>
        %parallel_loop3A_406 = tpu.scan <sum>, %parallel_loop3A_403 masked %parallel_loop3A_405 : vector<16xf32>, vector<16xi1> -> vector<16xf32>
        %parallel_loop3A_407 = vector.extract %parallel_loop3A_406[15] : f32 from vector<16xf32>
        %parallel_loop3A_408 = vector.broadcast %parallel_loop3A_407 : f32 to vector<16xf32>
        %parallel_loop3A_409 = arith.mulf %parallel_loop3A_408, %parallel_loop3A_251 : vector<16xf32>
        %parallel_loop3A_410 = arith.index_cast %parallel_loop3A_249 : i32 to index
        %parallel_loop3A_411 = arith.constant 224 : index
        %parallel_loop3A_412 = tpu.vector_load %arg17[%parallel_loop3A_410, %parallel_loop3A_411] {strides = array<i32>} : memref<40x256xf32, #tpu.memory_space<vmem>>, vector<16xf32>,
        %parallel_loop3A_413 = arith.mulf %parallel_loop3A_409, %parallel_loop3A_412 : vector<16xf32>
        %parallel_loop3A_414 = arith.index_cast %parallel_loop3A_249 : i32 to index
        %parallel_loop3A_415 = arith.constant 96 : index
        %parallel_loop3A_416 = tpu.vector_load %arg23[%parallel_loop3A_414, %parallel_loop3A_415] {strides = array<i32>} : memref<48x128xf32, #tpu.memory_space<vmem>>, vector<16xf32>,
        tpu.vector_store %arg23[%parallel_loop3A_414, %parallel_loop3A_415], %parallel_loop3A_413 {strides = array<i32>} : memref<48x128xf32, #tpu.memory_space<vmem>>, vector<16xf32>,
        %parallel_loop3A_417 = arith.index_cast %parallel_loop3A_249 : i32 to index
        %parallel_loop3A_418 = arith.constant 240 : index
        %parallel_loop3A_419 = tpu.vector_load %arg17[%parallel_loop3A_417, %parallel_loop3A_418] {strides = array<i32>} : memref<40x256xf32, #tpu.memory_space<vmem>>, vector<16xf32>,
        %parallel_loop3A_420 = arith.mulf %parallel_loop3A_409, %parallel_loop3A_419 : vector<16xf32>
        %parallel_loop3A_421 = arith.index_cast %parallel_loop3A_249 : i32 to index
        %parallel_loop3A_422 = arith.constant 112 : index
        %parallel_loop3A_423 = tpu.vector_load %arg23[%parallel_loop3A_421, %parallel_loop3A_422] {strides = array<i32>} : memref<48x128xf32, #tpu.memory_space<vmem>>, vector<16xf32>,
        tpu.vector_store %arg23[%parallel_loop3A_421, %parallel_loop3A_422], %parallel_loop3A_420 {strides = array<i32>} : memref<48x128xf32, #tpu.memory_space<vmem>>, vector<16xf32>,
      } {sc.loop_unroll_factor = 4 : i64, sc.parallel_access}
      %dma_start3A_185 = arith.constant 0 : i32
      %dma_start3A_186 = arith.constant 0 : i32
      %dma_start3A_187 = tpu.memref_slice %arg24[%dma_start3A_185, %dma_start3A_186] : memref<10000x128xf32, #tpu.memory_space<vmem_shared>> -> memref<10000x128xf32, #tpu.memory_space<vmem_shared>>
      tpu.enqueue_indirect_dma source(%arg23 : memref<48x128xf32, #tpu.memory_space<vmem>>) target(%dma_start3A_187 : memref<10000x128xf32, #tpu.memory_space<vmem_shared>>) offsets(%arg13 : memref<48xi32, #tpu.memory_space<vmem>>) semaphore(%arg37 : memref<!tpu.dma_semaphore, #tpu.memory_space<semaphore_mem>>) {add = true}
      %mul3A_188 = arith.constant 2 : i32
      %mul3A_189 = arith.muli %mul3A_188, %scan3A_131 : i32
      %add3A_190 = arith.constant 1 : i32
      %add3A_191 = arith.addi %mul3A_189, %add3A_190 : i32
      %dma_wait3A_192 = arith.constant 0 : i32
      %dma_wait3A_193 = tpu.memref_slice %arg10[%dma_wait3A_192] : memref<48xi32, #tpu.memory_space<vmem>> -> memref<40xi32, #tpu.memory_space<vmem>>
      %dma_wait3A_194 = arith.constant 0 : i32
      %dma_wait3A_195 = arith.constant 0 : i32
      %dma_wait3A_196 = tpu.memref_slice %arg2[%dma_wait3A_194, %dma_wait3A_195] : memref<10000x128xf32, #tpu.memory_space<hbm>> -> memref<10000x128xf32, #tpu.memory_space<hbm>>
      tpu.wait_indirect_dma semaphore(%arg30 : memref<!tpu.dma_semaphore, #tpu.memory_space<semaphore_mem>>) src(%dma_wait3A_196 : memref<10000x128xf32, #tpu.memory_space<hbm>>) dst(%arg16 : memref<40x128xf32, #tpu.memory_space<vmem>>)
      %dma_wait3A_197 = arith.constant 0 : i32
      %dma_wait3A_198 = tpu.memref_slice %arg12[%dma_wait3A_197] : memref<48xi32, #tpu.memory_space<vmem>> -> memref<40xi32, #tpu.memory_space<vmem>>
      %dma_wait3A_199 = arith.constant 0 : i32
      %dma_wait3A_200 = arith.constant 0 : i32
      %dma_wait3A_201 = tpu.memref_slice %arg3[%dma_wait3A_199, %dma_wait3A_200] : memref<10000x256xf32, #tpu.memory_space<hbm>> -> memref<10000x256xf32, #tpu.memory_space<hbm>>
      tpu.wait_indirect_dma semaphore(%arg32 : memref<!tpu.dma_semaphore, #tpu.memory_space<semaphore_mem>>) src(%dma_wait3A_201 : memref<10000x256xf32, #tpu.memory_space<hbm>>) dst(%arg18 : memref<40x256xf32, #tpu.memory_space<vmem>>)
      %dma_wait3A_202 = arith.constant 0 : i32
      %dma_wait3A_203 = arith.constant 0 : i32
      %dma_wait3A_204 = tpu.memref_slice %arg4[%dma_wait3A_202, %dma_wait3A_203] : memref<320000x128xf32, #tpu.memory_space<hbm>> -> memref<40x128xf32, #tpu.memory_space<hbm>>
      %dma_wait3A_205 = arith.constant 0 : i32
      %dma_wait3A_206 = arith.constant 0 : i32
      %dma_wait3A_207 = tpu.memref_slice %arg4[%dma_wait3A_205, %dma_wait3A_206] : memref<320000x128xf32, #tpu.memory_space<hbm>> -> memref<40x128xf32, #tpu.memory_space<hbm>>
      tpu.wait_dma2 semaphore(%arg34 : memref<!tpu.dma_semaphore, #tpu.memory_space<semaphore_mem>>) src(%dma_wait3A_207 : memref<40x128xf32, #tpu.memory_space<hbm>>) dst(%arg20 : memref<40x128xf32, #tpu.memory_space<vmem>>)
      %dma_wait3A_208 = arith.constant 0 : i32
      %dma_wait3A_209 = tpu.memref_slice %arg5[%dma_wait3A_208] : memref<320000xf32, #tpu.memory_space<hbm>> -> memref<40xf32, #tpu.memory_space<hbm>>
      %dma_wait3A_210 = arith.constant 0 : i32
      %dma_wait3A_211 = tpu.memref_slice %arg5[%dma_wait3A_210] : memref<320000xf32, #tpu.memory_space<hbm>> -> memref<40xf32, #tpu.memory_space<hbm>>
      tpu.wait_dma2 semaphore(%arg36 : memref<!tpu.dma_semaphore, #tpu.memory_space<semaphore_mem>>) src(%dma_wait3A_211 : memref<40xf32, #tpu.memory_space<hbm>>) dst(%arg22 : memref<40xf32, #tpu.memory_space<vmem>>)
      %add3A_212 = arith.constant 1 : i32
      %add3A_213 = arith.addi %add3A_191, %add3A_212 : i32
      %lt3A_214 = arith.constant 250 : i32
      %lt3A_215 = arith.cmpi slt, %add3A_213, %lt3A_214 : i32
      %convert_element_type3A_216 = arith.extui %lt3A_215 : i1 to i32
      %cond3A_217 = arith.constant 0 : i32
      %cond3A_218 = arith.cmpi ne, %convert_element_type3A_216, %cond3A_217 : i32
      scf.if %cond3A_218 {
        %dma_wait3A_249 = arith.constant 0 : i32
        %dma_wait3A_250 = tpu.memref_slice %arg9[%dma_wait3A_249] : memref<48xi32, #tpu.memory_space<vmem>> -> memref<40xi32, #tpu.memory_space<vmem>>
        %dma_wait3A_251 = arith.constant 0 : i32
        %dma_wait3A_252 = tpu.memref_slice %arg6[%dma_wait3A_251] : memref<320000xi32, #tpu.memory_space<hbm>> -> memref<40xi32, #tpu.memory_space<hbm>>
        %dma_wait3A_253 = arith.constant 0 : i32
        %dma_wait3A_254 = tpu.memref_slice %arg9[%dma_wait3A_253] : memref<48xi32, #tpu.memory_space<vmem>> -> memref<40xi32, #tpu.memory_space<vmem>>
        %dma_wait3A_255 = arith.constant 0 : i32
        %dma_wait3A_256 = tpu.memref_slice %arg6[%dma_wait3A_255] : memref<320000xi32, #tpu.memory_space<hbm>> -> memref<40xi32, #tpu.memory_space<hbm>>
        tpu.wait_dma2 semaphore(%arg25 : memref<!tpu.dma_semaphore, #tpu.memory_space<semaphore_mem>>) src(%dma_wait3A_256 : memref<40xi32, #tpu.memory_space<hbm>>) dst(%dma_wait3A_254 : memref<40xi32, #tpu.memory_space<vmem>>)
        %dma_wait3A_257 = arith.constant 0 : i32
        %dma_wait3A_258 = tpu.memref_slice %arg11[%dma_wait3A_257] : memref<48xi32, #tpu.memory_space<vmem>> -> memref<40xi32, #tpu.memory_space<vmem>>
        %dma_wait3A_259 = arith.constant 0 : i32
        %dma_wait3A_260 = tpu.memref_slice %arg7[%dma_wait3A_259] : memref<320000xi32, #tpu.memory_space<hbm>> -> memref<40xi32, #tpu.memory_space<hbm>>
        %dma_wait3A_261 = arith.constant 0 : i32
        %dma_wait3A_262 = tpu.memref_slice %arg11[%dma_wait3A_261] : memref<48xi32, #tpu.memory_space<vmem>> -> memref<40xi32, #tpu.memory_space<vmem>>
        %dma_wait3A_263 = arith.constant 0 : i32
        %dma_wait3A_264 = tpu.memref_slice %arg7[%dma_wait3A_263] : memref<320000xi32, #tpu.memory_space<hbm>> -> memref<40xi32, #tpu.memory_space<hbm>>
        tpu.wait_dma2 semaphore(%arg27 : memref<!tpu.dma_semaphore, #tpu.memory_space<semaphore_mem>>) src(%dma_wait3A_264 : memref<40xi32, #tpu.memory_space<hbm>>) dst(%dma_wait3A_262 : memref<40xi32, #tpu.memory_space<vmem>>)
        %add3A_265 = arith.constant 1 : i32
        %add3A_266 = arith.addi %add3A_191, %add3A_265 : i32
        %mul3A_267 = arith.constant 40 : i32
        %mul3A_268 = arith.muli %add3A_266, %mul3A_267 : i32
        %add3A_269 = arith.addi %mul3A_21, %mul3A_268 : i32
        %dma_start3A_270 = arith.constant 0 : i32
        %dma_start3A_271 = tpu.memref_slice %arg9[%dma_start3A_270] : memref<48xi32, #tpu.memory_space<vmem>> -> memref<40xi32, #tpu.memory_space<vmem>>
        %dma_start3A_272 = arith.constant 0 : i32
        %dma_start3A_273 = arith.constant 0 : i32
        %dma_start3A_274 = tpu.memref_slice %arg2[%dma_start3A_272, %dma_start3A_273] : memref<10000x128xf32, #tpu.memory_space<hbm>> -> memref<10000x128xf32, #tpu.memory_space<hbm>>
        tpu.enqueue_indirect_dma source(%dma_start3A_274 : memref<10000x128xf32, #tpu.memory_space<hbm>>) target(%arg15 : memref<40x128xf32, #tpu.memory_space<vmem>>) offsets(%dma_start3A_271 : memref<40xi32, #tpu.memory_space<vmem>>) semaphore(%arg29 : memref<!tpu.dma_semaphore, #tpu.memory_space<semaphore_mem>>)
        %dma_start3A_275 = arith.constant 0 : i32
        %dma_start3A_276 = tpu.memref_slice %arg11[%dma_start3A_275] : memref<48xi32, #tpu.memory_space<vmem>> -> memref<40xi32, #tpu.memory_space<vmem>>
        %dma_start3A_277 = arith.constant 0 : i32
        %dma_start3A_278 = arith.constant 0 : i32
        %dma_start3A_279 = tpu.memref_slice %arg3[%dma_start3A_277, %dma_start3A_278] : memref<10000x256xf32, #tpu.memory_space<hbm>> -> memref<10000x256xf32, #tpu.memory_space<hbm>>
        tpu.enqueue_indirect_dma source(%dma_start3A_279 : memref<10000x256xf32, #tpu.memory_space<hbm>>) target(%arg17 : memref<40x256xf32, #tpu.memory_space<vmem>>) offsets(%dma_start3A_276 : memref<40xi32, #tpu.memory_space<vmem>>) semaphore(%arg31 : memref<!tpu.dma_semaphore, #tpu.memory_space<semaphore_mem>>)
        %dma_start3A_280 = arith.constant 0 : i32
        %dma_start3A_281 = tpu.memref_slice %arg4[%add3A_269, %dma_start3A_280] : memref<320000x128xf32, #tpu.memory_space<hbm>> -> memref<40x128xf32, #tpu.memory_space<hbm>>
        %dma_start3A_282 = arith.constant 0 : i32
        %dma_start3A_283 = tpu.memref_slice %arg4[%add3A_269, %dma_start3A_282] : memref<320000x128xf32, #tpu.memory_space<hbm>> -> memref<40x128xf32, #tpu.memory_space<hbm>>
        tpu.enqueue_dma source(%dma_start3A_283 : memref<40x128xf32, #tpu.memory_space<hbm>>) target(%arg19 : memref<40x128xf32, #tpu.memory_space<vmem>>) target_semaphore(%arg33 : memref<!tpu.dma_semaphore, #tpu.memory_space<semaphore_mem>>)
        %dma_start3A_284 = tpu.memref_slice %arg5[%add3A_269] : memref<320000xf32, #tpu.memory_space<hbm>> -> memref<40xf32, #tpu.memory_space<hbm>>
        %dma_start3A_285 = tpu.memref_slice %arg5[%add3A_269] : memref<320000xf32, #tpu.memory_space<hbm>> -> memref<40xf32, #tpu.memory_space<hbm>>
        tpu.enqueue_dma source(%dma_start3A_285 : memref<40xf32, #tpu.memory_space<hbm>>) target(%arg21 : memref<40xf32, #tpu.memory_space<vmem>>) target_semaphore(%arg35 : memref<!tpu.dma_semaphore, #tpu.memory_space<semaphore_mem>>)
      } else {
      }
      %gt3A_219 = arith.constant 0 : i32
      %gt3A_220 = arith.cmpi sgt, %add3A_191, %gt3A_219 : i32
      %convert_element_type3A_221 = arith.extui %gt3A_220 : i1 to i32
      %cond3A_222 = arith.constant 0 : i32
      %cond3A_223 = arith.cmpi ne, %convert_element_type3A_221, %cond3A_222 : i32
      scf.if %cond3A_223 {
        %dma_wait3A_249 = arith.constant 0 : i32
        %dma_wait3A_250 = arith.constant 0 : i32
        %dma_wait3A_251 = tpu.memref_slice %arg24[%dma_wait3A_249, %dma_wait3A_250] : memref<10000x128xf32, #tpu.memory_space<vmem_shared>> -> memref<10000x128xf32, #tpu.memory_space<vmem_shared>>
        tpu.wait_indirect_dma semaphore(%arg37 : memref<!tpu.dma_semaphore, #tpu.memory_space<semaphore_mem>>) src(%arg23 : memref<48x128xf32, #tpu.memory_space<vmem>>) dst(%dma_wait3A_251 : memref<10000x128xf32, #tpu.memory_space<vmem_shared>>)
      } else {
      }
      %get3A_224 = arith.constant 0 : index
      %get3A_225 = tpu.vector_load %arg10[%get3A_224] {strides = array<i32>} : memref<48xi32, #tpu.memory_space<vmem>>, vector<16xi32>,
      %swap3A_226 = arith.constant 0 : index
      %swap3A_227 = tpu.vector_load %arg14[%swap3A_226] {strides = array<i32>} : memref<48xi32, #tpu.memory_space<vmem>>, vector<16xi32>,
      tpu.vector_store %arg14[%swap3A_226], %get3A_225 {strides = array<i32>} : memref<48xi32, #tpu.memory_space<vmem>>, vector<16xi32>,
      %get3A_228 = arith.constant 16 : index
      %get3A_229 = tpu.vector_load %arg10[%get3A_228] {strides = array<i32>} : memref<48xi32, #tpu.memory_space<vmem>>, vector<16xi32>,
      %swap3A_230 = arith.constant 16 : index
      %swap3A_231 = tpu.vector_load %arg14[%swap3A_230] {strides = array<i32>} : memref<48xi32, #tpu.memory_space<vmem>>, vector<16xi32>,
      tpu.vector_store %arg14[%swap3A_230], %get3A_229 {strides = array<i32>} : memref<48xi32, #tpu.memory_space<vmem>>, vector<16xi32>,
      %get3A_232 = arith.constant 32 : index
      %get3A_233 = tpu.vector_load %arg10[%get3A_232] {strides = array<i32>} : memref<48xi32, #tpu.memory_space<vmem>>, vector<16xi32>,
      %swap3A_234 = arith.constant 32 : index
      %swap3A_235 = tpu.vector_load %arg14[%swap3A_234] {strides = array<i32>} : memref<48xi32, #tpu.memory_space<vmem>>, vector<16xi32>,
      tpu.vector_store %arg14[%swap3A_234], %get3A_233 {strides = array<i32>} : memref<48xi32, #tpu.memory_space<vmem>>, vector<16xi32>,
      %add3A_236 = arith.constant 2 : i32
      %add3A_237 = arith.addi %add3A_191, %add3A_236 : i32
      %lt3A_238 = arith.constant 250 : i32
      %lt3A_239 = arith.cmpi slt, %add3A_237, %lt3A_238 : i32
      %convert_element_type3A_240 = arith.extui %lt3A_239 : i1 to i32
      %cond3A_241 = arith.constant 0 : i32
      %cond3A_242 = arith.cmpi ne, %convert_element_type3A_240, %cond3A_241 : i32
      scf.if %cond3A_242 {
        %add3A_249 = arith.constant 2 : i32
        %add3A_250 = arith.addi %add3A_191, %add3A_249 : i32
        %mul3A_251 = arith.constant 40 : i32
        %mul3A_252 = arith.muli %add3A_250, %mul3A_251 : i32
        %add3A_253 = arith.addi %mul3A_21, %mul3A_252 : i32
        %dma_start3A_254 = arith.constant 0 : i32
        %dma_start3A_255 = tpu.memref_slice %arg10[%dma_start3A_254] : memref<48xi32, #tpu.memory_space<vmem>> -> memref<40xi32, #tpu.memory_space<vmem>>
        %dma_start3A_256 = tpu.memref_slice %arg6[%add3A_253] : memref<320000xi32, #tpu.memory_space<hbm>> -> memref<40xi32, #tpu.memory_space<hbm>>
        %dma_start3A_257 = arith.constant 0 : i32
        %dma_start3A_258 = tpu.memref_slice %arg10[%dma_start3A_257] : memref<48xi32, #tpu.memory_space<vmem>> -> memref<40xi32, #tpu.memory_space<vmem>>
        %dma_start3A_259 = tpu.memref_slice %arg6[%add3A_253] : memref<320000xi32, #tpu.memory_space<hbm>> -> memref<40xi32, #tpu.memory_space<hbm>>
        tpu.enqueue_dma source(%dma_start3A_259 : memref<40xi32, #tpu.memory_space<hbm>>) target(%dma_start3A_258 : memref<40xi32, #tpu.memory_space<vmem>>) target_semaphore(%arg26 : memref<!tpu.dma_semaphore, #tpu.memory_space<semaphore_mem>>)
        %dma_start3A_260 = arith.constant 0 : i32
        %dma_start3A_261 = tpu.memref_slice %arg12[%dma_start3A_260] : memref<48xi32, #tpu.memory_space<vmem>> -> memref<40xi32, #tpu.memory_space<vmem>>
        %dma_start3A_262 = tpu.memref_slice %arg7[%add3A_253] : memref<320000xi32, #tpu.memory_space<hbm>> -> memref<40xi32, #tpu.memory_space<hbm>>
        %dma_start3A_263 = arith.constant 0 : i32
        %dma_start3A_264 = tpu.memref_slice %arg12[%dma_start3A_263] : memref<48xi32, #tpu.memory_space<vmem>> -> memref<40xi32, #tpu.memory_space<vmem>>
        %dma_start3A_265 = tpu.memref_slice %arg7[%add3A_253] : memref<320000xi32, #tpu.memory_space<hbm>> -> memref<40xi32, #tpu.memory_space<hbm>>
        tpu.enqueue_dma source(%dma_start3A_265 : memref<40xi32, #tpu.memory_space<hbm>>) target(%dma_start3A_264 : memref<40xi32, #tpu.memory_space<vmem>>) target_semaphore(%arg28 : memref<!tpu.dma_semaphore, #tpu.memory_space<semaphore_mem>>)
      } else {
      }
      %parallel_loop3A_243 = arith.constant 0 : i32
      %parallel_loop3A_244 = arith.constant 40 : i32
      %parallel_loop3A_245 = arith.constant 1 : i32
      scf.for %parallel_loop3A_249 = %parallel_loop3A_243 to %parallel_loop3A_244 step %parallel_loop3A_245  : i32 {
        %parallel_loop3A_250 = vector.broadcast %parallel_loop3A_249 : i32 to vector<16xi32>
        %parallel_loop3A_251 = tpu.vector_load_idx %arg22[%parallel_loop3A_250] : memref<40xf32, #tpu.memory_space<vmem>>[vector<16xi32>], vector<16xf32>,
        %parallel_loop3A_252 = arith.index_cast %parallel_loop3A_249 : i32 to index
        %parallel_loop3A_253 = arith.constant 0 : index
        %parallel_loop3A_254 = tpu.vector_load %arg16[%parallel_loop3A_252, %parallel_loop3A_253] {strides = array<i32>} : memref<40x128xf32, #tpu.memory_space<vmem>>, vector<16xf32>,
        %parallel_loop3A_255 = arith.index_cast %parallel_loop3A_249 : i32 to index
        %parallel_loop3A_256 = arith.constant 16 : index
        %parallel_loop3A_257 = tpu.vector_load %arg16[%parallel_loop3A_255, %parallel_loop3A_256] {strides = array<i32>} : memref<40x128xf32, #tpu.memory_space<vmem>>, vector<16xf32>,
        %parallel_loop3A_258 = arith.index_cast %parallel_loop3A_249 : i32 to index
        %parallel_loop3A_259 = arith.constant 0 : index
        %parallel_loop3A_260 = tpu.vector_load %arg18[%parallel_loop3A_258, %parallel_loop3A_259] {strides = array<i32>} : memref<40x256xf32, #tpu.memory_space<vmem>>, vector<16xf32>,
        %parallel_loop3A_261 = arith.index_cast %parallel_loop3A_249 : i32 to index
        %parallel_loop3A_262 = arith.constant 16 : index
        %parallel_loop3A_263 = tpu.vector_load %arg18[%parallel_loop3A_261, %parallel_loop3A_262] {strides = array<i32>} : memref<40x256xf32, #tpu.memory_space<vmem>>, vector<16xf32>,
        %parallel_loop3A_264 = arith.index_cast %parallel_loop3A_249 : i32 to index
        %parallel_loop3A_265 = arith.constant 0 : index
        %parallel_loop3A_266 = tpu.vector_load %arg20[%parallel_loop3A_264, %parallel_loop3A_265] {strides = array<i32>} : memref<40x128xf32, #tpu.memory_space<vmem>>, vector<16xf32>,
        %parallel_loop3A_267 = arith.index_cast %parallel_loop3A_249 : i32 to index
        %parallel_loop3A_268 = arith.constant 16 : index
        %parallel_loop3A_269 = tpu.vector_load %arg20[%parallel_loop3A_267, %parallel_loop3A_268] {strides = array<i32>} : memref<40x128xf32, #tpu.memory_space<vmem>>, vector<16xf32>,
        %parallel_loop3A_270 = arith.mulf %parallel_loop3A_254, %parallel_loop3A_266 : vector<16xf32>
        %parallel_loop3A_271 = arith.mulf %parallel_loop3A_270, %parallel_loop3A_260 : vector<16xf32>
        %parallel_loop3A_272 = arith.mulf %parallel_loop3A_257, %parallel_loop3A_269 : vector<16xf32>
        %parallel_loop3A_273 = arith.mulf %parallel_loop3A_272, %parallel_loop3A_263 : vector<16xf32>
        %parallel_loop3A_274 = arith.addf %parallel_loop3A_271, %parallel_loop3A_273 : vector<16xf32>
        %parallel_loop3A_275 = arith.constant true
        %parallel_loop3A_276 = vector.broadcast %parallel_loop3A_275 : i1 to vector<16xi1>
        %parallel_loop3A_277 = tpu.scan <sum>, %parallel_loop3A_274 masked %parallel_loop3A_276 : vector<16xf32>, vector<16xi1> -> vector<16xf32>
        %parallel_loop3A_278 = vector.extract %parallel_loop3A_277[15] : f32 from vector<16xf32>
        %parallel_loop3A_279 = vector.broadcast %parallel_loop3A_278 : f32 to vector<16xf32>
        %parallel_loop3A_280 = arith.mulf %parallel_loop3A_279, %parallel_loop3A_251 : vector<16xf32>
        %parallel_loop3A_281 = arith.index_cast %parallel_loop3A_249 : i32 to index
        %parallel_loop3A_282 = arith.constant 128 : index
        %parallel_loop3A_283 = tpu.vector_load %arg18[%parallel_loop3A_281, %parallel_loop3A_282] {strides = array<i32>} : memref<40x256xf32, #tpu.memory_space<vmem>>, vector<16xf32>,
        %parallel_loop3A_284 = arith.mulf %parallel_loop3A_280, %parallel_loop3A_283 : vector<16xf32>
        %parallel_loop3A_285 = arith.index_cast %parallel_loop3A_249 : i32 to index
        %parallel_loop3A_286 = arith.constant 0 : index
        %parallel_loop3A_287 = tpu.vector_load %arg23[%parallel_loop3A_285, %parallel_loop3A_286] {strides = array<i32>} : memref<48x128xf32, #tpu.memory_space<vmem>>, vector<16xf32>,
        tpu.vector_store %arg23[%parallel_loop3A_285, %parallel_loop3A_286], %parallel_loop3A_284 {strides = array<i32>} : memref<48x128xf32, #tpu.memory_space<vmem>>, vector<16xf32>,
        %parallel_loop3A_288 = arith.index_cast %parallel_loop3A_249 : i32 to index
        %parallel_loop3A_289 = arith.constant 144 : index
        %parallel_loop3A_290 = tpu.vector_load %arg18[%parallel_loop3A_288, %parallel_loop3A_289] {strides = array<i32>} : memref<40x256xf32, #tpu.memory_space<vmem>>, vector<16xf32>,
        %parallel_loop3A_291 = arith.mulf %parallel_loop3A_280, %parallel_loop3A_290 : vector<16xf32>
        %parallel_loop3A_292 = arith.index_cast %parallel_loop3A_249 : i32 to index
        %parallel_loop3A_293 = arith.constant 16 : index
        %parallel_loop3A_294 = tpu.vector_load %arg23[%parallel_loop3A_292, %parallel_loop3A_293] {strides = array<i32>} : memref<48x128xf32, #tpu.memory_space<vmem>>, vector<16xf32>,
        tpu.vector_store %arg23[%parallel_loop3A_292, %parallel_loop3A_293], %parallel_loop3A_291 {strides = array<i32>} : memref<48x128xf32, #tpu.memory_space<vmem>>, vector<16xf32>,
        %parallel_loop3A_295 = arith.index_cast %parallel_loop3A_249 : i32 to index
        %parallel_loop3A_296 = arith.constant 32 : index
        %parallel_loop3A_297 = tpu.vector_load %arg16[%parallel_loop3A_295, %parallel_loop3A_296] {strides = array<i32>} : memref<40x128xf32, #tpu.memory_space<vmem>>, vector<16xf32>,
        %parallel_loop3A_298 = arith.index_cast %parallel_loop3A_249 : i32 to index
        %parallel_loop3A_299 = arith.constant 48 : index
        %parallel_loop3A_300 = tpu.vector_load %arg16[%parallel_loop3A_298, %parallel_loop3A_299] {strides = array<i32>} : memref<40x128xf32, #tpu.memory_space<vmem>>, vector<16xf32>,
        %parallel_loop3A_301 = arith.index_cast %parallel_loop3A_249 : i32 to index
        %parallel_loop3A_302 = arith.constant 32 : index
        %parallel_loop3A_303 = tpu.vector_load %arg18[%parallel_loop3A_301, %parallel_loop3A_302] {strides = array<i32>} : memref<40x256xf32, #tpu.memory_space<vmem>>, vector<16xf32>,
        %parallel_loop3A_304 = arith.index_cast %parallel_loop3A_249 : i32 to index
        %parallel_loop3A_305 = arith.constant 48 : index
        %parallel_loop3A_306 = tpu.vector_load %arg18[%parallel_loop3A_304, %parallel_loop3A_305] {strides = array<i32>} : memref<40x256xf32, #tpu.memory_space<vmem>>, vector<16xf32>,
        %parallel_loop3A_307 = arith.index_cast %parallel_loop3A_249 : i32 to index
        %parallel_loop3A_308 = arith.constant 32 : index
        %parallel_loop3A_309 = tpu.vector_load %arg20[%parallel_loop3A_307, %parallel_loop3A_308] {strides = array<i32>} : memref<40x128xf32, #tpu.memory_space<vmem>>, vector<16xf32>,
        %parallel_loop3A_310 = arith.index_cast %parallel_loop3A_249 : i32 to index
        %parallel_loop3A_311 = arith.constant 48 : index
        %parallel_loop3A_312 = tpu.vector_load %arg20[%parallel_loop3A_310, %parallel_loop3A_311] {strides = array<i32>} : memref<40x128xf32, #tpu.memory_space<vmem>>, vector<16xf32>,
        %parallel_loop3A_313 = arith.mulf %parallel_loop3A_297, %parallel_loop3A_309 : vector<16xf32>
        %parallel_loop3A_314 = arith.mulf %parallel_loop3A_313, %parallel_loop3A_303 : vector<16xf32>
        %parallel_loop3A_315 = arith.mulf %parallel_loop3A_300, %parallel_loop3A_312 : vector<16xf32>
        %parallel_loop3A_316 = arith.mulf %parallel_loop3A_315, %parallel_loop3A_306 : vector<16xf32>
        %parallel_loop3A_317 = arith.addf %parallel_loop3A_314, %parallel_loop3A_316 : vector<16xf32>
        %parallel_loop3A_318 = arith.constant true
        %parallel_loop3A_319 = vector.broadcast %parallel_loop3A_318 : i1 to vector<16xi1>
        %parallel_loop3A_320 = tpu.scan <sum>, %parallel_loop3A_317 masked %parallel_loop3A_319 : vector<16xf32>, vector<16xi1> -> vector<16xf32>
        %parallel_loop3A_321 = vector.extract %parallel_loop3A_320[15] : f32 from vector<16xf32>
        %parallel_loop3A_322 = vector.broadcast %parallel_loop3A_321 : f32 to vector<16xf32>
        %parallel_loop3A_323 = arith.mulf %parallel_loop3A_322, %parallel_loop3A_251 : vector<16xf32>
        %parallel_loop3A_324 = arith.index_cast %parallel_loop3A_249 : i32 to index
        %parallel_loop3A_325 = arith.constant 160 : index
        %parallel_loop3A_326 = tpu.vector_load %arg18[%parallel_loop3A_324, %parallel_loop3A_325] {strides = array<i32>} : memref<40x256xf32, #tpu.memory_space<vmem>>, vector<16xf32>,
        %parallel_loop3A_327 = arith.mulf %parallel_loop3A_323, %parallel_loop3A_326 : vector<16xf32>
        %parallel_loop3A_328 = arith.index_cast %parallel_loop3A_249 : i32 to index
        %parallel_loop3A_329 = arith.constant 32 : index
        %parallel_loop3A_330 = tpu.vector_load %arg23[%parallel_loop3A_328, %parallel_loop3A_329] {strides = array<i32>} : memref<48x128xf32, #tpu.memory_space<vmem>>, vector<16xf32>,
        tpu.vector_store %arg23[%parallel_loop3A_328, %parallel_loop3A_329], %parallel_loop3A_327 {strides = array<i32>} : memref<48x128xf32, #tpu.memory_space<vmem>>, vector<16xf32>,
        %parallel_loop3A_331 = arith.index_cast %parallel_loop3A_249 : i32 to index
        %parallel_loop3A_332 = arith.constant 176 : index
        %parallel_loop3A_333 = tpu.vector_load %arg18[%parallel_loop3A_331, %parallel_loop3A_332] {strides = array<i32>} : memref<40x256xf32, #tpu.memory_space<vmem>>, vector<16xf32>,
        %parallel_loop3A_334 = arith.mulf %parallel_loop3A_323, %parallel_loop3A_333 : vector<16xf32>
        %parallel_loop3A_335 = arith.index_cast %parallel_loop3A_249 : i32 to index
        %parallel_loop3A_336 = arith.constant 48 : index
        %parallel_loop3A_337 = tpu.vector_load %arg23[%parallel_loop3A_335, %parallel_loop3A_336] {strides = array<i32>} : memref<48x128xf32, #tpu.memory_space<vmem>>, vector<16xf32>,
        tpu.vector_store %arg23[%parallel_loop3A_335, %parallel_loop3A_336], %parallel_loop3A_334 {strides = array<i32>} : memref<48x128xf32, #tpu.memory_space<vmem>>, vector<16xf32>,
        %parallel_loop3A_338 = arith.index_cast %parallel_loop3A_249 : i32 to index
        %parallel_loop3A_339 = arith.constant 64 : index
        %parallel_loop3A_340 = tpu.vector_load %arg16[%parallel_loop3A_338, %parallel_loop3A_339] {strides = array<i32>} : memref<40x128xf32, #tpu.memory_space<vmem>>, vector<16xf32>,
        %parallel_loop3A_341 = arith.index_cast %parallel_loop3A_249 : i32 to index
        %parallel_loop3A_342 = arith.constant 80 : index
        %parallel_loop3A_343 = tpu.vector_load %arg16[%parallel_loop3A_341, %parallel_loop3A_342] {strides = array<i32>} : memref<40x128xf32, #tpu.memory_space<vmem>>, vector<16xf32>,
        %parallel_loop3A_344 = arith.index_cast %parallel_loop3A_249 : i32 to index
        %parallel_loop3A_345 = arith.constant 64 : index
        %parallel_loop3A_346 = tpu.vector_load %arg18[%parallel_loop3A_344, %parallel_loop3A_345] {strides = array<i32>} : memref<40x256xf32, #tpu.memory_space<vmem>>, vector<16xf32>,
        %parallel_loop3A_347 = arith.index_cast %parallel_loop3A_249 : i32 to index
        %parallel_loop3A_348 = arith.constant 80 : index
        %parallel_loop3A_349 = tpu.vector_load %arg18[%parallel_loop3A_347, %parallel_loop3A_348] {strides = array<i32>} : memref<40x256xf32, #tpu.memory_space<vmem>>, vector<16xf32>,
        %parallel_loop3A_350 = arith.index_cast %parallel_loop3A_249 : i32 to index
        %parallel_loop3A_351 = arith.constant 64 : index
        %parallel_loop3A_352 = tpu.vector_load %arg20[%parallel_loop3A_350, %parallel_loop3A_351] {strides = array<i32>} : memref<40x128xf32, #tpu.memory_space<vmem>>, vector<16xf32>,
        %parallel_loop3A_353 = arith.index_cast %parallel_loop3A_249 : i32 to index
        %parallel_loop3A_354 = arith.constant 80 : index
        %parallel_loop3A_355 = tpu.vector_load %arg20[%parallel_loop3A_353, %parallel_loop3A_354] {strides = array<i32>} : memref<40x128xf32, #tpu.memory_space<vmem>>, vector<16xf32>,
        %parallel_loop3A_356 = arith.mulf %parallel_loop3A_340, %parallel_loop3A_352 : vector<16xf32>
        %parallel_loop3A_357 = arith.mulf %parallel_loop3A_356, %parallel_loop3A_346 : vector<16xf32>
        %parallel_loop3A_358 = arith.mulf %parallel_loop3A_343, %parallel_loop3A_355 : vector<16xf32>
        %parallel_loop3A_359 = arith.mulf %parallel_loop3A_358, %parallel_loop3A_349 : vector<16xf32>
        %parallel_loop3A_360 = arith.addf %parallel_loop3A_357, %parallel_loop3A_359 : vector<16xf32>
        %parallel_loop3A_361 = arith.constant true
        %parallel_loop3A_362 = vector.broadcast %parallel_loop3A_361 : i1 to vector<16xi1>
        %parallel_loop3A_363 = tpu.scan <sum>, %parallel_loop3A_360 masked %parallel_loop3A_362 : vector<16xf32>, vector<16xi1> -> vector<16xf32>
        %parallel_loop3A_364 = vector.extract %parallel_loop3A_363[15] : f32 from vector<16xf32>
        %parallel_loop3A_365 = vector.broadcast %parallel_loop3A_364 : f32 to vector<16xf32>
        %parallel_loop3A_366 = arith.mulf %parallel_loop3A_365, %parallel_loop3A_251 : vector<16xf32>
        %parallel_loop3A_367 = arith.index_cast %parallel_loop3A_249 : i32 to index
        %parallel_loop3A_368 = arith.constant 192 : index
        %parallel_loop3A_369 = tpu.vector_load %arg18[%parallel_loop3A_367, %parallel_loop3A_368] {strides = array<i32>} : memref<40x256xf32, #tpu.memory_space<vmem>>, vector<16xf32>,
        %parallel_loop3A_370 = arith.mulf %parallel_loop3A_366, %parallel_loop3A_369 : vector<16xf32>
        %parallel_loop3A_371 = arith.index_cast %parallel_loop3A_249 : i32 to index
        %parallel_loop3A_372 = arith.constant 64 : index
        %parallel_loop3A_373 = tpu.vector_load %arg23[%parallel_loop3A_371, %parallel_loop3A_372] {strides = array<i32>} : memref<48x128xf32, #tpu.memory_space<vmem>>, vector<16xf32>,
        tpu.vector_store %arg23[%parallel_loop3A_371, %parallel_loop3A_372], %parallel_loop3A_370 {strides = array<i32>} : memref<48x128xf32, #tpu.memory_space<vmem>>, vector<16xf32>,
        %parallel_loop3A_374 = arith.index_cast %parallel_loop3A_249 : i32 to index
        %parallel_loop3A_375 = arith.constant 208 : index
        %parallel_loop3A_376 = tpu.vector_load %arg18[%parallel_loop3A_374, %parallel_loop3A_375] {strides = array<i32>} : memref<40x256xf32, #tpu.memory_space<vmem>>, vector<16xf32>,
        %parallel_loop3A_377 = arith.mulf %parallel_loop3A_366, %parallel_loop3A_376 : vector<16xf32>
        %parallel_loop3A_378 = arith.index_cast %parallel_loop3A_249 : i32 to index
        %parallel_loop3A_379 = arith.constant 80 : index
        %parallel_loop3A_380 = tpu.vector_load %arg23[%parallel_loop3A_378, %parallel_loop3A_379] {strides = array<i32>} : memref<48x128xf32, #tpu.memory_space<vmem>>, vector<16xf32>,
        tpu.vector_store %arg23[%parallel_loop3A_378, %parallel_loop3A_379], %parallel_loop3A_377 {strides = array<i32>} : memref<48x128xf32, #tpu.memory_space<vmem>>, vector<16xf32>,
        %parallel_loop3A_381 = arith.index_cast %parallel_loop3A_249 : i32 to index
        %parallel_loop3A_382 = arith.constant 96 : index
        %parallel_loop3A_383 = tpu.vector_load %arg16[%parallel_loop3A_381, %parallel_loop3A_382] {strides = array<i32>} : memref<40x128xf32, #tpu.memory_space<vmem>>, vector<16xf32>,
        %parallel_loop3A_384 = arith.index_cast %parallel_loop3A_249 : i32 to index
        %parallel_loop3A_385 = arith.constant 112 : index
        %parallel_loop3A_386 = tpu.vector_load %arg16[%parallel_loop3A_384, %parallel_loop3A_385] {strides = array<i32>} : memref<40x128xf32, #tpu.memory_space<vmem>>, vector<16xf32>,
        %parallel_loop3A_387 = arith.index_cast %parallel_loop3A_249 : i32 to index
        %parallel_loop3A_388 = arith.constant 96 : index
        %parallel_loop3A_389 = tpu.vector_load %arg18[%parallel_loop3A_387, %parallel_loop3A_388] {strides = array<i32>} : memref<40x256xf32, #tpu.memory_space<vmem>>, vector<16xf32>,
        %parallel_loop3A_390 = arith.index_cast %parallel_loop3A_249 : i32 to index
        %parallel_loop3A_391 = arith.constant 112 : index
        %parallel_loop3A_392 = tpu.vector_load %arg18[%parallel_loop3A_390, %parallel_loop3A_391] {strides = array<i32>} : memref<40x256xf32, #tpu.memory_space<vmem>>, vector<16xf32>,
        %parallel_loop3A_393 = arith.index_cast %parallel_loop3A_249 : i32 to index
        %parallel_loop3A_394 = arith.constant 96 : index
        %parallel_loop3A_395 = tpu.vector_load %arg20[%parallel_loop3A_393, %parallel_loop3A_394] {strides = array<i32>} : memref<40x128xf32, #tpu.memory_space<vmem>>, vector<16xf32>,
        %parallel_loop3A_396 = arith.index_cast %parallel_loop3A_249 : i32 to index
        %parallel_loop3A_397 = arith.constant 112 : index
        %parallel_loop3A_398 = tpu.vector_load %arg20[%parallel_loop3A_396, %parallel_loop3A_397] {strides = array<i32>} : memref<40x128xf32, #tpu.memory_space<vmem>>, vector<16xf32>,
        %parallel_loop3A_399 = arith.mulf %parallel_loop3A_383, %parallel_loop3A_395 : vector<16xf32>
        %parallel_loop3A_400 = arith.mulf %parallel_loop3A_399, %parallel_loop3A_389 : vector<16xf32>
        %parallel_loop3A_401 = arith.mulf %parallel_loop3A_386, %parallel_loop3A_398 : vector<16xf32>
        %parallel_loop3A_402 = arith.mulf %parallel_loop3A_401, %parallel_loop3A_392 : vector<16xf32>
        %parallel_loop3A_403 = arith.addf %parallel_loop3A_400, %parallel_loop3A_402 : vector<16xf32>
        %parallel_loop3A_404 = arith.constant true
        %parallel_loop3A_405 = vector.broadcast %parallel_loop3A_404 : i1 to vector<16xi1>
        %parallel_loop3A_406 = tpu.scan <sum>, %parallel_loop3A_403 masked %parallel_loop3A_405 : vector<16xf32>, vector<16xi1> -> vector<16xf32>
        %parallel_loop3A_407 = vector.extract %parallel_loop3A_406[15] : f32 from vector<16xf32>
        %parallel_loop3A_408 = vector.broadcast %parallel_loop3A_407 : f32 to vector<16xf32>
        %parallel_loop3A_409 = arith.mulf %parallel_loop3A_408, %parallel_loop3A_251 : vector<16xf32>
        %parallel_loop3A_410 = arith.index_cast %parallel_loop3A_249 : i32 to index
        %parallel_loop3A_411 = arith.constant 224 : index
        %parallel_loop3A_412 = tpu.vector_load %arg18[%parallel_loop3A_410, %parallel_loop3A_411] {strides = array<i32>} : memref<40x256xf32, #tpu.memory_space<vmem>>, vector<16xf32>,
        %parallel_loop3A_413 = arith.mulf %parallel_loop3A_409, %parallel_loop3A_412 : vector<16xf32>
        %parallel_loop3A_414 = arith.index_cast %parallel_loop3A_249 : i32 to index
        %parallel_loop3A_415 = arith.constant 96 : index
        %parallel_loop3A_416 = tpu.vector_load %arg23[%parallel_loop3A_414, %parallel_loop3A_415] {strides = array<i32>} : memref<48x128xf32, #tpu.memory_space<vmem>>, vector<16xf32>,
        tpu.vector_store %arg23[%parallel_loop3A_414, %parallel_loop3A_415], %parallel_loop3A_413 {strides = array<i32>} : memref<48x128xf32, #tpu.memory_space<vmem>>, vector<16xf32>,
        %parallel_loop3A_417 = arith.index_cast %parallel_loop3A_249 : i32 to index
        %parallel_loop3A_418 = arith.constant 240 : index
        %parallel_loop3A_419 = tpu.vector_load %arg18[%parallel_loop3A_417, %parallel_loop3A_418] {strides = array<i32>} : memref<40x256xf32, #tpu.memory_space<vmem>>, vector<16xf32>,
        %parallel_loop3A_420 = arith.mulf %parallel_loop3A_409, %parallel_loop3A_419 : vector<16xf32>
        %parallel_loop3A_421 = arith.index_cast %parallel_loop3A_249 : i32 to index
        %parallel_loop3A_422 = arith.constant 112 : index
        %parallel_loop3A_423 = tpu.vector_load %arg23[%parallel_loop3A_421, %parallel_loop3A_422] {strides = array<i32>} : memref<48x128xf32, #tpu.memory_space<vmem>>, vector<16xf32>,
        tpu.vector_store %arg23[%parallel_loop3A_421, %parallel_loop3A_422], %parallel_loop3A_420 {strides = array<i32>} : memref<48x128xf32, #tpu.memory_space<vmem>>, vector<16xf32>,
      } {sc.loop_unroll_factor = 4 : i64, sc.parallel_access}
      %dma_start3A_246 = arith.constant 0 : i32
      %dma_start3A_247 = arith.constant 0 : i32
      %dma_start3A_248 = tpu.memref_slice %arg24[%dma_start3A_246, %dma_start3A_247] : memref<10000x128xf32, #tpu.memory_space<vmem_shared>> -> memref<10000x128xf32, #tpu.memory_space<vmem_shared>>
      tpu.enqueue_indirect_dma source(%arg23 : memref<48x128xf32, #tpu.memory_space<vmem>>) target(%dma_start3A_248 : memref<10000x128xf32, #tpu.memory_space<vmem_shared>>) offsets(%arg14 : memref<48xi32, #tpu.memory_space<vmem>>) semaphore(%arg37 : memref<!tpu.dma_semaphore, #tpu.memory_space<semaphore_mem>>) {add = true}
    }
    %scan3A_87 = arith.constant 125 : i32
    %dma_wait3A_88 = arith.constant 0 : i32
    %dma_wait3A_89 = arith.constant 0 : i32
    %dma_wait3A_90 = tpu.memref_slice %arg24[%dma_wait3A_88, %dma_wait3A_89] : memref<10000x128xf32, #tpu.memory_space<vmem_shared>> -> memref<10000x128xf32, #tpu.memory_space<vmem_shared>>
    tpu.wait_indirect_dma semaphore(%arg37 : memref<!tpu.dma_semaphore, #tpu.memory_space<semaphore_mem>>) src(%arg23 : memref<48x128xf32, #tpu.memory_space<vmem>>) dst(%dma_wait3A_90 : memref<10000x128xf32, #tpu.memory_space<vmem_shared>>)
    %barrier3A_91 = arith.constant 0 : index
    tpu.barrier barrier_id(%barrier3A_91)
    %lt3A = arith.constant 15 : i32
    %lt3A_92 = arith.cmpi slt, %arg1, %lt3A : i32
    %convert_element_type3A_93 = arith.extui %lt3A_92 : i1 to i32
    %cond3A_94 = arith.constant 0 : i32
    %cond3A_95 = arith.cmpi ne, %convert_element_type3A_93, %cond3A_94 : i32
    scf.if %cond3A_95 {
      %mul3A_131 = arith.constant 624 : i32
      %mul3A_132 = arith.muli %arg1, %mul3A_131 : i32
      %mul3A_133 = arith.constant 624 : i32
      %mul3A_134 = arith.muli %arg1, %mul3A_133 : i32
      %run_scoped3A = arith.constant 0 : i32
      "tpu.region"() ({
        %run_scoped3A_135 = tpu.sem_alloc : memref<!tpu.dma_semaphore, #tpu.memory_space<semaphore_mem>>
        %dma_start3A_136 = arith.constant 0 : i32
        %dma_start3A_137 = tpu.memref_slice %arg8[%arg0, %run_scoped3A, %mul3A_134, %dma_start3A_136] : memref<2x4x10000x32xf32, #tpu.memory_space<hbm>> -> memref<1x1x624x32xf32, #tpu.memory_space<hbm>>
        %dma_start3A_138 = tpu.memref_squeeze %dma_start3A_137 : memref<1x1x624x32xf32, #tpu.memory_space<hbm>> -> memref<624x32xf32, #tpu.memory_space<hbm>>
        %dma_start3A_139 = arith.constant 0 : i32
        %dma_start3A_140 = tpu.memref_slice %arg24[%mul3A_132, %dma_start3A_139] : memref<10000x128xf32, #tpu.memory_space<vmem_shared>> -> memref<624x32xf32, #tpu.memory_space<vmem_shared>>
        tpu.enqueue_dma source(%dma_start3A_140 : memref<624x32xf32, #tpu.memory_space<vmem_shared>>) target(%dma_start3A_138 : memref<624x32xf32, #tpu.memory_space<hbm>>) target_semaphore(%run_scoped3A_135 : memref<!tpu.dma_semaphore, #tpu.memory_space<semaphore_mem>>)
        %dma_wait3A_141 = arith.constant 0 : i32
        %dma_wait3A_142 = tpu.memref_slice %arg8[%arg0, %run_scoped3A, %mul3A_134, %dma_wait3A_141] : memref<2x4x10000x32xf32, #tpu.memory_space<hbm>> -> memref<1x1x624x32xf32, #tpu.memory_space<hbm>>
        %dma_wait3A_143 = tpu.memref_squeeze %dma_wait3A_142 : memref<1x1x624x32xf32, #tpu.memory_space<hbm>> -> memref<624x32xf32, #tpu.memory_space<hbm>>
        %dma_wait3A_144 = arith.constant 0 : i32
        %dma_wait3A_145 = tpu.memref_slice %arg24[%mul3A_132, %dma_wait3A_144] : memref<10000x128xf32, #tpu.memory_space<vmem_shared>> -> memref<624x32xf32, #tpu.memory_space<vmem_shared>>
        tpu.wait_dma2 semaphore(%run_scoped3A_135 : memref<!tpu.dma_semaphore, #tpu.memory_space<semaphore_mem>>) src(%dma_wait3A_145 : memref<624x32xf32, #tpu.memory_space<vmem_shared>>) dst(%dma_wait3A_143 : memref<624x32xf32, #tpu.memory_space<hbm>>)
        tpu.yield
      }) : () -> ()
    } else {
    }
    %eq3A_96 = arith.constant 15 : i32
    %eq3A_97 = arith.cmpi eq, %arg1, %eq3A_96 : i32
    %convert_element_type3A_98 = arith.extui %eq3A_97 : i1 to i32
    %cond3A_99 = arith.constant 0 : i32
    %cond3A_100 = arith.cmpi ne, %convert_element_type3A_98, %cond3A_99 : i32
    scf.if %cond3A_100 {
      %run_scoped3A = arith.constant 0 : i32
      "tpu.region"() ({
        %run_scoped3A_131 = tpu.sem_alloc : memref<!tpu.dma_semaphore, #tpu.memory_space<semaphore_mem>>
        %dma_start3A_132 = arith.constant 9360 : i32
        %dma_start3A_133 = arith.constant 0 : i32
        %dma_start3A_134 = tpu.memref_slice %arg8[%arg0, %run_scoped3A, %dma_start3A_132, %dma_start3A_133] : memref<2x4x10000x32xf32, #tpu.memory_space<hbm>> -> memref<1x1x640x32xf32, #tpu.memory_space<hbm>>
        %dma_start3A_135 = tpu.memref_squeeze %dma_start3A_134 : memref<1x1x640x32xf32, #tpu.memory_space<hbm>> -> memref<640x32xf32, #tpu.memory_space<hbm>>
        %dma_start3A_136 = arith.constant 9360 : i32
        %dma_start3A_137 = arith.constant 0 : i32
        %dma_start3A_138 = tpu.memref_slice %arg24[%dma_start3A_136, %dma_start3A_137] : memref<10000x128xf32, #tpu.memory_space<vmem_shared>> -> memref<640x32xf32, #tpu.memory_space<vmem_shared>>
        tpu.enqueue_dma source(%dma_start3A_138 : memref<640x32xf32, #tpu.memory_space<vmem_shared>>) target(%dma_start3A_135 : memref<640x32xf32, #tpu.memory_space<hbm>>) target_semaphore(%run_scoped3A_131 : memref<!tpu.dma_semaphore, #tpu.memory_space<semaphore_mem>>)
        %dma_wait3A_139 = arith.constant 9360 : i32
        %dma_wait3A_140 = arith.constant 0 : i32
        %dma_wait3A_141 = tpu.memref_slice %arg8[%arg0, %run_scoped3A, %dma_wait3A_139, %dma_wait3A_140] : memref<2x4x10000x32xf32, #tpu.memory_space<hbm>> -> memref<1x1x640x32xf32, #tpu.memory_space<hbm>>
        %dma_wait3A_142 = tpu.memref_squeeze %dma_wait3A_141 : memref<1x1x640x32xf32, #tpu.memory_space<hbm>> -> memref<640x32xf32, #tpu.memory_space<hbm>>
        %dma_wait3A_143 = arith.constant 9360 : i32
        %dma_wait3A_144 = arith.constant 0 : i32
        %dma_wait3A_145 = tpu.memref_slice %arg24[%dma_wait3A_143, %dma_wait3A_144] : memref<10000x128xf32, #tpu.memory_space<vmem_shared>> -> memref<640x32xf32, #tpu.memory_space<vmem_shared>>
        tpu.wait_dma2 semaphore(%run_scoped3A_131 : memref<!tpu.dma_semaphore, #tpu.memory_space<semaphore_mem>>) src(%dma_wait3A_145 : memref<640x32xf32, #tpu.memory_space<vmem_shared>>) dst(%dma_wait3A_142 : memref<640x32xf32, #tpu.memory_space<hbm>>)
        tpu.yield
      }) : () -> ()
    } else {
    }
    %lt3A_101 = arith.constant 15 : i32
    %lt3A_102 = arith.cmpi slt, %arg1, %lt3A_101 : i32
    %convert_element_type3A_103 = arith.extui %lt3A_102 : i1 to i32
    %cond3A_104 = arith.constant 0 : i32
    %cond3A_105 = arith.cmpi ne, %convert_element_type3A_103, %cond3A_104 : i32
    scf.if %cond3A_105 {
      %mul3A_131 = arith.constant 624 : i32
      %mul3A_132 = arith.muli %arg1, %mul3A_131 : i32
      %mul3A_133 = arith.constant 624 : i32
      %mul3A_134 = arith.muli %arg1, %mul3A_133 : i32
      %run_scoped3A = arith.constant 1 : i32
      "tpu.region"() ({
        %run_scoped3A_135 = tpu.sem_alloc : memref<!tpu.dma_semaphore, #tpu.memory_space<semaphore_mem>>
        %dma_start3A_136 = arith.constant 0 : i32
        %dma_start3A_137 = tpu.memref_slice %arg8[%arg0, %run_scoped3A, %mul3A_134, %dma_start3A_136] : memref<2x4x10000x32xf32, #tpu.memory_space<hbm>> -> memref<1x1x624x32xf32, #tpu.memory_space<hbm>>
        %dma_start3A_138 = tpu.memref_squeeze %dma_start3A_137 : memref<1x1x624x32xf32, #tpu.memory_space<hbm>> -> memref<624x32xf32, #tpu.memory_space<hbm>>
        %dma_start3A_139 = arith.constant 32 : i32
        %dma_start3A_140 = tpu.memref_slice %arg24[%mul3A_132, %dma_start3A_139] : memref<10000x128xf32, #tpu.memory_space<vmem_shared>> -> memref<624x32xf32, #tpu.memory_space<vmem_shared>>
        tpu.enqueue_dma source(%dma_start3A_140 : memref<624x32xf32, #tpu.memory_space<vmem_shared>>) target(%dma_start3A_138 : memref<624x32xf32, #tpu.memory_space<hbm>>) target_semaphore(%run_scoped3A_135 : memref<!tpu.dma_semaphore, #tpu.memory_space<semaphore_mem>>)
        %dma_wait3A_141 = arith.constant 0 : i32
        %dma_wait3A_142 = tpu.memref_slice %arg8[%arg0, %run_scoped3A, %mul3A_134, %dma_wait3A_141] : memref<2x4x10000x32xf32, #tpu.memory_space<hbm>> -> memref<1x1x624x32xf32, #tpu.memory_space<hbm>>
        %dma_wait3A_143 = tpu.memref_squeeze %dma_wait3A_142 : memref<1x1x624x32xf32, #tpu.memory_space<hbm>> -> memref<624x32xf32, #tpu.memory_space<hbm>>
        %dma_wait3A_144 = arith.constant 32 : i32
        %dma_wait3A_145 = tpu.memref_slice %arg24[%mul3A_132, %dma_wait3A_144] : memref<10000x128xf32, #tpu.memory_space<vmem_shared>> -> memref<624x32xf32, #tpu.memory_space<vmem_shared>>
        tpu.wait_dma2 semaphore(%run_scoped3A_135 : memref<!tpu.dma_semaphore, #tpu.memory_space<semaphore_mem>>) src(%dma_wait3A_145 : memref<624x32xf32, #tpu.memory_space<vmem_shared>>) dst(%dma_wait3A_143 : memref<624x32xf32, #tpu.memory_space<hbm>>)
        tpu.yield
      }) : () -> ()
    } else {
    }
    %eq3A_106 = arith.constant 15 : i32
    %eq3A_107 = arith.cmpi eq, %arg1, %eq3A_106 : i32
    %convert_element_type3A_108 = arith.extui %eq3A_107 : i1 to i32
    %cond3A_109 = arith.constant 0 : i32
    %cond3A_110 = arith.cmpi ne, %convert_element_type3A_108, %cond3A_109 : i32
    scf.if %cond3A_110 {
      %run_scoped3A = arith.constant 1 : i32
      "tpu.region"() ({
        %run_scoped3A_131 = tpu.sem_alloc : memref<!tpu.dma_semaphore, #tpu.memory_space<semaphore_mem>>
        %dma_start3A_132 = arith.constant 9360 : i32
        %dma_start3A_133 = arith.constant 0 : i32
        %dma_start3A_134 = tpu.memref_slice %arg8[%arg0, %run_scoped3A, %dma_start3A_132, %dma_start3A_133] : memref<2x4x10000x32xf32, #tpu.memory_space<hbm>> -> memref<1x1x640x32xf32, #tpu.memory_space<hbm>>
        %dma_start3A_135 = tpu.memref_squeeze %dma_start3A_134 : memref<1x1x640x32xf32, #tpu.memory_space<hbm>> -> memref<640x32xf32, #tpu.memory_space<hbm>>
        %dma_start3A_136 = arith.constant 9360 : i32
        %dma_start3A_137 = arith.constant 32 : i32
        %dma_start3A_138 = tpu.memref_slice %arg24[%dma_start3A_136, %dma_start3A_137] : memref<10000x128xf32, #tpu.memory_space<vmem_shared>> -> memref<640x32xf32, #tpu.memory_space<vmem_shared>>
        tpu.enqueue_dma source(%dma_start3A_138 : memref<640x32xf32, #tpu.memory_space<vmem_shared>>) target(%dma_start3A_135 : memref<640x32xf32, #tpu.memory_space<hbm>>) target_semaphore(%run_scoped3A_131 : memref<!tpu.dma_semaphore, #tpu.memory_space<semaphore_mem>>)
        %dma_wait3A_139 = arith.constant 9360 : i32
        %dma_wait3A_140 = arith.constant 0 : i32
        %dma_wait3A_141 = tpu.memref_slice %arg8[%arg0, %run_scoped3A, %dma_wait3A_139, %dma_wait3A_140] : memref<2x4x10000x32xf32, #tpu.memory_space<hbm>> -> memref<1x1x640x32xf32, #tpu.memory_space<hbm>>
        %dma_wait3A_142 = tpu.memref_squeeze %dma_wait3A_141 : memref<1x1x640x32xf32, #tpu.memory_space<hbm>> -> memref<640x32xf32, #tpu.memory_space<hbm>>
        %dma_wait3A_143 = arith.constant 9360 : i32
        %dma_wait3A_144 = arith.constant 32 : i32
        %dma_wait3A_145 = tpu.memref_slice %arg24[%dma_wait3A_143, %dma_wait3A_144] : memref<10000x128xf32, #tpu.memory_space<vmem_shared>> -> memref<640x32xf32, #tpu.memory_space<vmem_shared>>
        tpu.wait_dma2 semaphore(%run_scoped3A_131 : memref<!tpu.dma_semaphore, #tpu.memory_space<semaphore_mem>>) src(%dma_wait3A_145 : memref<640x32xf32, #tpu.memory_space<vmem_shared>>) dst(%dma_wait3A_142 : memref<640x32xf32, #tpu.memory_space<hbm>>)
        tpu.yield
      }) : () -> ()
    } else {
    }
    %lt3A_111 = arith.constant 15 : i32
    %lt3A_112 = arith.cmpi slt, %arg1, %lt3A_111 : i32
    %convert_element_type3A_113 = arith.extui %lt3A_112 : i1 to i32
    %cond3A_114 = arith.constant 0 : i32
    %cond3A_115 = arith.cmpi ne, %convert_element_type3A_113, %cond3A_114 : i32
    scf.if %cond3A_115 {
      %mul3A_131 = arith.constant 624 : i32
      %mul3A_132 = arith.muli %arg1, %mul3A_131 : i32
      %mul3A_133 = arith.constant 624 : i32
      %mul3A_134 = arith.muli %arg1, %mul3A_133 : i32
      %run_scoped3A = arith.constant 2 : i32
      "tpu.region"() ({
        %run_scoped3A_135 = tpu.sem_alloc : memref<!tpu.dma_semaphore, #tpu.memory_space<semaphore_mem>>
        %dma_start3A_136 = arith.constant 0 : i32
        %dma_start3A_137 = tpu.memref_slice %arg8[%arg0, %run_scoped3A, %mul3A_134, %dma_start3A_136] : memref<2x4x10000x32xf32, #tpu.memory_space<hbm>> -> memref<1x1x624x32xf32, #tpu.memory_space<hbm>>
        %dma_start3A_138 = tpu.memref_squeeze %dma_start3A_137 : memref<1x1x624x32xf32, #tpu.memory_space<hbm>> -> memref<624x32xf32, #tpu.memory_space<hbm>>
        %dma_start3A_139 = arith.constant 64 : i32
        %dma_start3A_140 = tpu.memref_slice %arg24[%mul3A_132, %dma_start3A_139] : memref<10000x128xf32, #tpu.memory_space<vmem_shared>> -> memref<624x32xf32, #tpu.memory_space<vmem_shared>>
        tpu.enqueue_dma source(%dma_start3A_140 : memref<624x32xf32, #tpu.memory_space<vmem_shared>>) target(%dma_start3A_138 : memref<624x32xf32, #tpu.memory_space<hbm>>) target_semaphore(%run_scoped3A_135 : memref<!tpu.dma_semaphore, #tpu.memory_space<semaphore_mem>>)
        %dma_wait3A_141 = arith.constant 0 : i32
        %dma_wait3A_142 = tpu.memref_slice %arg8[%arg0, %run_scoped3A, %mul3A_134, %dma_wait3A_141] : memref<2x4x10000x32xf32, #tpu.memory_space<hbm>> -> memref<1x1x624x32xf32, #tpu.memory_space<hbm>>
        %dma_wait3A_143 = tpu.memref_squeeze %dma_wait3A_142 : memref<1x1x624x32xf32, #tpu.memory_space<hbm>> -> memref<624x32xf32, #tpu.memory_space<hbm>>
        %dma_wait3A_144 = arith.constant 64 : i32
        %dma_wait3A_145 = tpu.memref_slice %arg24[%mul3A_132, %dma_wait3A_144] : memref<10000x128xf32, #tpu.memory_space<vmem_shared>> -> memref<624x32xf32, #tpu.memory_space<vmem_shared>>
        tpu.wait_dma2 semaphore(%run_scoped3A_135 : memref<!tpu.dma_semaphore, #tpu.memory_space<semaphore_mem>>) src(%dma_wait3A_145 : memref<624x32xf32, #tpu.memory_space<vmem_shared>>) dst(%dma_wait3A_143 : memref<624x32xf32, #tpu.memory_space<hbm>>)
        tpu.yield
      }) : () -> ()
    } else {
    }
    %eq3A_116 = arith.constant 15 : i32
    %eq3A_117 = arith.cmpi eq, %arg1, %eq3A_116 : i32
    %convert_element_type3A_118 = arith.extui %eq3A_117 : i1 to i32
    %cond3A_119 = arith.constant 0 : i32
    %cond3A_120 = arith.cmpi ne, %convert_element_type3A_118, %cond3A_119 : i32
    scf.if %cond3A_120 {
      %run_scoped3A = arith.constant 2 : i32
      "tpu.region"() ({
        %run_scoped3A_131 = tpu.sem_alloc : memref<!tpu.dma_semaphore, #tpu.memory_space<semaphore_mem>>
        %dma_start3A_132 = arith.constant 9360 : i32
        %dma_start3A_133 = arith.constant 0 : i32
        %dma_start3A_134 = tpu.memref_slice %arg8[%arg0, %run_scoped3A, %dma_start3A_132, %dma_start3A_133] : memref<2x4x10000x32xf32, #tpu.memory_space<hbm>> -> memref<1x1x640x32xf32, #tpu.memory_space<hbm>>
        %dma_start3A_135 = tpu.memref_squeeze %dma_start3A_134 : memref<1x1x640x32xf32, #tpu.memory_space<hbm>> -> memref<640x32xf32, #tpu.memory_space<hbm>>
        %dma_start3A_136 = arith.constant 9360 : i32
        %dma_start3A_137 = arith.constant 64 : i32
        %dma_start3A_138 = tpu.memref_slice %arg24[%dma_start3A_136, %dma_start3A_137] : memref<10000x128xf32, #tpu.memory_space<vmem_shared>> -> memref<640x32xf32, #tpu.memory_space<vmem_shared>>
        tpu.enqueue_dma source(%dma_start3A_138 : memref<640x32xf32, #tpu.memory_space<vmem_shared>>) target(%dma_start3A_135 : memref<640x32xf32, #tpu.memory_space<hbm>>) target_semaphore(%run_scoped3A_131 : memref<!tpu.dma_semaphore, #tpu.memory_space<semaphore_mem>>)
        %dma_wait3A_139 = arith.constant 9360 : i32
        %dma_wait3A_140 = arith.constant 0 : i32
        %dma_wait3A_141 = tpu.memref_slice %arg8[%arg0, %run_scoped3A, %dma_wait3A_139, %dma_wait3A_140] : memref<2x4x10000x32xf32, #tpu.memory_space<hbm>> -> memref<1x1x640x32xf32, #tpu.memory_space<hbm>>
        %dma_wait3A_142 = tpu.memref_squeeze %dma_wait3A_141 : memref<1x1x640x32xf32, #tpu.memory_space<hbm>> -> memref<640x32xf32, #tpu.memory_space<hbm>>
        %dma_wait3A_143 = arith.constant 9360 : i32
        %dma_wait3A_144 = arith.constant 64 : i32
        %dma_wait3A_145 = tpu.memref_slice %arg24[%dma_wait3A_143, %dma_wait3A_144] : memref<10000x128xf32, #tpu.memory_space<vmem_shared>> -> memref<640x32xf32, #tpu.memory_space<vmem_shared>>
        tpu.wait_dma2 semaphore(%run_scoped3A_131 : memref<!tpu.dma_semaphore, #tpu.memory_space<semaphore_mem>>) src(%dma_wait3A_145 : memref<640x32xf32, #tpu.memory_space<vmem_shared>>) dst(%dma_wait3A_142 : memref<640x32xf32, #tpu.memory_space<hbm>>)
        tpu.yield
      }) : () -> ()
    } else {
    }
    %lt3A_121 = arith.constant 15 : i32
    %lt3A_122 = arith.cmpi slt, %arg1, %lt3A_121 : i32
    %convert_element_type3A_123 = arith.extui %lt3A_122 : i1 to i32
    %cond3A_124 = arith.constant 0 : i32
    %cond3A_125 = arith.cmpi ne, %convert_element_type3A_123, %cond3A_124 : i32
    scf.if %cond3A_125 {
      %mul3A_131 = arith.constant 624 : i32
      %mul3A_132 = arith.muli %arg1, %mul3A_131 : i32
      %mul3A_133 = arith.constant 624 : i32
      %mul3A_134 = arith.muli %arg1, %mul3A_133 : i32
      %run_scoped3A = arith.constant 3 : i32
      "tpu.region"() ({
        %run_scoped3A_135 = tpu.sem_alloc : memref<!tpu.dma_semaphore, #tpu.memory_space<semaphore_mem>>
        %dma_start3A_136 = arith.constant 0 : i32
        %dma_start3A_137 = tpu.memref_slice %arg8[%arg0, %run_scoped3A, %mul3A_134, %dma_start3A_136] : memref<2x4x10000x32xf32, #tpu.memory_space<hbm>> -> memref<1x1x624x32xf32, #tpu.memory_space<hbm>>
        %dma_start3A_138 = tpu.memref_squeeze %dma_start3A_137 : memref<1x1x624x32xf32, #tpu.memory_space<hbm>> -> memref<624x32xf32, #tpu.memory_space<hbm>>
        %dma_start3A_139 = arith.constant 96 : i32
        %dma_start3A_140 = tpu.memref_slice %arg24[%mul3A_132, %dma_start3A_139] : memref<10000x128xf32, #tpu.memory_space<vmem_shared>> -> memref<624x32xf32, #tpu.memory_space<vmem_shared>>
        tpu.enqueue_dma source(%dma_start3A_140 : memref<624x32xf32, #tpu.memory_space<vmem_shared>>) target(%dma_start3A_138 : memref<624x32xf32, #tpu.memory_space<hbm>>) target_semaphore(%run_scoped3A_135 : memref<!tpu.dma_semaphore, #tpu.memory_space<semaphore_mem>>)
        %dma_wait3A_141 = arith.constant 0 : i32
        %dma_wait3A_142 = tpu.memref_slice %arg8[%arg0, %run_scoped3A, %mul3A_134, %dma_wait3A_141] : memref<2x4x10000x32xf32, #tpu.memory_space<hbm>> -> memref<1x1x624x32xf32, #tpu.memory_space<hbm>>
        %dma_wait3A_143 = tpu.memref_squeeze %dma_wait3A_142 : memref<1x1x624x32xf32, #tpu.memory_space<hbm>> -> memref<624x32xf32, #tpu.memory_space<hbm>>
        %dma_wait3A_144 = arith.constant 96 : i32
        %dma_wait3A_145 = tpu.memref_slice %arg24[%mul3A_132, %dma_wait3A_144] : memref<10000x128xf32, #tpu.memory_space<vmem_shared>> -> memref<624x32xf32, #tpu.memory_space<vmem_shared>>
        tpu.wait_dma2 semaphore(%run_scoped3A_135 : memref<!tpu.dma_semaphore, #tpu.memory_space<semaphore_mem>>) src(%dma_wait3A_145 : memref<624x32xf32, #tpu.memory_space<vmem_shared>>) dst(%dma_wait3A_143 : memref<624x32xf32, #tpu.memory_space<hbm>>)
        tpu.yield
      }) : () -> ()
    } else {
    }
    %eq3A_126 = arith.constant 15 : i32
    %eq3A_127 = arith.cmpi eq, %arg1, %eq3A_126 : i32
    %convert_element_type3A_128 = arith.extui %eq3A_127 : i1 to i32
    %cond3A_129 = arith.constant 0 : i32
    %cond3A_130 = arith.cmpi ne, %convert_element_type3A_128, %cond3A_129 : i32
    scf.if %cond3A_130 {
      %run_scoped3A = arith.constant 3 : i32
      "tpu.region"() ({
        %run_scoped3A_131 = tpu.sem_alloc : memref<!tpu.dma_semaphore, #tpu.memory_space<semaphore_mem>>
        %dma_start3A_132 = arith.constant 9360 : i32
        %dma_start3A_133 = arith.constant 0 : i32
        %dma_start3A_134 = tpu.memref_slice %arg8[%arg0, %run_scoped3A, %dma_start3A_132, %dma_start3A_133] : memref<2x4x10000x32xf32, #tpu.memory_space<hbm>> -> memref<1x1x640x32xf32, #tpu.memory_space<hbm>>
        %dma_start3A_135 = tpu.memref_squeeze %dma_start3A_134 : memref<1x1x640x32xf32, #tpu.memory_space<hbm>> -> memref<640x32xf32, #tpu.memory_space<hbm>>
        %dma_start3A_136 = arith.constant 9360 : i32
        %dma_start3A_137 = arith.constant 96 : i32
        %dma_start3A_138 = tpu.memref_slice %arg24[%dma_start3A_136, %dma_start3A_137] : memref<10000x128xf32, #tpu.memory_space<vmem_shared>> -> memref<640x32xf32, #tpu.memory_space<vmem_shared>>
        tpu.enqueue_dma source(%dma_start3A_138 : memref<640x32xf32, #tpu.memory_space<vmem_shared>>) target(%dma_start3A_135 : memref<640x32xf32, #tpu.memory_space<hbm>>) target_semaphore(%run_scoped3A_131 : memref<!tpu.dma_semaphore, #tpu.memory_space<semaphore_mem>>)
        %dma_wait3A_139 = arith.constant 9360 : i32
        %dma_wait3A_140 = arith.constant 0 : i32
        %dma_wait3A_141 = tpu.memref_slice %arg8[%arg0, %run_scoped3A, %dma_wait3A_139, %dma_wait3A_140] : memref<2x4x10000x32xf32, #tpu.memory_space<hbm>> -> memref<1x1x640x32xf32, #tpu.memory_space<hbm>>
        %dma_wait3A_142 = tpu.memref_squeeze %dma_wait3A_141 : memref<1x1x640x32xf32, #tpu.memory_space<hbm>> -> memref<640x32xf32, #tpu.memory_space<hbm>>
        %dma_wait3A_143 = arith.constant 9360 : i32
        %dma_wait3A_144 = arith.constant 96 : i32
        %dma_wait3A_145 = tpu.memref_slice %arg24[%dma_wait3A_143, %dma_wait3A_144] : memref<10000x128xf32, #tpu.memory_space<vmem_shared>> -> memref<640x32xf32, #tpu.memory_space<vmem_shared>>
        tpu.wait_dma2 semaphore(%run_scoped3A_131 : memref<!tpu.dma_semaphore, #tpu.memory_space<semaphore_mem>>) src(%dma_wait3A_145 : memref<640x32xf32, #tpu.memory_space<vmem_shared>>) dst(%dma_wait3A_142 : memref<640x32xf32, #tpu.memory_space<hbm>>)
        tpu.yield
      }) : () -> ()
    } else {
    }
    return
  }
}

module attributes {stable_mosaic.version = 14 : i64} {
  func.func @_qkv_body(%arg0: i32, %arg1: memref<2000x128xf32, #tpu.memory_space<vmem>>, %arg2: memref<128x128xf32, #tpu.memory_space<vmem>>, %arg3: memref<128x256xf32, #tpu.memory_space<vmem>>, %arg4: memref<2000x128xf32, #tpu.memory_space<vmem>>, %arg5: memref<2000x256xf32, #tpu.memory_space<vmem>>) attributes {dimension_semantics = [#tpu.dimension_semantics<arbitrary>], iteration_bounds = array<i64: 5>, scalar_prefetch = 0 : i64, scratch_operands = 0 : i64, tpu.core_type = #tpu.core_type<tc>, window_params = [{transform_indices = @transform_0, window_bounds = array<i64: 2000, 128>}, {pipeline_mode = #tpu.pipeline_mode<synchronous>, transform_indices = @transform_1, window_bounds = array<i64: 128, 128>}, {pipeline_mode = #tpu.pipeline_mode<synchronous>, transform_indices = @transform_2, window_bounds = array<i64: 128, 256>}, {transform_indices = @transform_3, window_bounds = array<i64: 2000, 128>}, {transform_indices = @transform_4, window_bounds = array<i64: 2000, 256>}]} {
    %get3A = arith.constant 0 : index
    %get3A_0 = arith.constant 0 : index
    %get3A_1 = vector.load %arg1[%get3A, %get3A_0] : memref<2000x128xf32, #tpu.memory_space<vmem>>, vector<2000x128xf32>
    %get3A_2 = arith.constant 0 : index
    %get3A_3 = arith.constant 0 : index
    %get3A_4 = vector.load %arg2[%get3A_2, %get3A_3] : memref<128x128xf32, #tpu.memory_space<vmem>>, vector<128x128xf32>
    %dot_general3A = arith.constant dense<0.000000e+00> : vector<2000x128xf32>
    %dot_general3A_5 = tpu.matmul %get3A_1, %get3A_4, %dot_general3A {dimension_numbers = #tpu.dot_dimension_numbers<[1], [0], [0], [1], [0, 0, 1, 1], [], []>, precision = #tpu.contract_precision<fp32>, transpose_lhs_hint = false} : vector<2000x128xf32>, vector<128x128xf32>, vector<2000x128xf32> -> vector<2000x128xf32>
    %swap3A = arith.constant 0 : index
    %swap3A_6 = arith.constant 0 : index
    %swap3A_7 = vector.load %arg4[%swap3A, %swap3A_6] : memref<2000x128xf32, #tpu.memory_space<vmem>>, vector<2000x128xf32>
    tpu.vector_store %arg4[%swap3A, %swap3A_6], %dot_general3A_5 {strides = array<i32>} : memref<2000x128xf32, #tpu.memory_space<vmem>>, vector<2000x128xf32>,
    %get3A_8 = arith.constant 0 : index
    %get3A_9 = arith.constant 0 : index
    %get3A_10 = vector.load %arg3[%get3A_8, %get3A_9] : memref<128x256xf32, #tpu.memory_space<vmem>>, vector<128x256xf32>
    %dot_general3A_11 = arith.constant dense<0.000000e+00> : vector<2000x256xf32>
    %dot_general3A_12 = tpu.matmul %get3A_1, %get3A_10, %dot_general3A_11 {dimension_numbers = #tpu.dot_dimension_numbers<[1], [0], [0], [1], [0, 0, 1, 1], [], []>, precision = #tpu.contract_precision<fp32>, transpose_lhs_hint = false} : vector<2000x128xf32>, vector<128x256xf32>, vector<2000x256xf32> -> vector<2000x256xf32>
    %swap3A_13 = arith.constant 0 : index
    %swap3A_14 = arith.constant 0 : index
    %swap3A_15 = vector.load %arg5[%swap3A_13, %swap3A_14] : memref<2000x256xf32, #tpu.memory_space<vmem>>, vector<2000x256xf32>
    tpu.vector_store %arg5[%swap3A_13, %swap3A_14], %dot_general3A_12 {strides = array<i32>} : memref<2000x256xf32, #tpu.memory_space<vmem>>, vector<2000x256xf32>,
    return
  }
  func.func @transform_0(%arg0: i32) -> (i32, i32) {
    %c0_i32 = arith.constant 0 : i32
    %c0_i32_0 = arith.constant 0 : i32
    return %arg0, %c0_i32 : i32, i32
  }
  func.func @transform_1(%arg0: i32) -> (i32, i32) {
    %c0_i32 = arith.constant 0 : i32
    %c0_i32_0 = arith.constant 0 : i32
    %c0_i32_1 = arith.constant 0 : i32
    return %c0_i32, %c0_i32_0 : i32, i32
  }
  func.func @transform_2(%arg0: i32) -> (i32, i32) {
    %c0_i32 = arith.constant 0 : i32
    %c0_i32_0 = arith.constant 0 : i32
    %c0_i32_1 = arith.constant 0 : i32
    return %c0_i32, %c0_i32_0 : i32, i32
  }
  func.func @transform_3(%arg0: i32) -> (i32, i32) {
    %c0_i32 = arith.constant 0 : i32
    %c0_i32_0 = arith.constant 0 : i32
    return %arg0, %c0_i32 : i32, i32
  }
  func.func @transform_4(%arg0: i32) -> (i32, i32) {
    %c0_i32 = arith.constant 0 : i32
    %c0_i32_0 = arith.constant 0 : i32
    return %arg0, %c0_i32 : i32, i32
  }
}

module attributes {stable_mosaic.version = 14 : i64} {
  func.func @_add_body(%arg0: i32, %arg1: memref<2x2000x128xf32, #tpu.memory_space<vmem>>, %arg2: memref<2000x128xf32, #tpu.memory_space<vmem>>) attributes {dimension_semantics = [#tpu.dimension_semantics<arbitrary>], iteration_bounds = array<i64: 5>, scalar_prefetch = 0 : i64, scratch_operands = 0 : i64, tpu.core_type = #tpu.core_type<tc>, window_params = [{transform_indices = @transform_0, window_bounds = array<i64: 2, 2000, 128>}, {transform_indices = @transform_1, window_bounds = array<i64: 2000, 128>}]} {
    %get3A = arith.constant 0 : index
    %get3A_0 = arith.constant 0 : index
    %get3A_1 = arith.constant 0 : index
    %get3A_2 = vector.load %arg1[%get3A, %get3A_0, %get3A_1] : memref<2x2000x128xf32, #tpu.memory_space<vmem>>, vector<1x2000x128xf32>
    %get3A_3 = vector.shape_cast %get3A_2 : vector<1x2000x128xf32> to vector<2000x128xf32>
    %get3A_4 = arith.constant 1 : index
    %get3A_5 = arith.constant 0 : index
    %get3A_6 = arith.constant 0 : index
    %get3A_7 = vector.load %arg1[%get3A_4, %get3A_5, %get3A_6] : memref<2x2000x128xf32, #tpu.memory_space<vmem>>, vector<1x2000x128xf32>
    %get3A_8 = vector.shape_cast %get3A_7 : vector<1x2000x128xf32> to vector<2000x128xf32>
    %add3A = arith.addf %get3A_3, %get3A_8 : vector<2000x128xf32>
    %swap3A = arith.constant 0 : index
    %swap3A_9 = arith.constant 0 : index
    %swap3A_10 = vector.load %arg2[%swap3A, %swap3A_9] : memref<2000x128xf32, #tpu.memory_space<vmem>>, vector<2000x128xf32>
    tpu.vector_store %arg2[%swap3A, %swap3A_9], %add3A {strides = array<i32>} : memref<2000x128xf32, #tpu.memory_space<vmem>>, vector<2000x128xf32>,
    return
  }
  func.func @transform_0(%arg0: i32) -> (i32, i32, i32) {
    %c0_i32 = arith.constant 0 : i32
    %c0_i32_0 = arith.constant 0 : i32
    %c0_i32_1 = arith.constant 0 : i32
    return %c0_i32, %arg0, %c0_i32_0 : i32, i32, i32
  }
  func.func @transform_1(%arg0: i32) -> (i32, i32) {
    %c0_i32 = arith.constant 0 : i32
    %c0_i32_0 = arith.constant 0 : i32
    return %arg0, %c0_i32 : i32, i32
  }
}

</mosaic_0001>

<sc_bundles>
// kernel: kernel.5.cloned.1.call-start
scs
__scs_entry_jumppad:
0x0: {  	(pc) =	sbr.rel $0x88, $3  }
0x1: {  	(tag) =	ssettag $0x0;
	lr =	simm.s32 $0x1  }
0x2: {  	[smem:$0x3F99] =	sst lr;
	_ =	strace $0xD0000000  }
0x3: {  	_ = 	snop  }
0x4: {  	_ = 	snop  }
0x5: {  	_ = 	snop  }
0x6: {  	_ = 	snop  }
0x7: {  	_ = 	snop  }
__scs_overlays_trampoline_lowered:
0x8: {  	[smem:$0x3FA8] =	sst s0  }
0x9: {  	[smem:$0x3FA9] =	sst s1  }
0xa: {  	[smem:$0x3FAA] =	sst s2  }
0xb: {  	[smem:$0x3FAB] =	sst s3  }
0xc: {  	[smem:$0x3FAC] =	sst s4  }
0xd: {  	[smem:$0x3FAD] =	sst s5  }
0xe: {  	[smem:$0x3FAE] =	sst s6  }
0xf: {  	[smem:$0x3FAF] =	sst s7  }
0x10: {  	[smem:$0x3FB0] =	sst s8  }
0x11: {  	[smem:$0x3FB1] =	sst s9;
	s0 =	simm.s32 @!p0 $0x0  }
0x12: {  	s1 =	sld [smem:$0x3F97];
	s0 =	simm.s32 @p0 $0x1  }
0x13: {  	[smem:$0x3FB2] =	sst s0;
	s0 =	simm.s32 @!p1 $0x0  }
0x14: {  	s2 =	sld [smem:$0x3F96];
	s0 =	simm.s32 @p1 $0x1  }
0x15: {  	[smem:$0x3FB3] =	sst s0;
	s0 =	simm.s32 @!p2 $0x0  }
0x16: {  	s3 =	sld [smem:$0x3FDB];
	s0 =	simm.s32 @p2 $0x1  }
0x17: {  	s4 =	simm.s32 $0x1BF5;
	[smem:$0x3FB5] =	sst s0  }
0x18: {  	s0 =	sld [smem:$0x3F98];
	_ =	swait.ge [sflag:s4], $0x0  }
0x19: {  	s7 =	sld [smem:$0x3F99]  }
0x1a: {  	s8 =	sadd.s32 $0xFFFFE003, lr  }
0x1b: {  	s9 =	sadd.s32 $0xFFFFFEF7, lr;
	s5 =	simm.s32 $0xFFFFFFFF;
	p2 =	slt.u32 s8, $0xFFFFF086  }
0x1c: {  	p1 =	slt.u32 s9, $0xF7A;
	s5 =	simm.s32 @!p2 $0x0  }
0x1d: {  	s5 =	simm.s32 @p1 $0x1;
	p0 =	seq.s32 s7, s2  }
0x1e: {  	s7 =	smul.u32 @!p0 $0xF7A, s2;
	p2 =	seq.s32 @!p0 s5, $0x0  }
0x1f: {  	s9 =	smul.u32 $0xF7A, s1;
	s8 =	simm.s32 @!p0 $0x1BF5;
	p2 =	por !p2, p0  }
0x20: {  	[sflag:s8] =	ssyncset.s32 @!p0 $0xFFFFF086;
	s6 =	sadd.s32 @!p0 s3, s7;
	s7 =	simm.s32 @!p0 $0x108  }
0x21: {  	s3 =	sadd.s32 s3, s9;
	s6 =	sadd.s32 @!p0 $0x88, s6;
	s7 =	simm.s32 @p2 $0x1082  }
0x22: {  	[simem:s7], [sflag:s8] =	dma.local @!p0 [hbm:s6], $0xF7A  }
0x23: {  	s9 =	sor.u32 $0xD0000000, s2;
	s6 =	simm.s32 $0x108;
	_ =	swait.ge @!p0 [sflag:s8], $0x0  }
0x24: {  	s3 =	sadd.s32 $0x88, s3;
	s6 =	simm.s32 @!p1 $0x1082;
	[sflag:s4] =	ssyncset.s32 $0xFFFFF086  }
0x25: {  	[simem:s6], [sflag:s4] =	dma.local [hbm:s3], $0xF7A  }
0x26: {  	[smem:$0x3F99] =	sst s1;
	(tag) =	ssettag s2;
	_ =	strace s9  }
0x27: {  	s1 =	sld [smem:$0x3FA9]  }
0x28: {  	s2 =	sld [smem:$0x3FAA]  }
0x29: {  	s4 =	sld [smem:$0x3FAC]  }
0x2a: {  	p0 =	seq.s32 s5, $0x0;
	s5 =	sld [smem:$0x3FAD]  }
0x2b: {  	s6 =	sld [smem:$0x3FAE]  }
0x2c: {  	s7 =	sld [smem:$0x3FAF]  }
0x2d: {  	s3 =	simm.s32 $0x108;
	s8 =	sld [smem:$0x3FB0]  }
0x2e: {  	s3 =	simm.s32 @!p0 $0x1082;
	s9 =	sld [smem:$0x3FB1]  }
0x2f: {  	lr =	sadd.s32 s0, s3;
	s0 =	sld [smem:$0x3FA8]  }
0x30: {  	s3 =	sld [smem:$0x3FAB]  }
0x31: {  	[smem:$0x3FB4] =	sst s10  }
0x32: {  	s10 =	sld [smem:$0x3FB2];
	_ =	sdelay $0x3  }
0x33: {  	p0 =	seq.s32 s10, $0x1;
	s10 =	sld [smem:$0x3FB4];
	_ =	sdelay $0x3  }
0x34: {  	[smem:$0x3FB4] =	sst s10  }
0x35: {  	s10 =	sld [smem:$0x3FB3];
	_ =	sdelay $0x3  }
0x36: {  	p1 =	seq.s32 s10, $0x1;
	s10 =	sld [smem:$0x3FB4];
	_ =	sdelay $0x3  }
0x37: {  	[smem:$0x3FB4] =	sst s10  }
0x38: {  	s10 =	sld [smem:$0x3FB5]  }
0x39: {  	_ = 	snop;
	(pc) =	sbr.ind lr, $3  }
0x3a: {  	_ = 	snop  }
0x3b: {  	_ = 	snop  }
0x3c: {  	p2 =	seq.s32 s10, $0x1;
	s10 =	sld [smem:$0x3FB4]  }
0x3d: {  	_ =	shalt  }
0x3e: {  	_ =	shalt  }
0x3f: {  	_ =	shalt  }
0x40: {  	_ =	shalt  }
0x41: {  	_ =	shalt  }
0x42: {  	_ =	shalt  }
0x43: {  	_ =	shalt  }
0x44: {  	_ =	shalt  }
0x45: {  	_ =	shalt  }
0x46: {  	_ =	shalt  }
0x47: {  	_ =	shalt  }
0x48: {  	_ =	shalt  }
0x49: {  	_ =	shalt  }
0x4a: {  	_ =	shalt  }
0x4b: {  	_ =	shalt  }
0x4c: {  	_ =	shalt  }
0x4d: {  	_ =	shalt  }
0x4e: {  	_ =	shalt  }
0x4f: {  	_ =	shalt  }
0x50: {  	_ =	shalt  }
0x51: {  	_ =	shalt  }
0x52: {  	_ =	shalt  }
0x53: {  	_ =	shalt  }
0x54: {  	_ =	shalt  }
0x55: {  	_ =	shalt  }
0x56: {  	_ =	shalt  }
0x57: {  	_ =	shalt  }
0x58: {  	_ =	shalt  }
0x59: {  	_ =	shalt  }
0x5a: {  	_ =	shalt  }
0x5b: {  	_ =	shalt  }
0x5c: {  	_ =	shalt  }
0x5d: {  	_ =	shalt  }
0x5e: {  	_ =	shalt  }
0x5f: {  	_ =	shalt  }
0x60: {  	_ =	shalt  }
0x61: {  	_ =	shalt  }
0x62: {  	_ =	shalt  }
0x63: {  	_ =	shalt  }
0x64: {  	_ =	shalt  }
0x65: {  	_ =	shalt  }
0x66: {  	_ =	shalt  }
0x67: {  	_ =	shalt  }
0x68: {  	_ =	shalt  }
0x69: {  	_ =	shalt  }
0x6a: {  	_ =	shalt  }
0x6b: {  	_ =	shalt  }
0x6c: {  	_ =	shalt  }
0x6d: {  	_ =	shalt  }
0x6e: {  	_ =	shalt  }
0x6f: {  	_ =	shalt  }
0x70: {  	_ =	shalt  }
0x71: {  	_ =	shalt  }
0x72: {  	_ =	shalt  }
0x73: {  	_ =	shalt  }
0x74: {  	_ =	shalt  }
0x75: {  	_ =	shalt  }
0x76: {  	_ =	shalt  }
0x77: {  	_ =	shalt  }
0x78: {  	_ =	shalt  }
0x79: {  	_ =	shalt  }
0x7a: {  	_ =	shalt  }
0x7b: {  	_ =	shalt  }
0x7c: {  	_ =	shalt  }
0x7d: {  	_ =	shalt  }
0x7e: {  	_ =	shalt  }
0x7f: {  	_ =	shalt  }
0x80: {  	_ =	shalt  }
0x81: {  	_ =	shalt  }
0x82: {  	_ =	shalt  }
0x83: {  	_ =	shalt  }
0x84: {  	_ =	shalt  }
0x85: {  	_ =	shalt  }
0x86: {  	_ =	shalt  }
0x87: {  	_ =	shalt  }
.Lfunc_end0:
.L_simem_size_0:
called_computation_lowered:
.L_overlay_start_0:
0x88: {  	s2 =	sld [smem:$0x3FD9]  }
0x89: {  	s3 =	sld [smem:$0x3FFE];
	_ =	sdelay $0x1  }
0x8a: {  	s1 =	srdreg.scid  }
0x8b: {  	s0 =	sand.u32 $0x1, s1  }
0x8c: {  	s17 =	sshll.u32 s0, $0xA;
	s2 =	sadd.s32 s3, s2  }
0x8d: {  	s2 =	sadd.s32 s2, s17  }
0x8e: {  	[smem:$0x3FC0] =	sst s2  }
0x8f: {  	_ = 	snop  }
0x90: {  	s2 =	sld [smem:$0x3FC8]  }
0x91: {  	s18 =	sld [smem:$0x3FC3]  }
0x92: {  	s4 =	sld [smem:$0x3FC2]  }
0x93: {  	s5 =	sld [smem:$0x3FD0];
	(tm) =	ssettm $0x1  }
0x94: {  	s6 =	sld [smem:$0x3FFB];
	_ =	sdelay $0x3  }
0x95: {  	_ =	strace s6  }
0x96: {  	s6 =	sld [smem:$0x3FFC];
	_ =	sdelay $0x3  }
0x97: {  	_ =	strace s6  }
0x98: {  	s6 =	sld [smem:$0x3FFD];
	_ =	sdelay $0x3  }
0x99: {  	_ =	strace s6  }
0x9a: {  	_ =	strace $0x8FFFFFFF  }
0x9b: {  	s19 =	sld [smem:$0x3FDB];
	_ =	sdelay $0x1  }
0x9c: {  	s7 =	simm.s32 $_scs_section_size  }
0x9d: {  	s8 =	simm.s32 $_size__tile_overlayer_lowered;
	s9 =	simm.s32 $_tile_overlayer_lowered  }
0x9e: {  	s22 =	simm.s32 $0x1BFF;
	s21 =	sshll.u32 s9, $0x1;
	s6 =	sadd.s32 s7, s19  }
0x9f: {  	s10 =	simm.s32 $0x0;
	s20 =	sshll.u32 s8, $0x1;
	s8 =	sadd.s32 s21, s6  }
0xa0: {  	[timem:s10], [sflag:s22] =	dma.local [hbm:s8], s20  }
0xa1: {  	_ =	swait.ge [sflag:s22], s20  }
0xa2: {  	s7 =	ssub.s32 $0x0, s20;
	[sflag:s22] =	ssyncset.done $0x0  }
0xa3: {  	[sflag:s22] =	ssyncadd.s32 s7;
	_ =	sdelay $0x1  }
0xa4: {  	s23 =	simm.s32 $0x1B8B  }
0xa5: {  	_ =	swait.ge [sflag:s23], $0x1  }
0xa6: {  	[sflag:s23] =	ssyncset.done $0x0  }
0xa7: {  	s25 =	simm.s32 $0x1B8E;
	s24 =	sld [smem:$0x3FFE];
	[sflag:s23] =	ssyncadd.s32 $0xFFFFFFFF  }
0xa8: {  	s26 =	simm.s32 $execute0_lowered;
	[smem:$0x3FD2] =	sst s25  }
0xa9: {  	s8 =	sshll.u32 s26, $0x1;
	_ =	strace $0x80000046;
	[dreg:$0x1] =	wrdreg $0xFFFFFFFF  }
0xaa: {  	s28 =	simm.s32 $_size_execute0_lowered;
	s6 =	sadd.s32 s6, s8;
	[dreg:$0x0] =	wrdreg $0x0  }
0xab: {  	s8 =	sshll.u32 s28, $0x1;
	[dreg:$0x2] =	wrdreg s6  }
0xac: {  	[dreg:$0x3] =	wrdreg s8  }
0xad: {  	[dreg:$0x4] =	wrdreg $0xC0  }
0xae: {  	_ =	task [dreg:s10], $0x5FFFF  }
0xaf: {  	[dreg:$0x1] =	wrdreg $0xFFFFFFFF  }
0xb0: {  	[dreg:$0x0] =	wrdreg $0x60  }
0xb1: {  	[dreg:$0x2] =	wrdreg s5  }
0xb2: {  	[dreg:$0x3] =	wrdreg s24  }
0xb3: {  	[dreg:$0x4] =	wrdreg s2  }
0xb4: {  	[dreg:$0x5] =	wrdreg s18  }
0xb5: {  	[dreg:$0x6] =	wrdreg s4  }
0xb6: {  	[dreg:$0x7] =	wrdreg $0xB9700  }
0xb7: {  	[dreg:$0x8] =	wrdreg $0x9  }
0xb8: {  	_ =	task.clear_ibuf [dreg:s10], $0x9FFFF;
	_ =	strace $0x90000046  }
0xb9: {  	s29 =	simm.s32 $0x9;
	_ =	strace $0x80000048  }
0xba: {  	_ =	swait.ge [sflag:s29], $0x1  }
0xbb: {  	[sflag:s29] =	ssyncadd.s32 $0xFFFFFFFF  }
0xbc: {  	_ =	strace $0x90000048  }
0xbd: {  	_ =	sfence  }
0xbe: {  	s30 =	sld [smem:$0x0];
	_ =	sdelay $0x2  }
0xbf: {  	s31 =	sshll.u32 s1, $0xD;
	s1 =	sshrl.u32 s1, $0x2  }
0xc0: {  	s3 =	sand.u32 $0x4000, s31;
	s1 =	sadd.s32 s1, s30  }
0xc1: {  	s0 =	sor.u32 s3, s0;
	s1 =	sshll.u32 s1, $0x11  }
0xc2: {  	s0 =	sor.u32 s1, s0  }
0xc3: {  	s0 =	sadd.s32 $0x8F2B, s0  }
0xc4: {  	[sflag:s0] =	ssyncadd.remote.s32 $0x1  }
0xc5: {  	_ =	sfence.sel $0xFFFF  }
0xc6: {  	[dreg:$0x0] =	wrdreg $0xFFFFFFFF;
	(pc) =	sbr.abs _section_cstart, $3  }
0xc7: {  	[dreg:$0x1] =	wrdreg $0xFFFFFFFF  }
0xc8: {  	_ =	task.clear_ibuf [dreg:s10], $0x2FFFF;
	_ =	strace $0x9FFFFFFF  }
0xc9: {  	(tm) =	ssettm $0x7FFFFFFF  }
tec
execute0_lowered:
.L_overlay_start_1:
0x0: {  	(tag) =	ssettag $0x1  }
0x1: {  	s28 =	rddreg [dreg:$0x0]  }
0x2: {  	s0 =	rddreg [dreg:$0x1]  }
0x3: {  	s29 =	rddreg [dreg:$0x2]  }
0x4: {  	s30 =	rddreg [dreg:$0x3]  }
0x5: {  	s6 =	rddreg [dreg:$0x4]  }
0x6: {  	s7 =	rddreg [dreg:$0x5]  }
0x7: {  	s2 =	simm.s32 $0x0;
	s1 =	srdreg.scid;
	s9 =	stileid.u32  }
0x8: {  	[smem:$0x7FF] =	sst s2;
	s1 =	sand.u32 $0x1, s1;
	s4 =	smul.u32 $0x4E000, s9  }
0x9: {  	s8 =	sadd.s32 $0xC00, s0;
	s10 =	sadd.s32 $0x4EE00, s0;
	s0 =	sadd.s32 $0x58C00, s0  }
0xa: {  	s14 =	smul.u32 $0x4E00, s9;
	s23 =	sadd.s32 $0x138000, s7;
	_ =	strace $0x80000047  }
0xb: {  	s25 =	sshll.u32 s1, $0x4;
	s3 =	ssub.s32 $0x2, s1;
	s1 =	smul.u32 $0x138800, s1  }
0xc: {  	[dreg:$0x1c] =	wrdreg s23;
	s2 =	sor.u32 s9, s25;
	s5 =	sshrl.u32 s3, $0x1  }
0xd: {  	s4 =	sshrl.u32 s4, $0x2;
	s12 =	smul.u32 $0x2710, s2;
	s3 =	ssub.s32 s3, s5  }
0xe: {  	s2 =	smul.u32 $0x27100, s2;
	s11 =	sadd.s32 s4, s7;
	s22 =	smax.u32 s3, $0x1  }
0xf: {  	s4 =	sadd.s32 s14, s1;
	s1 =	sshrl.u32 s1, $0x3;
	[dreg:$0x14] =	wrdreg s22  }
0x10: {  	s1 =	sadd.s32 s0, s1;
	s2 =	sadd.s32 s29, s2;
	[dreg:$0x7] =	wrdreg s12  }
0x11: {  	s19 =	sadd.s32 $0x9240, s1;
	[dreg:$0xb] =	wrdreg s2  }
0x12: {  	s20 =	sadd.s32 $0x12E80, s1;
	[dreg:$0x10] =	wrdreg s19  }
0x13: {  	s21 =	sadd.s32 $0x1CAC0, s1;
	[dreg:$0x11] =	wrdreg s20  }
0x14: {  	p0 =	sne.s32 s9, $0xF;
	s1 =	sadd.s32 $0x26700, s1;
	[dreg:$0x12] =	wrdreg s21  }
0x15: {  	s26 =	sshrl.u32 s12, $0x3;
	s24 =	sadd.s32 $0x78, s12;
	[dreg:$0x13] =	wrdreg s1  }
0x16: {  	p1 =	seq.s32 s9, $0xF;
	s31 =	sadd.s32 s30, s26;
	[dreg:$0x1d] =	wrdreg s24  }
0x17: {  	s23 =	simm.s32 $0xA120;
	s13 =	sadd.s32 s6, s26;
	[dreg:$0x8] =	wrdreg s31  }
0x18: {  	s15 =	sadd.s32 s10, s26;
	[dreg:$0x9] =	wrdreg s13;
	s13 =	sadd.s32 $0x28, s12  }
0x19: {  	s18 =	sshrl.u32 s4, $0x3;
	[dreg:$0xc] =	wrdreg s15;
	s16 =	sshrl.u32 s13, $0x3  }
0x1a: {  	[dreg:$0xa] =	wrdreg s13;
	s17 =	sadd.s32 s30, s16;
	s2 =	sadd.s32 s6, s16  }
0x1b: {  	[dreg:$0xe] =	wrdreg s2;
	s2 =	sadd.s32 s0, s18;
	s0 =	sadd.s32 $0x124800, s7  }
0x1c: {  	s1 =	sadd.s32 $0x124840, s7;
	[dreg:$0xd] =	wrdreg s17;
	s0 =	sshrl.u32 @p1 s0, $0x3  }
0x1d: {  	s24 =	simm.s32 $0x30;
	[dreg:$0x15] =	wrdreg s0;
	s0 =	sadd.s32 $0x124820, s7  }
0x1e: {  	s21 =	simm.s32 $0x8;
	[dreg:$0xf] =	wrdreg s2;
	s0 =	sshrl.u32 @p1 s0, $0x3  }
0x1f: {  	s13 =	simm.s32 $0xC;
	[dreg:$0x16] =	wrdreg s0;
	s0 =	sshrl.u32 @p1 s1, $0x3  }
0x20: {  	s25 =	sadd.s32 $0x9C40, s2;
	[dreg:$0x17] =	wrdreg s0;
	s0 =	sadd.s32 $0x124860, s7  }
0x21: {  	s16 =	simm.s32 $0xA148;
	[dreg:$0x1e] =	wrdreg s25;
	s0 =	sshrl.u32 @p1 s0, $0x3  }
0x22: {  	s26 =	sadd.s32 $0x13880, s2;
	[dreg:$0x18] =	wrdreg s0;
	s0 =	sadd.s32 $0x20, s11  }
0x23: {  	[dreg:$0x1f] =	wrdreg s26;
	s1 =	sadd.s32 $0x40, s11;
	s0 =	sshrl.u32 @!p1 s0, $0x3  }
0x24: {  	s17 =	simm.s32 $0xA170;
	[dreg:$0x19] =	wrdreg s0;
	s0 =	sshrl.u32 @!p1 s1, $0x3  }
0x25: {  	s31 =	sadd.s32 $0x1D4C0, s2;
	[dreg:$0x1a] =	wrdreg s0;
	s0 =	sadd.s32 $0x60, s11  }
0x26: {  	s18 =	simm.s32 $0xE;
	[smem:$0x7FD] =	sst s31;
	s0 =	sshrl.u32 @!p1 s0, $0x3  }
0x27: {  	v0 =	vimm.f32 $0.0e+00;
	v1 =	vimm.s32 $0x0;
	s7 =	simm.s32 $0xA;
	s1 =	simm.s32 $0x0;
	[dreg:$0x1b] =	wrdreg s0  }
.LBB2_1:
0x28: {  	[smem:$0x7FC] =	sst s1;
	s1 =	simm.s32 $0x0;
	s2 =	simm.s32 $0x200  }
.LBB2_2:
0x29: {  	p2 =	sne.s32 s2, $0x5E00;
	[tilespmem:s1+$0xA1E0] =	vst v0  }
0x2a: {  	[tilespmem:s1+$0xA170] =	vst v0  }
0x2b: {  	[tilespmem:s1+$0xA180] =	vst v0  }
.Ltmp0:
0x2c: {  	[tilespmem:s1+$0xA190] =	vst v0;
	(pc) =	sbr.rel @p2 .LBB2_2-.Ltmp0, $4  }
0x2d: {  	[tilespmem:s1+$0xA1A0] =	vst v0  }
0x2e: {  	[tilespmem:s1+$0xA1B0] =	vst v0  }
0x2f: {  	[tilespmem:s1+$0xA1C0] =	vst v0  }
0x30: {  	[tilespmem:s1+$0xA1D0] =	vst v0;
	s1 =	sshra.s32 s2, $0x2;
	s2 =	sadd.s32 $0x200, s2  }
0x31: {  	[tilespmem:s1+$0xA1E0] =	vst v0  }
0x32: {  	[tilespmem:s1+$0xA170] =	vst v0  }
0x33: {  	[tilespmem:s1+$0xA180] =	vst v0  }
0x34: {  	[tilespmem:s1+$0xA190] =	vst v0  }
0x35: {  	[tilespmem:s1+$0xA1A0] =	vst v0  }
0x36: {  	[tilespmem:s1+$0xA1B0] =	vst v0  }
0x37: {  	[tilespmem:s1+$0xA1C0] =	vst v0  }
0x38: {  	[tilespmem:s1+$0xA1D0] =	vst v0  }
0x39: {  	[tilespmem:$0x20] =	vst v1  }
0x3a: {  	s31 =	sadd.s32 $0x0, s11;
	[tilespmem:$0x50] =	vst v1  }
0x3b: {  	[spmem:s31] =	stream.linear.scatter [tilespmem:s17], [sflag:$0xE], $0x800, $0x38;
	[tilespmem:$0x1F1F0] =	vst v63  }
0x3c: {  	s1 =	simm.s32 $0x2000;
	_ =	swait.ge [sflag:s18], $0x800  }
.LBB2_4:
0x3d: {  	s2 =	sshra.s32 s1, $0x2;
	[sflag:s18] =	ssyncset.done $0x0;
	p2 =	sne.s32 s1, $0x4C000  }
.Ltmp1:
0x3e: {  	s2 =	sadd.s32 s2, s11;
	[sflag:s18] =	ssyncadd.s32 $0xFFFFF800;
	(pc) =	sbr.rel @p2 .LBB2_4-.Ltmp1, $3  }
0x3f: {  	[spmem:s2] =	stream.linear.scatter [tilespmem:s17], [sflag:$0xE], $0x800, $0x38;
	[tilespmem:$0x1F1F0] =	vst v63  }
0x40: {  	s1 =	sadd.s32 $0x2000, s1;
	_ =	sdelay $0x1  }
0x41: {  	_ =	swait.ge [sflag:s18], $0x800  }
0x42: {  	[sflag:s18] =	ssyncset.done $0x0  }
0x43: {  	s1 =	simm.s32 @!p0 $0xA170;
	s0 =	rddreg [dreg:$0x1c];
	[sflag:s18] =	ssyncadd.s32 $0xFFFFF800  }
0x44: {  	[spmem:s0] =	stream.linear.scatter @!p0 [tilespmem:s1], [sflag:$0xE], $0x800, $0x38;
	[tilespmem:$0x1F1F0] =	vst v63  }
0x45: {  	s1 =	simm.s32 @!p0 $0xE  }
0x46: {  	_ =	swait.ge @!p0 [sflag:s1], $0x800  }
0x47: {  	[sflag:s1] =	ssyncset.done @!p0 $0x0  }
0x48: {  	[sflag:s1] =	ssyncadd.s32 @!p0 $0xFFFFF800  }
0x49: {  	[bflag:$0x0] =	sbarrier.arrive $0xFFFF  }
0x4a: {  	s3 =	simm.s32 $0x0;
	s4 =	rddreg [dreg:$0x8]  }
0x4b: {  	[tilespmem:s3], [sflag:$0x1] =	stream.linear.gather [hbm4b:s4+s3], $0x28, $0x38;
	[tilespmem:$0x1F1F0] =	vst v63  }
0x4c: {  	s6 =	simm.s32 $0x60;
	s9 =	simm.s32 $0x1;
	s5 =	rddreg [dreg:$0x9]  }
0x4d: {  	[tilespmem:s6], [sflag:$0x3] =	stream.linear.gather [hbm4b:s5+s3], $0x28, $0x38;
	[tilespmem:$0x1F1F0] =	vst v63  }
0x4e: {  	_ =	swait.ge [sflag:s9], $0x28  }
0x4f: {  	[sflag:s9] =	ssyncset.done $0x0  }
0x50: {  	s12 =	simm.s32 $0x3;
	[sflag:s9] =	ssyncadd.s32 $0xFFFFFFD8  }
0x51: {  	_ =	swait.ge [sflag:s12], $0x28  }
0x52: {  	[sflag:s12] =	ssyncset.done $0x0  }
0x53: {  	s14 =	simm.s32 $0x28;
	s2 =	simm.s32 $0x120;
	[sflag:s12] =	ssyncadd.s32 $0xFFFFFFD8  }
0x54: {  	[tilespmem:s2], [sflag:$0x5] =	stream.indirect.gather [hbm4b:s28+s14], $0x80, s3, s14, $0xb8;
	[tilespmem:$0x1F1F0] =	vst v63  }
0x55: {  	s15 =	simm.s32 $0x2920  }
0x56: {  	[tilespmem:s15], [sflag:$0x7] =	stream.indirect.gather [hbm4b:s8+s14], $0x100, s6, s14, $0xb8;
	[tilespmem:$0x1F1F0] =	vst v63  }
0x57: {  	s20 =	simm.s32 $0x7920;
	s19 =	rddreg [dreg:$0xb]  }
0x58: {  	[tilespmem:s20], [sflag:$0x9] =	stream.linear.gather [hbm4b:s19+s3], $0x1400, $0x38;
	[tilespmem:$0x1F1F0] =	vst v63  }
0x59: {  	s22 =	rddreg [dreg:$0xc]  }
0x5a: {  	[tilespmem:s23], [sflag:$0xB] =	stream.linear.gather [hbm4b:s22+s3], $0x28, $0x38;
	[tilespmem:$0x1F1F0] =	vst v63  }
0x5b: {  	s25 =	rddreg [dreg:$0xd]  }
0x5c: {  	[tilespmem:s24], [sflag:$0x2] =	stream.linear.gather [hbm4b:s25+s3], $0x28, $0x38;
	[tilespmem:$0x1F1F0] =	vst v63  }
0x5d: {  	s31 =	simm.s32 $0x90;
	s26 =	rddreg [dreg:$0xe];
	s15 =	simm.s32 $0x0  }
0x5e: {  	[tilespmem:s31], [sflag:$0x4] =	stream.linear.gather [hbm4b:s26+s3], $0x28, $0x38;
	[tilespmem:$0x1F1F0] =	vst v63  }
.LBB2_6:
0x5f: {  	s0 =	simm.s32 $0x5  }
0x60: {  	_ =	swait.ge [sflag:s0], $0x1400  }
0x61: {  	[sflag:s0] =	ssyncset.done $0x0  }
0x62: {  	s3 =	simm.s32 $0x7;
	[sflag:s0] =	ssyncadd.s32 $0xFFFFEC00  }
0x63: {  	_ =	swait.ge [sflag:s3], $0x2800  }
0x64: {  	[sflag:s3] =	ssyncset.done $0x0  }
0x65: {  	s4 =	simm.s32 $0x9;
	[sflag:s3] =	ssyncadd.s32 $0xFFFFD800  }
0x66: {  	_ =	swait.ge [sflag:s4], $0x1400  }
0x67: {  	[sflag:s4] =	ssyncset.done $0x0  }
0x68: {  	s5 =	simm.s32 $0xB;
	[sflag:s4] =	ssyncadd.s32 $0xFFFFEC00  }
0x69: {  	_ =	swait.ge [sflag:s5], $0x28  }
0x6a: {  	[sflag:s5] =	ssyncset.done $0x0  }
0x6b: {  	s6 =	simm.s32 $0x2;
	[sflag:s5] =	ssyncadd.s32 $0xFFFFFFD8  }
0x6c: {  	_ =	swait.ge [sflag:s6], $0x28  }
0x6d: {  	[sflag:s6] =	ssyncset.done $0x0  }
0x6e: {  	s9 =	simm.s32 $0x4;
	[sflag:s6] =	ssyncadd.s32 $0xFFFFFFD8  }
0x6f: {  	s25 =	smul.u32 $0x50, s15;
	_ =	swait.ge [sflag:s9], $0x28  }
0x70: {  	s2 =	simm.s32 $0x28;
	[sflag:s9] =	ssyncset.done $0x0;
	s14 =	rddreg [dreg:$0xa]  }
0x71: {  	s12 =	simm.s32 $0x1520;
	[sflag:s9] =	ssyncadd.s32 $0xFFFFFFD8;
	s1 =	sadd.s32 s25, s14  }
0x72: {  	[tilespmem:s12], [sflag:$0x6] =	stream.indirect.gather [hbm4b:s28+s2], $0x80, s24, s2, $0xb8;
	[tilespmem:$0x1F1F0] =	vst v63  }
0x73: {  	s19 =	simm.s32 $0x90;
	s3 =	simm.s32 $0x5120;
	s20 =	sshll.u32 s1, $0x4  }
0x74: {  	[tilespmem:s3], [sflag:$0x8] =	stream.indirect.gather [hbm4b:s8+s2], $0x100, s19, s2, $0xb8;
	[tilespmem:$0x1F1F0] =	vst v63  }
0x75: {  	s22 =	simm.s32 $0x0;
	s2 =	sand.u32 $0x1FFFFF80, s20  }
0x76: {  	s4 =	simm.s32 $0x8D20;
	s1 =	sshrl.u32 s1, $0x3;
	s2 =	sadd.s32 s29, s2  }
0x77: {  	[tilespmem:s4], [sflag:$0xA] =	stream.linear.gather [hbm4b:s2+s22], $0x1400, $0x38;
	[tilespmem:$0x1F1F0] =	vst v63  }
0x78: {  	p2 =	seq.s32 s15, $0x0;
	s1 =	sadd.s32 s10, s1  }
0x79: {  	[tilespmem:s16], [sflag:$0xC] =	stream.linear.gather [hbm4b:s1+s22], $0x28, $0x38;
	[tilespmem:$0x1F1F0] =	vst v63  }
0x7a: {  	s1 =	simm.s32 @!p2 $0xD  }
0x7b: {  	_ =	swait.ge @!p2 [sflag:s1], $0x1800  }
0x7c: {  	[sflag:s1] =	ssyncset.done @!p2 $0x0  }
0x7d: {  	[sflag:s1] =	ssyncadd.s32 @!p2 $0xFFFFE800  }
0x7e: {  	v2 =	vld [tilespmem:$0x0]  }
0x7f: {  	s26 =	sshll.u32 s15, $0x1;
	v3 =	vld [tilespmem:$0x10]  }
0x80: {  	s1 =	sadd.s32 $0x2, s26;
	p2 =	seq.s32 s15, $0x7C;
	v4 =	vld [tilespmem:$0x20]  }
0x81: {  	s1 =	smul.u32 @!p2 $0x28, s1  }
0x82: {  	s2 =	rddreg [dreg:$0x7]  }
0x83: {  	s2 =	sadd.s32 @!p2 s2, s1;
	[tilespmem:$0xC0] =	vst v2  }
0x84: {  	s19 =	sshrl.u32 @!p2 s2, $0x3;
	[tilespmem:$0xD0] =	vst v3  }
0x85: {  	s3 =	simm.s32 @!p2 $0x0;
	s1 =	sadd.s32 @!p2 s30, s19;
	[tilespmem:$0xE0] =	vst v4  }
0x86: {  	[tilespmem:s3], [sflag:$0x1] =	stream.linear.gather @!p2 [hbm4b:s1+s3], $0x28, $0x38;
	[tilespmem:$0x1F1F0] =	vst v63  }
0x87: {  	s1 =	rddreg [dreg:$0x4]  }
0x88: {  	s12 =	simm.s32 $0x220;
	s4 =	simm.s32 @!p2 $0x60;
	s1 =	sadd.s32 @!p2 s1, s19  }
0x89: {  	[tilespmem:s4], [sflag:$0x3] =	stream.linear.gather @!p2 [hbm4b:s1+s3], $0x28, $0x38;
	[tilespmem:$0x1F1F0] =	vst v63  }
0x8a: {  	v2 =	vld [tilespmem:s12+$0x80]  }
0x8b: {  	s20 =	smov.u32 s30;
	s30 =	simm.s32 $0x7A20;
	v3 =	vld [tilespmem:s12+$0x90]  }
0x8c: {  	v4 =	vld [tilespmem:s30+$0x80]  }
0x8d: {  	s6 =	simm.s32 $0x2B20;
	v5 =	vld [tilespmem:s30+$0x90]  }
0x8e: {  	v6 =	vld [tilespmem:s6+$0x100]  }
0x8f: {  	v7 =	vld [tilespmem:s6+$0x110];
	_ =	sdelay $0x2  }
0x90: {  	v2 =	vmul.f32 v4, v2;
	v3 =	vmul.f32 v5, v3;
	_ =	sdelay $0x1  }
0x91: {  	v2 =	vmul.f32 v2, v6;
	v3 =	vmul.f32 v3, v7;
	_ =	sdelay $0x1  }
0x92: {  	v8 =	vld [tilespmem:s12+$0xFFFFFF90];
	v2 =	vadd.f32 v3, v2  }
0x93: {  	v9 =	vld [tilespmem:s30+$0xFFFFFF80]  }
0x94: {  	v10 =	vld [tilespmem:s30+$0xFFFFFF90];
	(xrf2) =	vadd.scan.msk.f32 $0xffff, v2  }
0x95: {  	v11 =	vld [tilespmem:s12+$0x0]  }
0x96: {  	s4 =	simm.s32 $0x3;
	v12 =	vld [tilespmem:s6+$0xFFFFFE00]  }
0x97: {  	v5 =	vld [tilespmem:s12+$0xFFFFFF00];
	v4 =	vmov s4  }
0x98: {  	v6 =	vld [tilespmem:s30+$0xFFFFFF00]  }
0x99: {  	v3 =	vld [tilespmem:s12+$0xFFFFFF10]  }
0x9a: {  	v2 =	vld [tilespmem:s30+$0xFFFFFF10]  }
0x9b: {  	v13 =	vld [tilespmem:s6+$0xFFFFFE10]  }
0x9c: {  	v4 =	vld.idx.msk [tilespmem:v4+s23+$0x0], $0xffff  }
0x9d: {  	v14 =	vld [tilespmem:s6+$0x180]  }
0x9e: {  	v16 =	vld [tilespmem:s12+$0x10];
	v5 =	vmul.f32 v6, v5;
	v15, _, _ =	vpop (xrf2)  }
0x9f: {  	v7 =	vld [tilespmem:s12+$0xFFFFFF80];
	v2 =	vmul.f32 v2, v3;
	v15 =	vbroadcast v15, $0xF  }
0xa0: {  	v17 =	vld [tilespmem:s6+$0xFFFFFF10];
	v5 =	vmul.f32 v5, v12  }
0xa1: {  	s9 =	simm.s32 $0x1;
	v3 =	vld [tilespmem:s6+$0xFFFFFF00];
	v2 =	vmul.f32 v2, v13;
	v15 =	vmul.f32 v15, v4  }
0xa2: {  	s5 =	simm.s32 $0x0;
	v18 =	vmov s9;
	v19 =	vld [tilespmem:s30+$0x0];
	v8 =	vmul.f32 v10, v8  }
0xa3: {  	v6 =	vmov s5;
	v13 =	vld [tilespmem:s30+$0x10];
	v2 =	vadd.f32 v2, v5;
	v14 =	vmul.f32 v15, v14  }
0xa4: {  	s3 =	simm.s32 $0xA270;
	v10 =	vld [tilespmem:s6+$0x10];
	v7 =	vmul.f32 v9, v7;
	v6 =	vand.u32 $0xFFFFFFFC, v6;
	v12 =	vand.u32 $0xFFFFFFFD, v18  }
0xa5: {  	v9 =	vld [tilespmem:s6+$0x0];
	v5 =	vbroadcast v6, $0x0;
	v6 =	vbroadcast v12, $0x0;
	(xrf2) =	vadd.scan.msk.f32 $0xffff, v2;
	[tilespmem:s3+$0x80] =	vst v14  }
0xa6: {  	v3 =	vmul.f32 v7, v3;
	v7 =	vmul.f32 v8, v17;
	v2 =	vld [tilespmem:s6+$0x190];
	_ =	sdelay $0x1  }
0xa7: {  	v8 =	vmul.f32 v19, v11;
	v11 =	vmul.f32 v13, v16;
	v3 =	vadd.f32 v7, v3;
	_ =	sdelay $0x1  }
0xa8: {  	v7 =	vmul.f32 v8, v9;
	v10 =	vmul.f32 v11, v10;
	(xrf2) =	vadd.scan.msk.f32 $0xffff, v3  }
0xa9: {  	v9 =	vld.idx.msk [tilespmem:v5+s23+$0x0], $0xffff;
	v2 =	vmul.f32 v15, v2  }
0xaa: {  	v8 =	vld.idx.msk [tilespmem:v6+s23+$0x0], $0xffff;
	v3 =	vadd.f32 v10, v7  }
0xab: {  	s14 =	simm.s32 $0x2;
	v5 =	vld [tilespmem:s6+$0xFFFFFE80];
	[tilespmem:s3+$0x90] =	vst v2  }
0xac: {  	(xrf2) =	vadd.scan.msk.f32 $0xffff, v3;
	v2 =	vmov s14;
	v3 =	vld [tilespmem:s12+$0xA0]  }
0xad: {  	v7, _, _ =	vpop (xrf2);
	v2 =	vand.u32 $0xFFFFFFFE, v2;
	v6 =	vld [tilespmem:s12+$0xB0]  }
0xae: {  	v7 =	vbroadcast v7, $0xF;
	v11 =	vld [tilespmem:s30+$0xA0];
	v2 =	vbroadcast v2, $0x0  }
0xaf: {  	v12 =	vld [tilespmem:s30+$0xB0]  }
0xb0: {  	v7 =	vmul.f32 v7, v9;
	v13 =	vld [tilespmem:s6+$0x120]  }
0xb1: {  	v14 =	vld [tilespmem:s6+$0x130]  }
0xb2: {  	v10, _, _ =	vpop (xrf2);
	v5 =	vmul.f32 v7, v5  }
0xb3: {  	v16 =	vbroadcast v10, $0xF  }
0xb4: {  	[tilespmem:s3+$0xFFFFFF00] =	vst v5;
	v10 =	vld.idx.msk [tilespmem:v2+s23+$0x0], $0xffff;
	v2 =	vmul.f32 v11, v3;
	v3 =	vmul.f32 v12, v6  }
0xb5: {  	v5 =	vld [tilespmem:s6+$0xFFFFFE90]  }
0xb6: {  	v15 =	vld [tilespmem:s6+$0xFFFFFF80];
	v2 =	vmul.f32 v2, v13;
	v3 =	vmul.f32 v3, v14;
	_ =	sdelay $0x1  }
0xb7: {  	v2 =	vadd.f32 v3, v2  }
0xb8: {  	v6 =	vmul.f32 v16, v8  }
0xb9: {  	v5 =	vmul.f32 v7, v5;
	(xrf2) =	vadd.scan.msk.f32 $0xffff, v2  }
0xba: {  	v11 =	vld [tilespmem:s6+$0x80];
	v12, _, _ =	vpop (xrf2);
	v13 =	vmul.f32 v6, v15  }
0xbb: {  	v12 =	vbroadcast v12, $0xF;
	[tilespmem:s3+$0xFFFFFF10] =	vst v5  }
0xbc: {  	[tilespmem:s3+$0xFFFFFF80] =	vst v13;
	v7 =	vld [tilespmem:s12+$0xFFFFFF20]  }
0xbd: {  	v3 =	vmul.f32 v12, v10;
	v2 =	vld [tilespmem:s6+$0xFFFFFF90]  }
0xbe: {  	v13 =	vld [tilespmem:s6+$0x1A0]  }
0xbf: {  	v18 =	vld [tilespmem:s6+$0xFFFFFE20];
	v11 =	vmul.f32 v3, v11  }
0xc0: {  	v19 =	vld [tilespmem:s6+$0xFFFFFE30]  }
0xc1: {  	[tilespmem:s3+$0x0] =	vst v11;
	v11 =	vld [tilespmem:s30+$0xFFFFFF20]  }
0xc2: {  	v5 =	vld [tilespmem:s6+$0x90];
	v2 =	vmul.f32 v6, v2  }
0xc3: {  	v6 =	vld [tilespmem:s12+$0xFFFFFF30];
	v14, _, _ =	vpop (xrf2)  }
0xc4: {  	[tilespmem:s3+$0xFFFFFF90] =	vst v2;
	v2 =	vld [tilespmem:s30+$0xFFFFFF30];
	v14 =	vbroadcast v14, $0xF  }
0xc5: {  	v12 =	vld [tilespmem:s12+$0xFFFFFFA0]  }
0xc6: {  	v15 =	vld [tilespmem:s30+$0xFFFFFFA0];
	v14 =	vmul.f32 v14, v4  }
0xc7: {  	v7 =	vmul.f32 v11, v7;
	v11 =	vld [tilespmem:s6+$0xFFFFFF30];
	v3 =	vmul.f32 v3, v5  }
0xc8: {  	v5 =	vld [tilespmem:s12+$0xFFFFFFB0];
	v13 =	vmul.f32 v14, v13  }
0xc9: {  	[tilespmem:s3+$0x10] =	vst v3;
	v3 =	vld [tilespmem:s30+$0xFFFFFFB0]  }
0xca: {  	v16 =	vld [tilespmem:s12+$0x20];
	[tilespmem:s3+$0xA0] =	vst v13  }
0xcb: {  	v13 =	vld [tilespmem:s6+$0x1B0]  }
0xcc: {  	v17 =	vld [tilespmem:s12+$0x30]  }
0xcd: {  	v20 =	vld [tilespmem:s30+$0x20];
	v2 =	vmul.f32 v2, v6  }
0xce: {  	v6 =	vld [tilespmem:s6+$0xFFFFFF20]  }
0xcf: {  	v7 =	vmul.f32 v7, v18;
	v21 =	vld [tilespmem:s30+$0x30];
	v2 =	vmul.f32 v2, v19  }
0xd0: {  	v18 =	vld [tilespmem:s6+$0x20];
	v13 =	vmul.f32 v14, v13  }
0xd1: {  	v12 =	vmul.f32 v15, v12;
	v3 =	vmul.f32 v3, v5;
	v5 =	vld [tilespmem:s6+$0x30];
	v2 =	vadd.f32 v2, v7  }
0xd2: {  	[tilespmem:s3+$0xB0] =	vst v13  }
0xd3: {  	v6 =	vmul.f32 v12, v6;
	v3 =	vmul.f32 v3, v11;
	(xrf2) =	vadd.scan.msk.f32 $0xffff, v2;
	v7 =	vld [tilespmem:s12+$0xC0]  }
0xd4: {  	v2 =	vmul.f32 v20, v16;
	v11 =	vmul.f32 v21, v17;
	v12 =	vld [tilespmem:s12+$0xD0]  }
0xd5: {  	v3 =	vadd.f32 v3, v6;
	v6 =	vld [tilespmem:s30+$0xC0]  }
0xd6: {  	v2 =	vmul.f32 v2, v18;
	v5 =	vmul.f32 v11, v5;
	v11 =	vld [tilespmem:s30+$0xD0]  }
0xd7: {  	(xrf2) =	vadd.scan.msk.f32 $0xffff, v3;
	v3 =	vld [tilespmem:s6+$0x140]  }
0xd8: {  	v2 =	vadd.f32 v5, v2;
	v5 =	vld [tilespmem:s6+$0x150];
	_ =	sdelay $0x1  }
0xd9: {  	(xrf2) =	vadd.scan.msk.f32 $0xffff, v2  }
0xda: {  	v2 =	vmul.f32 v6, v7;
	v6 =	vmul.f32 v11, v12;
	_ =	sdelay $0x1  }
0xdb: {  	v7 =	vld [tilespmem:s6+$0xFFFFFEA0];
	v2 =	vmul.f32 v2, v3;
	v3 =	vmul.f32 v6, v5;
	v5, _, _ =	vpop (xrf2)  }
0xdc: {  	v5 =	vbroadcast v5, $0xF;
	_ =	sdelay $0x1  }
0xdd: {  	v2 =	vadd.f32 v3, v2;
	v3 =	vmul.f32 v5, v9  }
0xde: {  	v6, _, _ =	vpop (xrf2);
	v5 =	vld [tilespmem:s6+$0xFFFFFFA0]  }
0xdf: {  	(xrf2) =	vadd.scan.msk.f32 $0xffff, v2;
	v2 =	vbroadcast v6, $0xF;
	v6 =	vmul.f32 v3, v7;
	_ =	sdelay $0x1  }
0xe0: {  	v11, _, _ =	vpop (xrf2);
	v7 =	vld [tilespmem:s6+$0xA0];
	v2 =	vmul.f32 v2, v8;
	[tilespmem:s3+$0xFFFFFF20] =	vst v6  }
0xe1: {  	v6 =	vbroadcast v11, $0xF;
	v11 =	vld [tilespmem:s6+$0xFFFFFEB0]  }
0xe2: {  	v5 =	vmul.f32 v2, v5  }
0xe3: {  	v6 =	vmul.f32 v6, v10  }
0xe4: {  	[tilespmem:s3+$0xFFFFFFA0] =	vst v5  }
0xe5: {  	s9 =	simm.s32 $0x420;
	v5 =	vld [tilespmem:s6+$0xFFFFFFB0];
	v7 =	vmul.f32 v6, v7  }
0xe6: {  	v32 =	vld [tilespmem:s9+$0x80];
	v3 =	vmul.f32 v3, v11  }
0xe7: {  	[tilespmem:s3+$0x20] =	vst v7;
	v7 =	vld [tilespmem:s6+$0x1C0]  }
0xe8: {  	[tilespmem:s3+$0xFFFFFF30] =	vst v3;
	v3 =	vld [tilespmem:s6+$0xB0]  }
0xe9: {  	v12 =	vld [tilespmem:s12+$0xFFFFFF40]  }
0xea: {  	v2 =	vmul.f32 v2, v5;
	v5 =	vld [tilespmem:s12+$0xFFFFFF50]  }
0xeb: {  	v13 =	vld [tilespmem:s30+$0xFFFFFF40]  }
0xec: {  	v11, _, _ =	vpop (xrf2);
	v19 =	vld [tilespmem:s6+$0xFFFFFE40]  }
0xed: {  	v11 =	vbroadcast v11, $0xF;
	v25 =	vld [tilespmem:s6+$0xFFFFFE50]  }
0xee: {  	[tilespmem:s3+$0xFFFFFFB0] =	vst v2;
	v2 =	vld [tilespmem:s30+$0xFFFFFF50]  }
0xef: {  	v11 =	vmul.f32 v11, v4;
	v14 =	vld [tilespmem:s12+$0xFFFFFFC0]  }
0xf0: {  	v15 =	vld [tilespmem:s12+$0xFFFFFFD0]  }
0xf1: {  	v7 =	vmul.f32 v11, v7;
	v26 =	vld [tilespmem:s6+$0xFFFFFF40]  }
0xf2: {  	v27 =	vld [tilespmem:s6+$0xFFFFFF50]  }
0xf3: {  	[tilespmem:s3+$0xC0] =	vst v7;
	v7 =	vld [tilespmem:s30+$0xFFFFFFC0]  }
0xf4: {  	v3 =	vmul.f32 v6, v3;
	v12 =	vmul.f32 v13, v12;
	v13 =	vld [tilespmem:s9+$0x90]  }
0xf5: {  	v6 =	vld [tilespmem:s6+$0x1D0]  }
0xf6: {  	[tilespmem:s3+$0x30] =	vst v3;
	v3 =	vld [tilespmem:s30+$0xFFFFFFD0]  }
0xf7: {  	v16 =	vld [tilespmem:s12+$0x40]  }
0xf8: {  	v17 =	vld [tilespmem:s12+$0x50]  }
0xf9: {  	v18 =	vld [tilespmem:s30+$0x40]  }
0xfa: {  	v30 =	vld [tilespmem:s6+$0x40];
	v6 =	vmul.f32 v11, v6  }
0xfb: {  	v31 =	vld [tilespmem:s6+$0x50]  }
0xfc: {  	v11 =	vld [tilespmem:s30+$0x50];
	[tilespmem:s3+$0xD0] =	vst v6  }
0xfd: {  	v6 =	vld [tilespmem:s12+$0xE0]  }
0xfe: {  	v20 =	vld [tilespmem:s12+$0xF0]  }
0xff: {  	v21 =	vld [tilespmem:s30+$0xE0]  }
0x100: {  	v22 =	vld [tilespmem:s30+$0xF0]  }
0x101: {  	s5 =	simm.s32 $0x5;
	v23 =	vld [tilespmem:s6+$0x160]  }
0x102: {  	v29 =	vmov s5;
	s5 =	simm.s32 $0x7C20;
	v5 =	vmul.f32 v2, v5;
	v24 =	vld [tilespmem:s6+$0x170]  }
0x103: {  	v7 =	vmul.f32 v7, v14;
	v14 =	vmul.f32 v3, v15;
	v15 =	vld [tilespmem:s5+$0x80]  }
0x104: {  	s4 =	simm.s32 $0x2F20;
	v12 =	vmul.f32 v12, v19;
	v2 =	vmul.f32 v21, v6;
	v6 =	vld [tilespmem:s5+$0x90]  }
0x105: {  	v19 =	vld [tilespmem:s4+$0x110];
	v5 =	vmul.f32 v5, v25;
	v3 =	vmul.f32 v22, v20  }
0x106: {  	v16 =	vmul.f32 v18, v16;
	v11 =	vmul.f32 v11, v17;
	v17 =	vld [tilespmem:s4+$0x100]  }
0x107: {  	v18 =	vmul.f32 v2, v23;
	v20 =	vmul.f32 v3, v24  }
0x108: {  	v7 =	vmul.f32 v7, v26;
	v14 =	vmul.f32 v14, v27  }
0x109: {  	v42 =	vld [tilespmem:s4+$0xFFFFFE10];
	v15 =	vmul.f32 v15, v32;
	v18 =	vadd.f32 v20, v18;
	v6 =	vmul.f32 v6, v13  }
0x10a: {  	v44 =	vld [tilespmem:s4+$0xFFFFFF10];
	v5 =	vadd.f32 v5, v12;
	v12 =	vmul.f32 v16, v30;
	v11 =	vmul.f32 v11, v31  }
0x10b: {  	v45 =	vld [tilespmem:s5+$0x0];
	v7 =	vadd.f32 v14, v7;
	v15 =	vmul.f32 v15, v17;
	(xrf2) =	vadd.scan.msk.f32 $0xffff, v18;
	v6 =	vmul.f32 v6, v19  }
0x10c: {  	v16 =	vld [tilespmem:s9+$0xFFFFFF90];
	v11 =	vadd.f32 v11, v12;
	(xrf2) =	vadd.scan.msk.f32 $0xffff, v5  }
0x10d: {  	v14 =	vld [tilespmem:s9+$0xFFFFFF10];
	(xrf2) =	vadd.scan.msk.f32 $0xffff, v7;
	v6 =	vadd.f32 v6, v15  }
0x10e: {  	v22 =	vld [tilespmem:s4+$0xFFFFFE00];
	(xrf2) =	vadd.scan.msk.f32 $0xffff, v11  }
0x10f: {  	v12 =	vld [tilespmem:s5+$0xFFFFFF10];
	(xrf2) =	vadd.scan.msk.f32 $0xffff, v6  }
0x110: {  	v17 =	vld [tilespmem:s5+$0xFFFFFF80]  }
0x111: {  	s14 =	simm.s32 $0x7;
	v13 =	vld [tilespmem:s9+$0xFFFFFF00]  }
0x112: {  	v5 =	vld [tilespmem:s5+$0xFFFFFF00];
	v7 =	vmov s14  }
0x113: {  	s22 =	simm.s32 $0x4;
	v15 =	vld [tilespmem:s9+$0xFFFFFF80]  }
0x114: {  	v28 =	vmov s22;
	v20 =	vld [tilespmem:s9+$0x10]  }
0x115: {  	v28 =	vand.u32 $0xFFFFFFFC, v28;
	v18 =	vld [tilespmem:s5+$0xFFFFFF90];
	v12 =	vmul.f32 v12, v14;
	v11, _, _ =	vpop (xrf2)  }
0x116: {  	v28 =	vbroadcast v28, $0x0;
	v6 =	vld [tilespmem:s6+$0x1E0];
	v23, _, _ =	vpop (xrf2)  }
0x117: {  	v12 =	vmul.f32 v12, v42;
	v5 =	vmul.f32 v5, v13;
	v7 =	vld.idx.msk [tilespmem:v7+s23+$0x0], $0xffff;
	v41, _, _ =	vpop (xrf2)  }
0x118: {  	v15 =	vmul.f32 v17, v15;
	v17 =	vld [tilespmem:s5+$0x10];
	v11 =	vbroadcast v11, $0xF;
	v13, _, _ =	vpop (xrf2)  }
0x119: {  	v5 =	vmul.f32 v5, v22;
	v14 =	vbroadcast v23, $0xF;
	v23 =	vld [tilespmem:s4+$0x180];
	v43, _, _ =	vpop (xrf2)  }
0x11a: {  	v29 =	vand.u32 $0xFFFFFFFD, v29;
	v11 =	vmul.f32 v11, v4;
	v4 =	vld [tilespmem:s4+$0xFFFFFF00];
	v26 =	vbroadcast v43, $0xF  }
0x11b: {  	v29 =	vbroadcast v29, $0x0;
	v21 =	vld [tilespmem:s6+$0xFFFFFEC0];
	v16 =	vmul.f32 v18, v16;
	v5 =	vadd.f32 v12, v5  }
0x11c: {  	v19 =	vld [tilespmem:s9+$0x0];
	v24 =	vbroadcast v41, $0xF;
	v22 =	vmul.f32 v26, v7  }
0x11d: {  	(xrf2) =	vadd.scan.msk.f32 $0xffff, v5;
	v5 =	vld [tilespmem:s6+$0xFFFFFFC0];
	v17 =	vmul.f32 v17, v20;
	v6 =	vmul.f32 v11, v6  }
0x11e: {  	s26 =	simm.s32 $0x6;
	v18 =	vld [tilespmem:s4+$0x0];
	v14 =	vmul.f32 v14, v9;
	v23 =	vmul.f32 v22, v23  }
0x11f: {  	s14 =	simm.s32 $0xA470;
	[tilespmem:s3+$0xE0] =	vst v6;
	v6 =	vld [tilespmem:s4+$0x10];
	v4 =	vmul.f32 v15, v4;
	v15 =	vmul.f32 v16, v44;
	v16 =	vmov s26  }
0x120: {  	v46 =	vld [tilespmem:s4+$0xFFFFFF80];
	v20 =	vmul.f32 v14, v21;
	v21 =	vmul.f32 v24, v8;
	v16 =	vand.u32 $0xFFFFFFFE, v16;
	[tilespmem:s14+$0x80] =	vst v23  }
0x121: {  	v4 =	vadd.f32 v15, v4;
	v15 =	vbroadcast v16, $0x0;
	v16 =	vld [tilespmem:s4+$0x190]  }
0x122: {  	v2 =	vld.idx.msk [tilespmem:v28+s23+$0x0], $0xffff;
	v19 =	vmul.f32 v45, v19;
	v5 =	vmul.f32 v21, v5  }
0x123: {  	v3 =	vld.idx.msk [tilespmem:v29+s23+$0x0], $0xffff  }
0x124: {  	v18 =	vmul.f32 v19, v18;
	v19 =	vld [tilespmem:s6+$0xC0];
	[tilespmem:s3+$0xFFFFFFC0] =	vst v5;
	v6 =	vmul.f32 v17, v6  }
0x125: {  	v5 =	vbroadcast v13, $0xF;
	v13 =	vld [tilespmem:s6+$0xFFFFFFD0]  }
0x126: {  	[tilespmem:s3+$0xFFFFFF40] =	vst v20;
	v23 =	vld [tilespmem:s4+$0xFFFFFE80];
	(xrf2) =	vadd.scan.msk.f32 $0xffff, v4;
	v4 =	vadd.f32 v6, v18;
	v16 =	vmul.f32 v22, v16  }
0x127: {  	v6 =	vld [tilespmem:s6+$0xFFFFFED0]  }
0x128: {  	(xrf2) =	vadd.scan.msk.f32 $0xffff, v4;
	v4 =	vld.idx.msk [tilespmem:v15+s23+$0x0], $0xffff;
	[tilespmem:s14+$0x90] =	vst v16  }
0x129: {  	v15 =	vld [tilespmem:s9+$0xA0]  }
0x12a: {  	v5 =	vmul.f32 v5, v10;
	v18, _, _ =	vpop (xrf2);
	v16 =	vld [tilespmem:s9+$0xB0]  }
0x12b: {  	v18 =	vbroadcast v18, $0xF;
	v20 =	vld [tilespmem:s5+$0xA0]  }
0x12c: {  	v19 =	vmul.f32 v5, v19;
	v22 =	vld [tilespmem:s5+$0xB0]  }
0x12d: {  	v18 =	vmul.f32 v18, v2;
	v6 =	vmul.f32 v14, v6;
	v47 =	vld [tilespmem:s4+$0x120]  }
0x12e: {  	[tilespmem:s3+$0x40] =	vst v19;
	v21 =	vmul.f32 v21, v13;
	v19 =	vld [tilespmem:s4+$0x130]  }
0x12f: {  	v12 =	vld [tilespmem:s6+$0x1F0];
	[tilespmem:s3+$0xFFFFFF50] =	vst v6;
	v6 =	vmul.f32 v18, v23  }
0x130: {  	[tilespmem:s3+$0xFFFFFFD0] =	vst v21;
	v23 =	vld [tilespmem:s6+$0xD0]  }
0x131: {  	v17 =	vld [tilespmem:s4+$0x80];
	v14, _, _ =	vpop (xrf2);
	[tilespmem:s14+$0xFFFFFF00] =	vst v6;
	v6 =	vmul.f32 v20, v15;
	v15 =	vmul.f32 v22, v16  }
0x132: {  	v38 =	vld [tilespmem:s6+$0xFFFFFFE0];
	v14 =	vbroadcast v14, $0xF  }
0x133: {  	v54 =	vld [tilespmem:s4+$0x1A0];
	v6 =	vmul.f32 v6, v47;
	v19 =	vmul.f32 v15, v19  }
0x134: {  	v13 =	vld [tilespmem:s12+$0xFFFFFF60];
	v48 =	vmul.f32 v14, v3  }
0x135: {  	v14 =	vld [tilespmem:s12+$0xFFFFFF70];
	v49, _, _ =	vpop (xrf2);
	v5 =	vmul.f32 v5, v23;
	v6 =	vadd.f32 v19, v6  }
0x136: {  	v20 =	vld [tilespmem:s4+$0xFFFFFE90];
	v16 =	vmul.f32 v48, v46;
	v22 =	vbroadcast v49, $0xF  }
0x137: {  	v15 =	vld [tilespmem:s30+$0xFFFFFF60];
	[tilespmem:s3+$0x50] =	vst v5;
	(xrf2) =	vadd.scan.msk.f32 $0xffff, v6  }
0x138: {  	[tilespmem:s14+$0xFFFFFF80] =	vst v16;
	v22 =	vmul.f32 v22, v4;
	v16 =	vld [tilespmem:s30+$0xFFFFFF70]  }
0x139: {  	v49 =	vld [tilespmem:s12+$0x70]  }
0x13a: {  	v21 =	vld [tilespmem:s4+$0xFFFFFF90];
	v19 =	vmul.f32 v22, v17  }
0x13b: {  	v17 =	vld [tilespmem:s12+$0xFFFFFFE0];
	v20 =	vmul.f32 v18, v20  }
0x13c: {  	v18 =	vld [tilespmem:s12+$0xFFFFFFF0];
	[tilespmem:s14+$0x0] =	vst v19  }
0x13d: {  	[tilespmem:s14+$0xFFFFFF10] =	vst v20;
	v6 =	vld [tilespmem:s4+$0x90]  }
0x13e: {  	v20 =	vld [tilespmem:s9+$0xFFFFFF20]  }
0x13f: {  	v50 =	vld [tilespmem:s9+$0xFFFFFF30]  }
0x140: {  	v51 =	vld [tilespmem:s5+$0xFFFFFF20]  }
0x141: {  	v34 =	vld [tilespmem:s4+$0xFFFFFE20];
	v21 =	vmul.f32 v48, v21;
	v55, _, _ =	vpop (xrf2)  }
0x142: {  	v35 =	vld [tilespmem:s4+$0xFFFFFE30];
	v29 =	vbroadcast v55, $0xF  }
0x143: {  	[tilespmem:s14+$0xFFFFFF90] =	vst v21;
	v21 =	vld [tilespmem:s5+$0xFFFFFF30]  }
0x144: {  	v52 =	vld [tilespmem:s9+$0xFFFFFFA0];
	v29 =	vmul.f32 v29, v7  }
0x145: {  	v53 =	vld [tilespmem:s9+$0xFFFFFFB0];
	v6 =	vmul.f32 v22, v6  }
0x146: {  	v36 =	vld [tilespmem:s4+$0xFFFFFF20];
	v28 =	vmul.f32 v29, v54  }
0x147: {  	v22 =	vld [tilespmem:s5+$0xFFFFFFA0];
	[tilespmem:s14+$0x10] =	vst v6  }
0x148: {  	v6 =	vld [tilespmem:s5+$0xFFFFFFB0];
	[tilespmem:s14+$0xA0] =	vst v28  }
0x149: {  	v28 =	vld [tilespmem:s4+$0x1B0]  }
0x14a: {  	v59 =	vld [tilespmem:s4+$0xFFFFFF30]  }
0x14b: {  	v56 =	vld [tilespmem:s9+$0x20]  }
0x14c: {  	v20 =	vmul.f32 v51, v20;
	v57 =	vld [tilespmem:s9+$0x30]  }
0x14d: {  	v58 =	vld [tilespmem:s5+$0x20];
	v21 =	vmul.f32 v21, v50;
	v22 =	vmul.f32 v22, v52  }
0x14e: {  	v33 =	vld [tilespmem:s5+$0x30];
	v6 =	vmul.f32 v6, v53;
	v28 =	vmul.f32 v29, v28  }
0x14f: {  	v20 =	vmul.f32 v20, v34;
	v60 =	vld [tilespmem:s4+$0x20];
	v21 =	vmul.f32 v21, v35  }
0x150: {  	v61 =	vld [tilespmem:s4+$0x30];
	v22 =	vmul.f32 v22, v36;
	v6 =	vmul.f32 v6, v59;
	[tilespmem:s14+$0xB0] =	vst v28  }
0x151: {  	v20 =	vadd.f32 v21, v20;
	v28 =	vld [tilespmem:s9+$0xC0]  }
0x152: {  	v6 =	vadd.f32 v6, v22;
	v22 =	vld [tilespmem:s9+$0xD0]  }
0x153: {  	(xrf2) =	vadd.scan.msk.f32 $0xffff, v20;
	v45 =	vld [tilespmem:s5+$0xC0]  }
0x154: {  	v44 =	vmul.f32 v33, v57;
	v20 =	vmul.f32 v58, v56;
	v47 =	vld [tilespmem:s5+$0xD0]  }
0x155: {  	(xrf2) =	vadd.scan.msk.f32 $0xffff, v6;
	v6 =	vld [tilespmem:s4+$0x140]  }
0x156: {  	v46 =	vmul.f32 v44, v61;
	v20 =	vmul.f32 v20, v60;
	v23 =	vld [tilespmem:s4+$0x150]  }
0x157: {  	v19 =	vld [tilespmem:s30+$0xFFFFFFE0]  }
0x158: {  	v62 =	vld [tilespmem:s4+$0xFFFFFEA0];
	v20 =	vadd.f32 v46, v20  }
0x159: {  	v48 =	vld [tilespmem:s30+$0xFFFFFFF0];
	v5 =	vmul.f32 v45, v28;
	v22 =	vmul.f32 v47, v22  }
0x15a: {  	v51 =	vld [tilespmem:s6+$0xFFFFFE60];
	(xrf2) =	vadd.scan.msk.f32 $0xffff, v20  }
0x15b: {  	v63 =	vld [tilespmem:s4+$0xA0];
	v5 =	vmul.f32 v5, v6;
	v6 =	vmul.f32 v22, v23  }
0x15c: {  	v50 =	vld [tilespmem:s30+$0x60]  }
0x15d: {  	v20 =	vld [tilespmem:s12+$0x60];
	v22, _, _ =	vpop (xrf2)  }
0x15e: {  	v55 =	vld [tilespmem:s6+$0xFFFFFF70];
	v5 =	vadd.f32 v6, v5;
	v22 =	vbroadcast v22, $0xF  }
0x15f: {  	v52 =	vld [tilespmem:s6+$0xFFFFFE70];
	v6, _, _ =	vpop (xrf2)  }
0x160: {  	s31 =	smov.u32 s28;
	s28 =	simm.s32 $0x8;
	v21 =	vld [tilespmem:s4+$0xFFFFFFA0];
	(xrf2) =	vadd.scan.msk.f32 $0xffff, v5;
	v22 =	vmul.f32 v22, v2;
	v6 =	vbroadcast v6, $0xF  }
0x161: {  	v54 =	vmov s28;
	v23 =	vld [tilespmem:s30+$0x70];
	s30 =	simm.s32 $0x9  }
0x162: {  	v57 =	vld [tilespmem:s6+$0x60];
	v20 =	vmul.f32 v50, v20;
	v56 =	vmov s30;
	v27 =	vmul.f32 v22, v62  }
0x163: {  	v53 =	vld [tilespmem:s6+$0xFFFFFF60];
	v32 =	vand.u32 $0xFFFFFFFD, v56;
	v5 =	vand.u32 $0xFFFFFFFC, v54;
	v58 =	vmul.f32 v6, v3  }
0x164: {  	v59 =	vld [tilespmem:s6+$0x70];
	v32 =	vbroadcast v32, $0x0;
	v5 =	vbroadcast v5, $0x0;
	v6, _, _ =	vpop (xrf2);
	[tilespmem:s14+$0xFFFFFF20] =	vst v27  }
0x165: {  	v21 =	vmul.f32 v58, v21;
	v6 =	vbroadcast v6, $0xF;
	v37 =	vld [tilespmem:s4+$0xFFFFFEB0]  }
0x166: {  	s22 =	simm.s32 $0x620;
	v60 =	vld [tilespmem:s4+$0x1C0]  }
0x167: {  	v20 =	vmul.f32 v20, v57;
	v57 =	vld [tilespmem:s22+$0x90];
	[tilespmem:s14+$0xFFFFFFA0] =	vst v21;
	v39 =	vmul.f32 v6, v4  }
0x168: {  	v40 =	vld [tilespmem:s4+$0xFFFFFFB0]  }
0x169: {  	v27 =	vld [tilespmem:s6+$0xFFFFFEE0];
	v24 =	vmul.f32 v39, v63  }
0x16a: {  	v6 =	vld.idx.msk [tilespmem:v5+s23+$0x0], $0xffff;
	v61, _, _ =	vpop (xrf2);
	v22 =	vmul.f32 v22, v37  }
0x16b: {  	v13 =	vmul.f32 v15, v13;
	v5 =	vld.idx.msk [tilespmem:v32+s23+$0x0], $0xffff;
	v32 =	vbroadcast v61, $0xF;
	[tilespmem:s14+$0x20] =	vst v24  }
0x16c: {  	s26 =	simm.s32 $0x7E20;
	v14 =	vmul.f32 v16, v14;
	v17 =	vmul.f32 v19, v17;
	[tilespmem:s14+$0xFFFFFF30] =	vst v22;
	v22 =	vld [tilespmem:s4+$0xB0]  }
0x16d: {  	v35 =	vmul.f32 v58, v40;
	v32 =	vmul.f32 v32, v7;
	v58 =	vld [tilespmem:s26+$0x90]  }
0x16e: {  	v18 =	vmul.f32 v48, v18;
	v13 =	vmul.f32 v13, v51;
	v62 =	vld [tilespmem:s9+$0xFFFFFF40]  }
0x16f: {  	v14 =	vmul.f32 v14, v52;
	v63 =	vld [tilespmem:s9+$0xFFFFFF50];
	v24 =	vmul.f32 v32, v60  }
0x170: {  	v17 =	vmul.f32 v17, v53;
	v41 =	vld [tilespmem:s5+$0xFFFFFF40]  }
0x171: {  	v13 =	vadd.f32 v14, v13;
	v14 =	vmul.f32 v18, v55;
	v23 =	vmul.f32 v23, v49;
	v45 =	vld [tilespmem:s5+$0xFFFFFF50];
	[tilespmem:s14+$0xC0] =	vst v24  }
0x172: {  	v16 =	vmul.f32 v39, v22;
	v22 =	vld [tilespmem:s4+$0x1D0]  }
0x173: {  	v14 =	vadd.f32 v14, v17;
	v17 =	vmul.f32 v23, v59;
	v23 =	vld [tilespmem:s4+$0xFFFFFE40]  }
0x174: {  	v50 =	vld [tilespmem:s4+$0xFFFFFE50];
	[tilespmem:s14+$0xFFFFFFB0] =	vst v35  }
0x175: {  	v42 =	vld [tilespmem:s9+$0xFFFFFFC0]  }
0x176: {  	v15 =	vld [tilespmem:s9+$0xFFFFFFD0]  }
0x177: {  	v19 =	vld [tilespmem:s5+$0xFFFFFFC0];
	v22 =	vmul.f32 v32, v22  }
0x178: {  	(xrf2) =	vadd.scan.msk.f32 $0xffff, v13;
	v51 =	vld [tilespmem:s4+$0xFFFFFF40];
	[tilespmem:s14+$0x30] =	vst v16  }
0x179: {  	v16 =	vld [tilespmem:s5+$0xFFFFFFD0];
	[tilespmem:s14+$0xD0] =	vst v22  }
0x17a: {  	v17 =	vadd.f32 v17, v20;
	(xrf2) =	vadd.scan.msk.f32 $0xffff, v14;
	v14 =	vld [tilespmem:s9+$0xE0]  }
0x17b: {  	v20 =	vld [tilespmem:s9+$0xF0]  }
0x17c: {  	(xrf2) =	vadd.scan.msk.f32 $0xffff, v17;
	v17 =	vld [tilespmem:s5+$0xE0]  }
0x17d: {  	v22 =	vld [tilespmem:s5+$0xF0]  }
0x17e: {  	v48 =	vld [tilespmem:s4+$0x160]  }
0x17f: {  	v49 =	vld [tilespmem:s4+$0x170]  }
0x180: {  	v46 =	vld [tilespmem:s9+$0x40]  }
0x181: {  	v18 =	vld [tilespmem:s9+$0x50]  }
0x182: {  	v13 =	vld [tilespmem:s5+$0x50];
	v14 =	vmul.f32 v17, v14;
	v17, _, _ =	vpop (xrf2);
	v20 =	vmul.f32 v22, v20  }
0x183: {  	v56 =	vmul.f32 v45, v63;
	v47 =	vld [tilespmem:s5+$0x40];
	v17 =	vbroadcast v17, $0xF  }
0x184: {  	v52 =	vld [tilespmem:s4+$0x40];
	v14 =	vmul.f32 v14, v48;
	v20 =	vmul.f32 v20, v49  }
0x185: {  	v11 =	vmul.f32 v11, v12;
	v53 =	vld [tilespmem:s4+$0x50];
	v19 =	vmul.f32 v19, v42  }
0x186: {  	v54 =	vmul.f32 v41, v62;
	v59 =	vmul.f32 v56, v50;
	v22 =	vld [tilespmem:s4+$0xFFFFFF50];
	v14 =	vadd.f32 v20, v14  }
0x187: {  	v60 =	vmul.f32 v19, v51;
	v13 =	vmul.f32 v13, v18;
	v12, _, _ =	vpop (xrf2);
	v20 =	vld [tilespmem:s22+$0x80]  }
0x188: {  	s1 =	simm.s32 $0x3320;
	v18 =	vmul.f32 v54, v23;
	v9 =	vmul.f32 v17, v9;
	v17, _, _ =	vpop (xrf2);
	(xrf2) =	vadd.scan.msk.f32 $0xffff, v14;
	v14 =	vld [tilespmem:s26+$0x80]  }
0x189: {  	v61 =	vld [tilespmem:s1+$0x110];
	v15 =	vmul.f32 v16, v15;
	v16 =	vmul.f32 v47, v46  }
0x18a: {  	[tilespmem:s3+$0xF0] =	vst v11;
	v23 =	vld [tilespmem:s1+$0x100];
	v13 =	vmul.f32 v13, v53;
	v11 =	vadd.f32 v59, v18;
	v55 =	vbroadcast v12, $0xF  }
0x18b: {  	v21 =	vld [tilespmem:s6+$0xE0];
	v18 =	vmul.f32 v58, v57;
	v15 =	vmul.f32 v15, v22  }
0x18c: {  	v19 =	vld [tilespmem:s26+$0xFFFFFF00];
	v8 =	vmul.f32 v55, v8;
	v17 =	vbroadcast v17, $0xF;
	(xrf2) =	vadd.scan.msk.f32 $0xffff, v11  }
0x18d: {  	v12 =	vld [tilespmem:s4+$0xFFFFFEC0];
	v22 =	vmul.f32 v16, v52;
	v63 =	vadd.f32 v15, v60;
	v14 =	vmul.f32 v14, v20  }
0x18e: {  	v27 =	vmul.f32 v9, v27;
	v16 =	vld [tilespmem:s22+$0xFFFFFF10];
	v10 =	vmul.f32 v17, v10  }
0x18f: {  	v17 =	vld [tilespmem:s22+$0xFFFFFF00];
	(xrf2) =	vadd.scan.msk.f32 $0xffff, v63;
	v11 =	vmul.f32 v14, v23;
	v14 =	vmul.f32 v18, v61  }
0x190: {  	v62 =	vmul.f32 v8, v38;
	v22 =	vadd.f32 v13, v22;
	v20 =	vld [tilespmem:s26+$0xFFFFFF10]  }
0x191: {  	[tilespmem:s3+$0xFFFFFF60] =	vst v27;
	v15 =	vld [tilespmem:s22+$0xFFFFFF80];
	v21 =	vmul.f32 v10, v21  }
0x192: {  	v13 =	vld [tilespmem:s22+$0xFFFFFF90];
	[tilespmem:s3+$0xFFFFFFE0] =	vst v62;
	(xrf2) =	vadd.scan.msk.f32 $0xffff, v22  }
0x193: {  	s0 =	smov.u32 s29;
	s29 =	simm.s32 $0xC;
	s12 =	simm.s32 $0xA470;
	[tilespmem:s3+$0x60] =	vst v21;
	v18 =	vld [tilespmem:s4+$0x1E0];
	v11 =	vadd.f32 v14, v11;
	v14, _, _ =	vpop (xrf2)  }
.LBB2_7:
0x194: {  	p3 =	slt.u32 s29, $0x24;
	v17 =	vmul.f32 v19, v17;
	v19 =	vld [tilespmem:s26+$0xFFFFFF80];
	v14 =	vbroadcast v14, $0xF  }
0x195: {  	v16 =	vmul.f32 v20, v16;
	v20 =	vld [tilespmem:s26+$0xFFFFFF90];
	(xrf2) =	vadd.scan.msk.f32 $0xffff, v11  }
0x196: {  	s30 =	sadd.s32 $0x3, s28;
	v11 =	vld [tilespmem:s22+$0x0];
	v14 =	vmul.f32 v14, v7;
	v7, _, _ =	vpop (xrf2)  }
0x197: {  	v22 =	vmov s30;
	v21 =	vld [tilespmem:s22+$0x10];
	v25 =	vbroadcast v7, $0xF  }
0x198: {  	v23 =	vld [tilespmem:s26+$0x0];
	v18 =	vmul.f32 v14, v18  }
0x199: {  	v15 =	vmul.f32 v19, v15;
	v19 =	vld [tilespmem:s26+$0x10];
	v24 =	vmul.f32 v25, v2;
	v7, _, _ =	vpop (xrf2)  }
0x19a: {  	v25 =	vld [tilespmem:s1+$0xFFFFFE00];
	v13 =	vmul.f32 v20, v13;
	v20 =	vbroadcast v7, $0xF;
	[tilespmem:s14+$0xE0] =	vst v18  }
0x19b: {  	v12 =	vmul.f32 v24, v12;
	v18 =	vld [tilespmem:s4+$0x1F0]  }
0x19c: {  	v7 =	vld.idx.msk [tilespmem:v22+s23+$0x0], $0xffff;
	v20 =	vmul.f32 v20, v3;
	v22, _, _ =	vpop (xrf2)  }
0x19d: {  	v26 =	vld [tilespmem:s1+$0xFFFFFE10];
	v11 =	vmul.f32 v23, v11;
	[tilespmem:s14+$0xFFFFFF40] =	vst v12;
	v12 =	vbroadcast v22, $0xF  }
0x19e: {  	v22 =	vld [tilespmem:s1+$0xFFFFFF00];
	v19 =	vmul.f32 v19, v21  }
0x19f: {  	v17 =	vmul.f32 v17, v25;
	v21 =	vld [tilespmem:s1+$0x180];
	v23, _, _ =	vpop (xrf2);
	v12 =	vmul.f32 v12, v4  }
0x1a0: {  	v25 =	vld [tilespmem:s1+$0xFFFFFF10];
	v23 =	vbroadcast v23, $0xF;
	v14 =	vmul.f32 v14, v18  }
0x1a1: {  	v18 =	vld [tilespmem:s1+$0x0]  }
0x1a2: {  	v16 =	vmul.f32 v16, v26;
	v26 =	vld [tilespmem:s1+$0x10];
	v23 =	vmul.f32 v23, v7;
	[tilespmem:s14+$0xF0] =	vst v14  }
0x1a3: {  	v14 =	vld [tilespmem:s1+$0xFFFFFE80];
	v15 =	vmul.f32 v15, v22  }
0x1a4: {  	s30 =	sadd.s32 $0x2, s28;
	s28 =	smov.u32 s29;
	v16 =	vadd.f32 v16, v17;
	v17 =	vld [tilespmem:s1+$0xFFFFFF80];
	v21 =	vmul.f32 v23, v21  }
0x1a5: {  	s14 =	sadd.s32 $0x200, s14;
	v22 =	vmov s30;
	v13 =	vmul.f32 v13, v25;
	v25 =	vld [tilespmem:s1+$0x80]  }
0x1a6: {  	v22 =	vand.u32 $0xFFFFFFFE, v22;
	v11 =	vmul.f32 v11, v18;
	[tilespmem:s14+$0x80] =	vst v21;
	(xrf2) =	vadd.scan.msk.f32 $0xffff, v16;
	v16 =	vld [tilespmem:s4+$0xFFFFFFC0]  }
0x1a7: {  	v13 =	vadd.f32 v13, v15;
	v15 =	vbroadcast v22, $0x0;
	v18 =	vmul.f32 v19, v26;
	v19 =	vld [tilespmem:s1+$0x190]  }
0x1a8: {  	v21 =	vld [tilespmem:s4+$0xC0]  }
0x1a9: {  	v11 =	vadd.f32 v18, v11;
	(xrf2) =	vadd.scan.msk.f32 $0xffff, v13;
	v13 =	vld [tilespmem:s4+$0xFFFFFED0]  }
0x1aa: {  	v18 =	vld [tilespmem:s6+$0xFFFFFEF0]  }
0x1ab: {  	v16 =	vmul.f32 v20, v16;
	v22 =	vld [tilespmem:s6+$0xFFFFFFF0]  }
0x1ac: {  	v19 =	vmul.f32 v23, v19;
	(xrf2) =	vadd.scan.msk.f32 $0xffff, v11;
	v23 =	vld [tilespmem:s6+$0xF0];
	s6 =	smov.u32 s4;
	s4 =	smov.u32 s1  }
0x1ad: {  	v11 =	vld.idx.msk [tilespmem:v15+s23+$0x0], $0xffff;
	[tilespmem:s12+$0xFFFFFFC0] =	vst v16;
	v15 =	vmul.f32 v12, v21  }
0x1ae: {  	[tilespmem:s14+$0x90] =	vst v19;
	v13 =	vmul.f32 v24, v13;
	v16 =	vld [tilespmem:s6+$0xFFFFFFD0]  }
0x1af: {  	v19 =	vld [tilespmem:s22+$0xA0];
	[tilespmem:s12+$0x40] =	vst v15;
	v9 =	vmul.f32 v9, v18  }
0x1b0: {  	v15 =	vld [tilespmem:s22+$0xB0];
	v18, _, _ =	vpop (xrf2);
	[tilespmem:s12+$0xFFFFFF50] =	vst v13;
	v8 =	vmul.f32 v8, v22  }
0x1b1: {  	v13 =	vbroadcast v18, $0xF;
	v18 =	vld [tilespmem:s26+$0xA0];
	[tilespmem:s3+$0xFFFFFF70] =	vst v9;
	v9 =	vmul.f32 v10, v23  }
0x1b2: {  	v10 =	vld [tilespmem:s26+$0xB0];
	[tilespmem:s3+$0xFFFFFFF0] =	vst v8  }
0x1b3: {  	v8 =	vmul.f32 v13, v6;
	v13 =	vld [tilespmem:s1+$0x120];
	v21, _, _ =	vpop (xrf2);
	v16 =	vmul.f32 v20, v16;
	[tilespmem:s3+$0x70] =	vst v9;
	s3 =	smov.u32 s12;
	s12 =	smov.u32 s14  }
0x1b4: {  	v22 =	vbroadcast v21, $0xF;
	v20 =	vld [tilespmem:s1+$0x130]  }
0x1b5: {  	v14 =	vmul.f32 v8, v14;
	[tilespmem:s3+$0xFFFFFFD0] =	vst v16;
	v16 =	vld [tilespmem:s6+$0xD0]  }
0x1b6: {  	v21 =	vmul.f32 v22, v5;
	v9, _, _ =	vpop (xrf2);
	v22 =	vld [tilespmem:s9+$0xFFFFFF60]  }
0x1b7: {  	[tilespmem:s14+$0xFFFFFF00] =	vst v14;
	v14 =	vmul.f32 v18, v19;
	v10 =	vmul.f32 v10, v15;
	v15 =	vld [tilespmem:s9+$0xFFFFFF70]  }
0x1b8: {  	v9 =	vbroadcast v9, $0xF;
	v18 =	vld [tilespmem:s1+$0xFFFFFE90];
	v17 =	vmul.f32 v21, v17  }
0x1b9: {  	v13 =	vmul.f32 v14, v13;
	v10 =	vmul.f32 v10, v20;
	v14 =	vld [tilespmem:s5+$0xFFFFFF60]  }
0x1ba: {  	[tilespmem:s14+$0xFFFFFF80] =	vst v17;
	v17 =	vmul.f32 v9, v11;
	v9 =	vld [tilespmem:s5+$0xFFFFFF70];
	v12 =	vmul.f32 v12, v16  }
0x1bb: {  	v16 =	vld [tilespmem:s1+$0xFFFFFF90];
	v10 =	vadd.f32 v10, v13  }
0x1bc: {  	v13 =	vmul.f32 v17, v25;
	v19 =	vld [tilespmem:s9+$0xFFFFFFE0];
	[tilespmem:s3+$0x50] =	vst v12  }
0x1bd: {  	v12 =	vmul.f32 v8, v18;
	(xrf2) =	vadd.scan.msk.f32 $0xffff, v10;
	v18 =	vld [tilespmem:s9+$0xFFFFFFF0]  }
0x1be: {  	[tilespmem:s14+$0x0] =	vst v13;
	v8 =	vmul.f32 v14, v22;
	v10 =	vld [tilespmem:s5+$0xFFFFFFE0]  }
0x1bf: {  	[tilespmem:s14+$0xFFFFFF10] =	vst v12;
	v12 =	vld [tilespmem:s1+$0x90];
	v9 =	vmul.f32 v9, v15  }
0x1c0: {  	v13 =	vld [tilespmem:s22+$0xFFFFFF20];
	v14 =	vmul.f32 v21, v16  }
0x1c1: {  	v15 =	vld [tilespmem:s22+$0xFFFFFF30]  }
0x1c2: {  	v16 =	vld [tilespmem:s26+$0xFFFFFF20];
	[tilespmem:s14+$0xFFFFFF90] =	vst v14  }
0x1c3: {  	v14 =	vld [tilespmem:s26+$0xFFFFFF30];
	v10 =	vmul.f32 v10, v19  }
0x1c4: {  	v19 =	vld [tilespmem:s22+$0xFFFFFFA0];
	v12 =	vmul.f32 v17, v12  }
0x1c5: {  	v17 =	vld [tilespmem:s22+$0xFFFFFFB0]  }
0x1c6: {  	v20 =	vld [tilespmem:s26+$0xFFFFFFA0];
	[tilespmem:s14+$0x10] =	vst v12  }
0x1c7: {  	v12 =	vmul.f32 v16, v13;
	v13 =	vld [tilespmem:s1+$0x1A0];
	v16, _, _ =	vpop (xrf2)  }
0x1c8: {  	v14 =	vmul.f32 v14, v15;
	v15 =	vld [tilespmem:s26+$0xFFFFFFB0];
	v16 =	vbroadcast v16, $0xF  }
0x1c9: {  	v21 =	vld [tilespmem:s22+$0x20]  }
0x1ca: {  	v22 =	vld [tilespmem:s22+$0x30];
	v16 =	vmul.f32 v16, v7  }
0x1cb: {  	v19 =	vmul.f32 v20, v19;
	v20 =	vld [tilespmem:s26+$0x20]  }
0x1cc: {  	v23 =	vld [tilespmem:s26+$0x30];
	v13 =	vmul.f32 v16, v13  }
0x1cd: {  	v24 =	vld [tilespmem:s1+$0xFFFFFE20];
	v15 =	vmul.f32 v15, v17  }
0x1ce: {  	v17 =	vld [tilespmem:s1+$0xFFFFFE30];
	[tilespmem:s14+$0xA0] =	vst v13  }
0x1cf: {  	v13 =	vld [tilespmem:s1+$0x1B0]  }
0x1d0: {  	v25 =	vld [tilespmem:s1+$0xFFFFFF20];
	v20 =	vmul.f32 v20, v21  }
0x1d1: {  	v21 =	vld [tilespmem:s1+$0xFFFFFF30];
	v22 =	vmul.f32 v23, v22  }
0x1d2: {  	v12 =	vmul.f32 v12, v24;
	v23 =	vld [tilespmem:s1+$0x20]  }
0x1d3: {  	v14 =	vmul.f32 v14, v17;
	v17 =	vld [tilespmem:s1+$0x30]  }
0x1d4: {  	v24 =	vld [tilespmem:s1+$0xFFFFFEA0];
	v13 =	vmul.f32 v16, v13  }
0x1d5: {  	v12 =	vadd.f32 v14, v12;
	v14 =	vmul.f32 v19, v25;
	v16 =	vld [tilespmem:s1+$0xFFFFFFA0]  }
0x1d6: {  	v15 =	vmul.f32 v15, v21;
	v19 =	vld [tilespmem:s1+$0xA0];
	[tilespmem:s14+$0xB0] =	vst v13  }
0x1d7: {  	v13 =	vmul.f32 v20, v23;
	v20 =	vld [tilespmem:s22+$0xC0];
	(xrf2) =	vadd.scan.msk.f32 $0xffff, v12  }
0x1d8: {  	v12 =	vadd.f32 v15, v14;
	v14 =	vmul.f32 v22, v17;
	v15 =	vld [tilespmem:s22+$0xD0]  }
0x1d9: {  	v17 =	vld [tilespmem:s26+$0xC0]  }
0x1da: {  	v13 =	vadd.f32 v14, v13;
	v14 =	vld [tilespmem:s26+$0xD0];
	(xrf2) =	vadd.scan.msk.f32 $0xffff, v12  }
0x1db: {  	v12 =	vld [tilespmem:s1+$0x140]  }
0x1dc: {  	v21 =	vld [tilespmem:s1+$0x150]  }
0x1dd: {  	(xrf2) =	vadd.scan.msk.f32 $0xffff, v13;
	v13 =	vld [tilespmem:s5+$0xFFFFFFF0]  }
0x1de: {  	v22 =	vld [tilespmem:s9+$0x60]  }
0x1df: {  	v25 =	vmul.f32 v17, v20;
	v14 =	vmul.f32 v14, v15;
	v15 =	vld [tilespmem:s9+$0x70];
	s9 =	smov.u32 s22  }
0x1e0: {  	v20 =	vmov s29;
	v23 =	vld [tilespmem:s5+$0x60]  }
0x1e1: {  	s30 =	sadd.s32 $0x1, s29;
	v20 =	vand.u32 $0xFFFFFFFC, v20;
	v12 =	vmul.f32 v25, v12;
	v14 =	vmul.f32 v14, v21;
	v17, _, _ =	vpop (xrf2);
	v21 =	vld [tilespmem:s5+$0x70];
	s5 =	smov.u32 s26  }
0x1e2: {  	v27 =	vmov s30;
	v17 =	vbroadcast v17, $0xF;
	v26 =	vld [tilespmem:s6+$0xFFFFFE60];
	v13 =	vmul.f32 v13, v18  }
0x1e3: {  	v18 =	vbroadcast v20, $0x0;
	v20 =	vand.u32 $0xFFFFFFFD, v27;
	v12 =	vadd.f32 v14, v12;
	v14 =	vld [tilespmem:s6+$0xFFFFFE70]  }
0x1e4: {  	v20 =	vbroadcast v20, $0x0;
	v17 =	vmul.f32 v17, v6;
	v25, _, _ =	vpop (xrf2);
	v27 =	vld [tilespmem:s6+$0xFFFFFF60]  }
0x1e5: {  	v28 =	vbroadcast v25, $0xF;
	(xrf2) =	vadd.scan.msk.f32 $0xffff, v12;
	v12 =	vld [tilespmem:s6+$0xFFFFFF70];
	v22 =	vmul.f32 v23, v22  }
0x1e6: {  	v23 =	vmul.f32 v17, v24;
	v24 =	vld [tilespmem:s6+$0x60];
	v15 =	vmul.f32 v21, v15  }
0x1e7: {  	v21 =	vmul.f32 v28, v5;
	v25, _, _ =	vpop (xrf2);
	v8 =	vmul.f32 v8, v26;
	v26 =	vld [tilespmem:s6+$0x70]  }
0x1e8: {  	[tilespmem:s14+$0xFFFFFF20] =	vst v23;
	v23 =	vbroadcast v25, $0xF;
	v9 =	vmul.f32 v9, v14;
	v14 =	vld [tilespmem:s6+$0xFFFFFEE0]  }
0x1e9: {  	v25 =	vld [tilespmem:s1+$0xFFFFFEB0];
	v16 =	vmul.f32 v21, v16;
	v10 =	vmul.f32 v10, v27  }
0x1ea: {  	v23 =	vmul.f32 v23, v11;
	v8 =	vadd.f32 v9, v8;
	v9 =	vmul.f32 v13, v12;
	v12 =	vld [tilespmem:s6+$0xFFFFFFE0]  }
0x1eb: {  	[tilespmem:s14+$0xFFFFFFA0] =	vst v16;
	v13 =	vmul.f32 v22, v24;
	v16 =	vld [tilespmem:s6+$0xE0]  }
0x1ec: {  	v22 =	vld [tilespmem:s1+$0xFFFFFFB0];
	v19 =	vmul.f32 v23, v19;
	v9 =	vadd.f32 v9, v10;
	v10 =	vmul.f32 v15, v26;
	(xrf2) =	vadd.scan.msk.f32 $0xffff, v8  }
0x1ed: {  	v8 =	vld.idx.msk [tilespmem:v18+s23+$0x0], $0xffff  }
0x1ee: {  	v15 =	vld.idx.msk [tilespmem:v20+s23+$0x0], $0xffff;
	v17 =	vmul.f32 v17, v25;
	[tilespmem:s14+$0x20] =	vst v19;
	v10 =	vadd.f32 v10, v13  }
0x1ef: {  	v13 =	vld [tilespmem:s1+$0x1C0];
	v18, _, _ =	vpop (xrf2);
	(xrf2) =	vadd.scan.msk.f32 $0xffff, v9  }
0x1f0: {  	[tilespmem:s14+$0xFFFFFF30] =	vst v17;
	v9 =	vld [tilespmem:s1+$0xB0];
	v17 =	vbroadcast v18, $0xF  }
0x1f1: {  	v18 =	vld [tilespmem:s22+$0xFFFFFF40];
	v19 =	vmul.f32 v21, v22  }
0x1f2: {  	v20 =	vld [tilespmem:s22+$0xFFFFFF50];
	v17 =	vmul.f32 v17, v7;
	(xrf2) =	vadd.scan.msk.f32 $0xffff, v10  }
0x1f3: {  	v10 =	vld [tilespmem:s26+$0xFFFFFF40];
	[tilespmem:s14+$0xFFFFFFB0] =	vst v19  }
0x1f4: {  	v19 =	vld [tilespmem:s26+$0xFFFFFF50];
	v24 =	vmul.f32 v17, v13  }
0x1f5: {  	v21 =	vld [tilespmem:s22+$0xFFFFFFC0];
	v9 =	vmul.f32 v23, v9  }
0x1f6: {  	v22 =	vld [tilespmem:s22+$0xFFFFFFD0];
	[tilespmem:s14+$0xC0] =	vst v24;
	v13, _, _ =	vpop (xrf2)  }
0x1f7: {  	[tilespmem:s14+$0x30] =	vst v9;
	v23 =	vld [tilespmem:s1+$0x1D0];
	v9 =	vbroadcast v13, $0xF  }
0x1f8: {  	v13 =	vmul.f32 v10, v18;
	v10 =	vld [tilespmem:s26+$0xFFFFFFC0]  }
0x1f9: {  	v18 =	vmul.f32 v19, v20;
	v19 =	vld [tilespmem:s26+$0xFFFFFFD0];
	v9 =	vmul.f32 v9, v2;
	v20, _, _ =	vpop (xrf2);
	v2 =	vmov v6  }
0x1fa: {  	v6 =	vmov v8;
	v24 =	vld [tilespmem:s22+$0x40];
	v27 =	vbroadcast v20, $0xF  }
0x1fb: {  	v25 =	vld [tilespmem:s22+$0x50];
	v14 =	vmul.f32 v9, v14  }
0x1fc: {  	v26 =	vld [tilespmem:s26+$0x40];
	v17 =	vmul.f32 v17, v23;
	v8 =	vmul.f32 v27, v3;
	v20, _, _ =	vpop (xrf2);
	v3 =	vmov v5  }
0x1fd: {  	v5 =	vmov v15;
	v21 =	vmul.f32 v10, v21;
	v23 =	vld [tilespmem:s26+$0x50];
	[tilespmem:s3+$0xFFFFFF60] =	vst v14;
	v10 =	vbroadcast v20, $0xF  }
0x1fe: {  	v14 =	vld [tilespmem:s1+$0xFFFFFE40];
	v15 =	vmul.f32 v19, v22;
	[tilespmem:s14+$0xD0] =	vst v17;
	v12 =	vmul.f32 v8, v12  }
0x1ff: {  	v17 =	vld [tilespmem:s22+$0xE0];
	v10 =	vmul.f32 v10, v4;
	v4 =	vmov v11  }
0x200: {  	v11 =	vld [tilespmem:s22+$0xF0];
	[tilespmem:s3+$0xFFFFFFE0] =	vst v12  }
0x201: {  	v19 =	vmul.f32 v26, v24;
	v12 =	vld [tilespmem:s26+$0xE0];
	v16 =	vmul.f32 v10, v16  }
0x202: {  	v20 =	vmul.f32 v23, v25;
	v22 =	vld [tilespmem:s26+$0xF0]  }
0x203: {  	v13 =	vmul.f32 v13, v14;
	v14 =	vld [tilespmem:s1+$0x160];
	[tilespmem:s3+$0x60] =	vst v16  }
0x204: {  	v16 =	vld [tilespmem:s1+$0x170]  }
0x205: {  	v23 =	vld [tilespmem:s1+$0xFFFFFE50]  }
0x206: {  	v24 =	vld [tilespmem:s1+$0xFFFFFF40]  }
0x207: {  	v12 =	vmul.f32 v12, v17;
	v25 =	vld [tilespmem:s1+$0xFFFFFF50];
	v11 =	vmul.f32 v22, v11  }
0x208: {  	v17 =	vld [tilespmem:s1+$0x40]  }
0x209: {  	v14 =	vmul.f32 v12, v14;
	v22 =	vld [tilespmem:s1+$0x50];
	v11 =	vmul.f32 v11, v16  }
0x20a: {  	s22 =	sadd.s32 $0x200, s22;
	v16 =	vmul.f32 v18, v23;
	v12 =	vld [tilespmem:s1+$0xFFFFFEC0]  }
0x20b: {  	v18 =	vld [tilespmem:s22+$0x80];
	v21 =	vmul.f32 v21, v24;
	v11 =	vadd.f32 v11, v14  }
0x20c: {  	s26 =	sadd.s32 $0x200, s26;
	v14 =	vld [tilespmem:s22+$0x90];
	v13 =	vadd.f32 v16, v13;
	v15 =	vmul.f32 v15, v25  }
0x20d: {  	v23 =	vld [tilespmem:s26+$0x80];
	v16 =	vmul.f32 v19, v17;
	(xrf2) =	vadd.scan.msk.f32 $0xffff, v11  }
0x20e: {  	s1 =	sadd.s32 $0x400, s1;
	v11 =	vld [tilespmem:s26+$0x90];
	v15 =	vadd.f32 v15, v21;
	v17 =	vmul.f32 v20, v22  }
0x20f: {  	v21 =	vld [tilespmem:s1+$0x100]  }
0x210: {  	v22 =	vld [tilespmem:s1+$0x110];
	v24 =	vadd.f32 v17, v16;
	(xrf2) =	vadd.scan.msk.f32 $0xffff, v13  }
0x211: {  	v17 =	vld [tilespmem:s22+$0xFFFFFF00]  }
0x212: {  	v16 =	vld [tilespmem:s22+$0xFFFFFF10]  }
.Ltmp2:
0x213: {  	v13 =	vmul.f32 v23, v18;
	v19 =	vld [tilespmem:s26+$0xFFFFFF00];
	v11 =	vmul.f32 v11, v14;
	(xrf2) =	vadd.scan.msk.f32 $0xffff, v15;
	(pc) =	sbr.rel @p3 .LBB2_7-.Ltmp2, $4  }
0x214: {  	v20 =	vld [tilespmem:s26+$0xFFFFFF10]  }
0x215: {  	v21 =	vmul.f32 v13, v21;
	v15 =	vld [tilespmem:s22+$0xFFFFFF80];
	v11 =	vmul.f32 v11, v22  }
0x216: {  	v13 =	vld [tilespmem:s22+$0xFFFFFF90];
	(xrf2) =	vadd.scan.msk.f32 $0xffff, v24  }
0x217: {  	s29 =	sadd.s32 $0x4, s29;
	v11 =	vadd.f32 v11, v21;
	v18 =	vld [tilespmem:s4+$0x1E0];
	v14, _, _ =	vpop (xrf2)  }
0x218: {  	_ = 	snop  }
0x219: {  	(xrf2) =	vadd.scan.msk.f32 $0xffff, v11;
	_ =	sdelay $0x1  }
0x21a: {  	s29 =	sadd.s32 $0x3, s28  }
0x21b: {  	v21 =	vld [tilespmem:s26+$0xFFFFFF80];
	v11 =	vmov s29  }
0x21c: {  	v22 =	vld [tilespmem:s26+$0xFFFFFF90]  }
0x21d: {  	v23 =	vld [tilespmem:s22+$0x0]  }
0x21e: {  	v24 =	vld [tilespmem:s22+$0x10]  }
0x21f: {  	v26 =	vld [tilespmem:s1+$0xFFFFFE00];
	v25, _, _ =	vpop (xrf2)  }
0x220: {  	v27, _, _ =	vpop (xrf2);
	v11 =	vld.idx.msk [tilespmem:v11+s23+$0x0], $0xffff  }
0x221: {  	v29 =	vld [tilespmem:s1+$0xFFFFFE10];
	v28, _, _ =	vpop (xrf2)  }
0x222: {  	v30 =	vld [tilespmem:s1+$0x180];
	v31, _, _ =	vpop (xrf2)  }
0x223: {  	v32 =	vld [tilespmem:s26+$0x0];
	v31 =	vbroadcast v31, $0xF  }
0x224: {  	v17 =	vmul.f32 v19, v17;
	v19 =	vld [tilespmem:s26+$0x10];
	v16 =	vmul.f32 v20, v16  }
0x225: {  	v36 =	vld [tilespmem:s1+$0xFFFFFF10];
	v31 =	vmul.f32 v31, v11  }
0x226: {  	v20 =	vld [tilespmem:s1+$0xFFFFFF00];
	v17 =	vmul.f32 v17, v26;
	v16 =	vmul.f32 v16, v29  }
0x227: {  	v33 =	vld [tilespmem:s1+$0x0];
	v25 =	vbroadcast v25, $0xF;
	v37 =	vmul.f32 v31, v30  }
0x228: {  	v38 =	vld [tilespmem:s1+$0x10];
	s29 =	sadd.s32 $0x200, s14;
	v15 =	vmul.f32 v21, v15;
	v16 =	vadd.f32 v16, v17  }
0x229: {  	v39 =	vld [tilespmem:s4+$0xFFFFFFC0];
	v25 =	vmul.f32 v25, v2;
	v22 =	vmul.f32 v22, v13;
	[tilespmem:s29+$0x80] =	vst v37  }
0x22a: {  	v19 =	vmul.f32 v19, v24;
	v21 =	vbroadcast v27, $0xF;
	(xrf2) =	vadd.scan.msk.f32 $0xffff, v16;
	v40 =	vld [tilespmem:s1+$0x190]  }
0x22b: {  	v13 =	vld [tilespmem:s6+$0xF0];
	v15 =	vmul.f32 v15, v20;
	v20 =	vmul.f32 v22, v36  }
0x22c: {  	v17 =	vld [tilespmem:s6+$0xFFFFFEF0];
	v12 =	vmul.f32 v25, v12;
	v21 =	vmul.f32 v21, v3  }
0x22d: {  	v23 =	vmul.f32 v32, v23;
	v22 =	vld [tilespmem:s1+$0xFFFFFE80]  }
0x22e: {  	v15 =	vadd.f32 v20, v15;
	[tilespmem:s14+$0xFFFFFF40] =	vst v12;
	v12 =	vmul.f32 v19, v38;
	v19 =	vld [tilespmem:s4+$0xC0];
	v20 =	vmul.f32 v21, v39  }
0x22f: {  	v23 =	vmul.f32 v23, v33;
	v16 =	vld [tilespmem:s6+$0xFFFFFFF0];
	v42 =	vmul.f32 v31, v40  }
0x230: {  	(xrf2) =	vadd.scan.msk.f32 $0xffff, v15;
	v15 =	vld [tilespmem:s4+$0xFFFFFED0];
	[tilespmem:s12+$0xFFFFFFC0] =	vst v20  }
0x231: {  	s6 =	sadd.s32 $0x2, s28;
	v12 =	vadd.f32 v12, v23;
	v20 =	vbroadcast v28, $0xF;
	v23 =	vld [tilespmem:s4+$0xFFFFFFD0];
	[tilespmem:s29+$0x90] =	vst v42  }
0x232: {  	v43 =	vmov s6;
	v44 =	vld [tilespmem:s22+$0xA0]  }
0x233: {  	v26 =	vand.u32 $0xFFFFFFFE, v43;
	v20 =	vmul.f32 v20, v4;
	v45 =	vld [tilespmem:s22+$0xB0]  }
0x234: {  	(xrf2) =	vadd.scan.msk.f32 $0xffff, v12;
	v12 =	vbroadcast v26, $0x0;
	v46, _, _ =	vpop (xrf2);
	v47 =	vld [tilespmem:s26+$0xA0]  }
0x235: {  	v19 =	vmul.f32 v20, v19;
	v26 =	vbroadcast v46, $0xF;
	v48 =	vld [tilespmem:s26+$0xB0]  }
0x236: {  	v49 =	vld [tilespmem:s1+$0x120]  }
0x237: {  	[tilespmem:s12+$0x40] =	vst v19;
	v26 =	vmul.f32 v26, v6;
	v19 =	vld [tilespmem:s1+$0x130]  }
0x238: {  	v51 =	vbroadcast v14, $0xF  }
0x239: {  	v41 =	vld [tilespmem:s1+$0xFFFFFF80];
	v15 =	vmul.f32 v25, v15;
	v22 =	vmul.f32 v26, v22  }
0x23a: {  	v52 =	vld [tilespmem:s1+$0x80];
	v14, _, _ =	vpop (xrf2);
	v27 =	vmul.f32 v47, v44;
	v28 =	vmul.f32 v48, v45  }
0x23b: {  	v21 =	vmul.f32 v21, v23;
	v50 =	vld [tilespmem:s4+$0xD0];
	[tilespmem:s12+$0xFFFFFF50] =	vst v15;
	v23 =	vbroadcast v14, $0xF  }
0x23c: {  	v12 =	vld.idx.msk [tilespmem:v12+s23+$0x0], $0xffff;
	[tilespmem:s29+$0xFFFFFF00] =	vst v22;
	v22 =	vmul.f32 v27, v49;
	v19 =	vmul.f32 v28, v19  }
0x23d: {  	v9 =	vmul.f32 v9, v17;
	[tilespmem:s12+$0xFFFFFFD0] =	vst v21;
	v23 =	vmul.f32 v23, v5;
	v21 =	vld [tilespmem:s1+$0xFFFFFE90]  }
0x23e: {  	v8 =	vmul.f32 v8, v16;
	v15 =	vld [tilespmem:s9+$0xFFFFFF70];
	v19 =	vadd.f32 v19, v22  }
0x23f: {  	[tilespmem:s3+$0xFFFFFF70] =	vst v9;
	v16 =	vld [tilespmem:s4+$0xFFFFFE70];
	v24 =	vmul.f32 v23, v41  }
0x240: {  	v9 =	vmul.f32 v10, v13;
	[tilespmem:s3+$0xFFFFFFF0] =	vst v8;
	v13 =	vld [tilespmem:s4+$0xFFFFFF60];
	(xrf2) =	vadd.scan.msk.f32 $0xffff, v19  }
0x241: {  	v8 =	vld [tilespmem:s4+$0xFFFFFF70];
	v20 =	vmul.f32 v20, v50;
	[tilespmem:s29+$0xFFFFFF80] =	vst v24  }
0x242: {  	v55 =	vld [tilespmem:s1+$0xFFFFFF90];
	v26 =	vmul.f32 v26, v21  }
0x243: {  	v14 =	vld [tilespmem:s9+$0xFFFFFF60];
	[tilespmem:s12+$0x50] =	vst v20  }
0x244: {  	v20 =	vld [tilespmem:s9+$0x70];
	v27 =	vmul.f32 v51, v7;
	v7, _, _ =	vpop (xrf2);
	[tilespmem:s29+$0xFFFFFF10] =	vst v26  }
0x245: {  	v53 =	vbroadcast v7, $0xF;
	v26 =	vld [tilespmem:s22+$0xFFFFFF20]  }
0x246: {  	v56 =	vld [tilespmem:s22+$0xFFFFFF30]  }
0x247: {  	v23 =	vmul.f32 v23, v55;
	v25 =	vmul.f32 v53, v12;
	v57 =	vld [tilespmem:s26+$0xFFFFFF20]  }
0x248: {  	v58 =	vld [tilespmem:s26+$0xFFFFFF30]  }
0x249: {  	[tilespmem:s29+$0xFFFFFF90] =	vst v23;
	v23 =	vld [tilespmem:s1+$0x1A0];
	v54 =	vmul.f32 v25, v52  }
0x24a: {  	v37 =	vld [tilespmem:s1+$0xFFFFFE20];
	v59, _, _ =	vpop (xrf2)  }
0x24b: {  	v38 =	vld [tilespmem:s1+$0xFFFFFE30];
	[tilespmem:s29+$0x0] =	vst v54;
	v31 =	vbroadcast v59, $0xF  }
0x24c: {  	v24 =	vld [tilespmem:s1+$0x90]  }
0x24d: {  	v60 =	vld [tilespmem:s22+$0xFFFFFFA0];
	v31 =	vmul.f32 v31, v11  }
0x24e: {  	v61 =	vld [tilespmem:s22+$0xFFFFFFB0]  }
0x24f: {  	v62 =	vld [tilespmem:s26+$0xFFFFFFA0];
	v23 =	vmul.f32 v31, v23  }
0x250: {  	v63 =	vld [tilespmem:s26+$0xFFFFFFB0]  }
0x251: {  	v41 =	vld [tilespmem:s1+$0xFFFFFF20];
	v24 =	vmul.f32 v25, v24;
	[tilespmem:s29+$0xA0] =	vst v23  }
0x252: {  	v23 =	vld [tilespmem:s1+$0x1B0]  }
0x253: {  	v42 =	vld [tilespmem:s1+$0xFFFFFF30];
	[tilespmem:s29+$0x10] =	vst v24  }
0x254: {  	v34 =	vld [tilespmem:s22+$0x20]  }
0x255: {  	v35 =	vld [tilespmem:s22+$0x30]  }
0x256: {  	v26 =	vmul.f32 v57, v26;
	v29 =	vmul.f32 v58, v56;
	v36 =	vld [tilespmem:s26+$0x20]  }
0x257: {  	v39 =	vld [tilespmem:s26+$0x30];
	v23 =	vmul.f32 v31, v23  }
0x258: {  	v26 =	vmul.f32 v26, v37;
	v29 =	vmul.f32 v29, v38;
	v43 =	vld [tilespmem:s1+$0x20]  }
0x259: {  	v32 =	vmul.f32 v62, v60;
	v24 =	vmul.f32 v63, v61;
	v44 =	vld [tilespmem:s1+$0x30];
	[tilespmem:s29+$0xB0] =	vst v23  }
0x25a: {  	v26 =	vadd.f32 v29, v26;
	v23 =	vld [tilespmem:s22+$0xC0]  }
0x25b: {  	v28 =	vmul.f32 v32, v41;
	v24 =	vmul.f32 v24, v42;
	v45 =	vld [tilespmem:s22+$0xD0]  }
0x25c: {  	(xrf2) =	vadd.scan.msk.f32 $0xffff, v26;
	v46 =	vld [tilespmem:s26+$0xC0]  }
0x25d: {  	v24 =	vadd.f32 v24, v28;
	v47 =	vmul.f32 v36, v34;
	v48 =	vmul.f32 v39, v35;
	v49 =	vld [tilespmem:s26+$0xD0]  }
0x25e: {  	v50 =	vld [tilespmem:s1+$0x140]  }
0x25f: {  	(xrf2) =	vadd.scan.msk.f32 $0xffff, v24;
	v51 =	vmul.f32 v48, v44;
	v31 =	vmul.f32 v47, v43;
	v52 =	vld [tilespmem:s1+$0x150]  }
0x260: {  	v21 =	vld [tilespmem:s5+$0xFFFFFF60]  }
0x261: {  	v7 =	vld [tilespmem:s9+$0xFFFFFFE0];
	v22 =	vmul.f32 v27, v18;
	v31 =	vadd.f32 v51, v31  }
0x262: {  	v18 =	vld [tilespmem:s9+$0xFFFFFFF0];
	v23 =	vmul.f32 v46, v23;
	v56 =	vmul.f32 v49, v45  }
0x263: {  	v53 =	vld [tilespmem:s5+$0xFFFFFF70];
	[tilespmem:s14+$0xE0] =	vst v22;
	(xrf2) =	vadd.scan.msk.f32 $0xffff, v31  }
0x264: {  	v22 =	vld [tilespmem:s4+$0x1F0];
	v23 =	vmul.f32 v23, v50;
	v24 =	vmul.f32 v56, v52  }
0x265: {  	v55 =	vld [tilespmem:s1+$0xFFFFFEA0]  }
0x266: {  	v19 =	vld [tilespmem:s9+$0x60];
	v61, _, _ =	vpop (xrf2);
	v23 =	vadd.f32 v24, v23  }
0x267: {  	v54 =	vld [tilespmem:s5+$0xFFFFFFE0];
	v17 =	vbroadcast v61, $0xF  }
0x268: {  	v57 =	vld [tilespmem:s1+$0xFFFFFFA0];
	(xrf2) =	vadd.scan.msk.f32 $0xffff, v23  }
0x269: {  	[tilespmem:s3+$0x70] =	vst v9;
	v60 =	vld [tilespmem:s5+$0x60];
	v22 =	vmul.f32 v27, v22;
	v10 =	vmul.f32 v17, v6;
	v9, _, _ =	vpop (xrf2)  }
0x26a: {  	v62 =	vld [tilespmem:s5+$0x70];
	v9 =	vbroadcast v9, $0xF  }
0x26b: {  	[tilespmem:s14+$0xF0] =	vst v22;
	v22 =	vld [tilespmem:s4+$0x60];
	v17 =	vmul.f32 v10, v55  }
0x26c: {  	v59 =	vld [tilespmem:s5+$0xFFFFFFF0];
	v9 =	vmul.f32 v9, v5  }
0x26d: {  	v58 =	vld [tilespmem:s1+$0xA0];
	[tilespmem:s29+$0xFFFFFF20] =	vst v17;
	v23, _, _ =	vpop (xrf2)  }
0x26e: {  	v25 =	vmul.f32 v9, v57;
	v17 =	vbroadcast v23, $0xF;
	v23 =	vld [tilespmem:s1+$0xFFFFFEB0]  }
0x26f: {  	v63 =	vld [tilespmem:s4+$0xFFFFFE60]  }
0x270: {  	v31 =	vld [tilespmem:s1+$0x1C0];
	[tilespmem:s29+$0xFFFFFFA0] =	vst v25;
	v17 =	vmul.f32 v17, v12  }
0x271: {  	v42 =	vld [tilespmem:s1+$0xFFFFFFB0]  }
0x272: {  	v40 =	vmul.f32 v17, v58;
	v39, _, _ =	vpop (xrf2)  }
0x273: {  	v10 =	vmul.f32 v10, v23;
	v41 =	vbroadcast v39, $0xF  }
0x274: {  	v23 =	vld [tilespmem:s4+$0x70];
	[tilespmem:s29+$0x20] =	vst v40  }
0x275: {  	[tilespmem:s29+$0xFFFFFF30] =	vst v10;
	v10 =	vld [tilespmem:s1+$0xB0];
	v43 =	vmul.f32 v41, v11  }
0x276: {  	v9 =	vmul.f32 v9, v42;
	v44 =	vld [tilespmem:s22+$0xFFFFFF40]  }
0x277: {  	v45 =	vld [tilespmem:s22+$0xFFFFFF50];
	v31 =	vmul.f32 v43, v31  }
0x278: {  	v46 =	vld [tilespmem:s26+$0xFFFFFF40];
	[tilespmem:s29+$0xFFFFFFB0] =	vst v9  }
0x279: {  	v9 =	vld [tilespmem:s26+$0xFFFFFF50];
	[tilespmem:s29+$0xC0] =	vst v31  }
0x27a: {  	v7 =	vmul.f32 v54, v7;
	v31 =	vld [tilespmem:s1+$0x1D0]  }
0x27b: {  	v50 =	vld [tilespmem:s1+$0xFFFFFE40]  }
0x27c: {  	v7 =	vmul.f32 v7, v13;
	v18 =	vmul.f32 v59, v18;
	v13 =	vld [tilespmem:s1+$0xFFFFFE50]  }
0x27d: {  	v47 =	vld [tilespmem:s22+$0xFFFFFFC0]  }
0x27e: {  	v8 =	vmul.f32 v18, v8;
	v48 =	vld [tilespmem:s26+$0xFFFFFFC0]  }
0x27f: {  	v54 =	vld [tilespmem:s1+$0xFFFFFF40];
	v25 =	vmul.f32 v43, v31  }
0x280: {  	v7 =	vadd.f32 v8, v7;
	v8 =	vld [tilespmem:s1+$0xFFFFFF50]  }
0x281: {  	v10 =	vmul.f32 v17, v10;
	v17 =	vld [tilespmem:s22+$0xFFFFFFD0];
	[tilespmem:s29+$0xD0] =	vst v25  }
0x282: {  	v25 =	vld [tilespmem:s22+$0xE0]  }
0x283: {  	v51 =	vld [tilespmem:s22+$0xF0]  }
0x284: {  	v14 =	vmul.f32 v21, v14;
	v15 =	vmul.f32 v53, v15;
	v21 =	vld [tilespmem:s26+$0xE0]  }
0x285: {  	v52 =	vld [tilespmem:s26+$0xF0]  }
0x286: {  	v15 =	vmul.f32 v15, v16;
	v19 =	vmul.f32 v60, v19;
	v53 =	vld [tilespmem:s1+$0x160]  }
0x287: {  	v20 =	vmul.f32 v62, v20;
	v14 =	vmul.f32 v14, v63;
	v16 =	vld [tilespmem:s1+$0x170]  }
0x288: {  	[tilespmem:s29+$0x30] =	vst v10;
	v10 =	vld [tilespmem:s26+$0xFFFFFFD0]  }
0x289: {  	v18 =	vmul.f32 v19, v22;
	v14 =	vadd.f32 v15, v14;
	v19 =	vmul.f32 v20, v23;
	v49 =	vld [tilespmem:s22+$0x40]  }
0x28a: {  	v20 =	vld [tilespmem:s22+$0x50];
	v21 =	vmul.f32 v21, v25;
	v23 =	vmul.f32 v52, v51  }
0x28b: {  	(xrf2) =	vadd.scan.msk.f32 $0xffff, v14;
	v14 =	vadd.f32 v19, v18;
	v15 =	vmul.f32 v46, v44;
	v9 =	vmul.f32 v9, v45;
	v18 =	vld [tilespmem:s26+$0x50]  }
0x28c: {  	v22 =	vld [tilespmem:s26+$0x40];
	v21 =	vmul.f32 v21, v53;
	v16 =	vmul.f32 v23, v16  }
0x28d: {  	(xrf2) =	vadd.scan.msk.f32 $0xffff, v7;
	v15 =	vmul.f32 v15, v50;
	v9 =	vmul.f32 v9, v13;
	v7 =	vld [tilespmem:s1+$0x40]  }
0x28e: {  	v10 =	vmul.f32 v10, v17;
	v13 =	vadd.f32 v16, v21;
	v16 =	vld [tilespmem:s1+$0x50]  }
0x28f: {  	(xrf2) =	vadd.scan.msk.f32 $0xffff, v14;
	v14 =	vmul.f32 v48, v47;
	v9 =	vadd.f32 v9, v15  }
0x290: {  	v8 =	vmul.f32 v10, v8;
	v10 =	vmul.f32 v18, v20;
	(xrf2) =	vadd.scan.msk.f32 $0xffff, v13  }
0x291: {  	v13 =	vmul.f32 v14, v54;
	(xrf2) =	vadd.scan.msk.f32 $0xffff, v9;
	v9 =	vmul.f32 v22, v49;
	_ =	sdelay $0x1  }
0x292: {  	v8 =	vadd.f32 v8, v13;
	v7 =	vmul.f32 v9, v7;
	v9 =	vmul.f32 v10, v16;
	_ =	sdelay $0x1  }
0x293: {  	(xrf2) =	vadd.scan.msk.f32 $0xffff, v8;
	v7 =	vadd.f32 v9, v7;
	_ =	sdelay $0x1  }
0x294: {  	v8, _, _ =	vpop (xrf2)  }
0x295: {  	v9, _, _ =	vpop (xrf2);
	(xrf2) =	vadd.scan.msk.f32 $0xffff, v7  }
0x296: {  	v7, _, _ =	vpop (xrf2)  }
0x297: {  	v10, _, _ =	vpop (xrf2)  }
0x298: {  	v13 =	vld [tilespmem:s1+$0xFFFFFEC0];
	v14, _, _ =	vpop (xrf2)  }
0x299: {  	v14 =	vbroadcast v14, $0xF;
	_ =	sdelay $0x1  }
0x29a: {  	v14 =	vmul.f32 v14, v6  }
0x29b: {  	v16 =	vld [tilespmem:s1+$0xFFFFFFC0];
	v15, _, _ =	vpop (xrf2)  }
0x29c: {  	v15 =	vbroadcast v15, $0xF;
	v13 =	vmul.f32 v14, v13;
	_ =	sdelay $0x1  }
0x29d: {  	v15 =	vmul.f32 v15, v5;
	v17, _, _ =	vpop (xrf2);
	[tilespmem:s29+$0xFFFFFF40] =	vst v13;
	v13 =	vld [tilespmem:s1+$0xC0]  }
0x29e: {  	v17 =	vbroadcast v17, $0xF;
	v18 =	vld [tilespmem:s1+$0xFFFFFED0]  }
0x29f: {  	v16 =	vmul.f32 v15, v16  }
0x2a0: {  	v17 =	vmul.f32 v17, v12  }
0x2a1: {  	[tilespmem:s29+$0xFFFFFFC0] =	vst v16  }
0x2a2: {  	v16 =	vld [tilespmem:s1+$0xFFFFFFD0];
	v13 =	vmul.f32 v17, v13  }
0x2a3: {  	v14 =	vmul.f32 v14, v18  }
0x2a4: {  	[tilespmem:s29+$0x40] =	vst v13  }
0x2a5: {  	[tilespmem:s29+$0xFFFFFF50] =	vst v14;
	v13 =	vld [tilespmem:s1+$0xD0]  }
0x2a6: {  	v14 =	vld [tilespmem:s22+$0xFFFFFF60]  }
0x2a7: {  	v15 =	vmul.f32 v15, v16;
	v16 =	vld [tilespmem:s22+$0xFFFFFF70]  }
0x2a8: {  	v18 =	vld [tilespmem:s26+$0xFFFFFF60]  }
0x2a9: {  	v56 =	vld [tilespmem:s1+$0xFFFFFE60]  }
0x2aa: {  	v57 =	vld [tilespmem:s1+$0xFFFFFE70]  }
0x2ab: {  	[tilespmem:s29+$0xFFFFFFD0] =	vst v15;
	v15 =	vld [tilespmem:s26+$0xFFFFFF70]  }
0x2ac: {  	v19 =	vld [tilespmem:s22+$0xFFFFFFE0]  }
0x2ad: {  	v20 =	vld [tilespmem:s26+$0xFFFFFFE0]  }
0x2ae: {  	v58 =	vld [tilespmem:s1+$0xFFFFFF60]  }
0x2af: {  	v59 =	vld [tilespmem:s1+$0xFFFFFF70];
	v13 =	vmul.f32 v17, v13  }
0x2b0: {  	v17 =	vld [tilespmem:s22+$0xFFFFFFF0]  }
0x2b1: {  	[tilespmem:s29+$0x50] =	vst v13;
	v13 =	vld [tilespmem:s26+$0xFFFFFFF0]  }
0x2b2: {  	v21 =	vld [tilespmem:s22+$0x60]  }
0x2b3: {  	v22 =	vld [tilespmem:s22+$0x70]  }
0x2b4: {  	v23 =	vld [tilespmem:s26+$0x60]  }
0x2b5: {  	v55 =	vld [tilespmem:s26+$0x70]  }
0x2b6: {  	v14 =	vmul.f32 v18, v14;
	v60 =	vld [tilespmem:s1+$0x60]  }
0x2b7: {  	v15 =	vmul.f32 v15, v16;
	v16 =	vld [tilespmem:s1+$0x70]  }
0x2b8: {  	v14 =	vmul.f32 v14, v56;
	v18 =	vmul.f32 v20, v19  }
0x2b9: {  	v15 =	vmul.f32 v15, v57;
	v13 =	vmul.f32 v13, v17  }
0x2ba: {  	v17 =	vmul.f32 v23, v21;
	v19 =	vmul.f32 v55, v22  }
0x2bb: {  	v18 =	vmul.f32 v18, v58;
	v13 =	vmul.f32 v13, v59  }
0x2bc: {  	v14 =	vadd.f32 v15, v14;
	v15 =	vmul.f32 v17, v60;
	v16 =	vmul.f32 v19, v16  }
0x2bd: {  	v13 =	vadd.f32 v13, v18  }
0x2be: {  	(xrf2) =	vadd.scan.msk.f32 $0xffff, v14;
	v14 =	vadd.f32 v16, v15  }
0x2bf: {  	(xrf2) =	vadd.scan.msk.f32 $0xffff, v13  }
0x2c0: {  	(xrf2) =	vadd.scan.msk.f32 $0xffff, v14;
	_ =	sdelay $0x1  }
0x2c1: {  	v13 =	vld [tilespmem:s4+$0xFFFFFEE0]  }
0x2c2: {  	v8 =	vbroadcast v8, $0xF;
	v14 =	vld [tilespmem:s4+$0xFFFFFFE0]  }
0x2c3: {  	v9 =	vbroadcast v9, $0xF;
	v15 =	vld [tilespmem:s1+$0x1E0]  }
0x2c4: {  	v2 =	vmul.f32 v8, v2;
	v8 =	vbroadcast v10, $0xF  }
0x2c5: {  	v3 =	vmul.f32 v9, v3  }
0x2c6: {  	v9 =	vld [tilespmem:s4+$0xE0];
	v7 =	vbroadcast v7, $0xF;
	v8 =	vmul.f32 v8, v11  }
0x2c7: {  	v10 =	vmul.f32 v2, v13;
	v13 =	vld [tilespmem:s1+$0xFFFFFEE0];
	v11 =	vmul.f32 v3, v14;
	v14, _, _ =	vpop (xrf2)  }
0x2c8: {  	v16 =	vld [tilespmem:s1+$0xFFFFFFE0];
	v15 =	vmul.f32 v8, v15;
	v14 =	vbroadcast v14, $0xF;
	v17, _, _ =	vpop (xrf2)  }
0x2c9: {  	v4 =	vmul.f32 v7, v4;
	v7 =	vld [tilespmem:s1+$0xE0];
	v17 =	vbroadcast v17, $0xF;
	v18, _, _ =	vpop (xrf2)  }
0x2ca: {  	[tilespmem:s29+$0xE0] =	vst v15;
	v6 =	vmul.f32 v14, v6;
	v14 =	vbroadcast v18, $0xF  }
0x2cb: {  	v9 =	vmul.f32 v4, v9;
	[tilespmem:s12+$0xFFFFFF60] =	vst v10;
	v10 =	vld [tilespmem:s1+$0x1F0];
	v5 =	vmul.f32 v17, v5  }
0x2cc: {  	[tilespmem:s12+$0xFFFFFFE0] =	vst v11;
	v11 =	vld [tilespmem:s4+$0xFFFFFEF0];
	v13 =	vmul.f32 v6, v13;
	v12 =	vmul.f32 v14, v12  }
0x2cd: {  	[tilespmem:s12+$0x60] =	vst v9;
	v9 =	vld [tilespmem:s4+$0xFFFFFFF0];
	v14 =	vmul.f32 v5, v16  }
0x2ce: {  	v15 =	vld [tilespmem:s4+$0xF0];
	[tilespmem:s29+$0xFFFFFF60] =	vst v13;
	v7 =	vmul.f32 v12, v7  }
0x2cf: {  	v13 =	vld [tilespmem:s1+$0xFFFFFEF0];
	[tilespmem:s29+$0xFFFFFFE0] =	vst v14  }
0x2d0: {  	v8 =	vmul.f32 v8, v10;
	[tilespmem:s29+$0x60] =	vst v7;
	v7 =	vld [tilespmem:s1+$0xFFFFFFF0]  }
0x2d1: {  	v2 =	vmul.f32 v2, v11;
	v10 =	vld [tilespmem:s1+$0xF0]  }
0x2d2: {  	[tilespmem:s29+$0xF0] =	vst v8;
	v3 =	vmul.f32 v3, v9  }
0x2d3: {  	[tilespmem:s12+$0xFFFFFF70] =	vst v2;
	v2 =	vmul.f32 v4, v15  }
0x2d4: {  	[tilespmem:s12+$0xFFFFFFF0] =	vst v3;
	v3 =	vmul.f32 v6, v13  }
0x2d5: {  	[tilespmem:s12+$0x70] =	vst v2;
	v2 =	vmul.f32 v5, v7  }
0x2d6: {  	[tilespmem:s29+$0xFFFFFF70] =	vst v3;
	v3 =	vmul.f32 v12, v10  }
0x2d7: {  	[tilespmem:s29+$0xFFFFFFF0] =	vst v2  }
0x2d8: {  	s14 =	rddreg [dreg:$0x5];
	s22 =	simm.s32 $0xC0;
	s26 =	simm.s32 $0x6;
	[tilespmem:s29+$0x70] =	vst v3  }
0x2d9: {  	[spmem:s14] =	stream.indirect.scatter.add.f32 [tilespmem:s17], [sflag:$0xD], $0x80, s22, s24, $0xb8;
	[tilespmem:$0x1F1F0] =	vst v63  }
0x2da: {  	_ =	swait.ge [sflag:s26], $0x1400  }
0x2db: {  	[sflag:s26] =	ssyncset.done $0x0  }
0x2dc: {  	[sflag:s26] =	ssyncadd.s32 $0xFFFFEC00  }
0x2dd: {  	_ =	swait.ge [sflag:s21], $0x2800  }
0x2de: {  	[sflag:s21] =	ssyncset.done $0x0  }
0x2df: {  	[sflag:s21] =	ssyncadd.s32 $0xFFFFD800  }
0x2e0: {  	_ =	swait.ge [sflag:s7], $0x1400  }
0x2e1: {  	[sflag:s7] =	ssyncset.done $0x0  }
0x2e2: {  	[sflag:s7] =	ssyncadd.s32 $0xFFFFEC00  }
0x2e3: {  	_ =	swait.ge [sflag:s13], $0x28  }
0x2e4: {  	[sflag:s13] =	ssyncset.done $0x0  }
0x2e5: {  	s1 =	simm.s32 @p2 $0xD;
	[sflag:s13] =	ssyncadd.s32 $0xFFFFFFD8  }
0x2e6: {  	_ =	swait.ge @p2 [sflag:s1], $0x1800  }
0x2e7: {  	[sflag:s1] =	ssyncset.done @p2 $0x0  }
0x2e8: {  	[sflag:s1] =	ssyncadd.s32 @p2 $0xFFFFE800  }
0x2e9: {  	v2 =	vld @p2 [tilespmem:$0x30]  }
0x2ea: {  	v3 =	vld @p2 [tilespmem:$0x40]  }
0x2eb: {  	v4 =	vld @p2 [tilespmem:$0x50];
	_ =	sdelay $0x2  }
0x2ec: {  	[tilespmem:$0xF0] =	vst @p2 v2  }
0x2ed: {  	[tilespmem:$0x100] =	vst @p2 v3  }
0x2ee: {  	s1 =	simm.s32 @!p2 $0x1;
	[tilespmem:$0x110] =	vst @p2 v4  }
0x2ef: {  	_ =	swait.ge @!p2 [sflag:s1], $0x28  }
0x2f0: {  	[sflag:s1] =	ssyncset.done @!p2 $0x0  }
0x2f1: {  	[sflag:s1] =	ssyncadd.s32 @!p2 $0xFFFFFFD8;
	s1 =	simm.s32 @!p2 $0x3  }
0x2f2: {  	_ =	swait.ge @!p2 [sflag:s1], $0x28  }
0x2f3: {  	s3 =	simm.s32 @!p2 $0x0;
	[sflag:s1] =	ssyncset.done @!p2 $0x0  }
0x2f4: {  	s4 =	simm.s32 @!p2 $0x120;
	[sflag:s1] =	ssyncadd.s32 @!p2 $0xFFFFFFD8;
	s1 =	simm.s32 @!p2 $0x28  }
0x2f5: {  	[tilespmem:s4], [sflag:$0x5] =	stream.indirect.gather @!p2 [hbm4b:s31+s1], $0x80, s3, s1, $0xb8;
	[tilespmem:$0x1F1F0] =	vst v63  }
0x2f6: {  	s5 =	simm.s32 @!p2 $0x2920;
	s4 =	simm.s32 @!p2 $0x60  }
0x2f7: {  	[tilespmem:s5], [sflag:$0x7] =	stream.indirect.gather @!p2 [hbm4b:s8+s1], $0x100, s4, s1, $0xb8;
	[tilespmem:$0x1F1F0] =	vst v63  }
0x2f8: {  	s1 =	sshll.u32 @!p2 s2, $0x4  }
0x2f9: {  	s1 =	sand.u32 @!p2 $0x1FFFFF00, s1  }
0x2fa: {  	s2 =	simm.s32 @!p2 $0x7920;
	s1 =	sadd.s32 @!p2 s0, s1  }
0x2fb: {  	[tilespmem:s2], [sflag:$0x9] =	stream.linear.gather @!p2 [hbm4b:s1+s3], $0x1400, $0x38;
	[tilespmem:$0x1F1F0] =	vst v63  }
0x2fc: {  	s1 =	sadd.s32 @!p2 s10, s19;
	s2 =	simm.s32 @!p2 $0xA120  }
0x2fd: {  	[tilespmem:s2], [sflag:$0xB] =	stream.linear.gather @!p2 [hbm4b:s1+s3], $0x28, $0x38;
	[tilespmem:$0x1F1F0] =	vst v63  }
0x2fe: {  	s1 =	simm.s32 @!p2 $0xD  }
0x2ff: {  	_ =	swait.ge @!p2 [sflag:s1], $0x1800  }
0x300: {  	[sflag:s1] =	ssyncset.done @!p2 $0x0  }
0x301: {  	[sflag:s1] =	ssyncadd.s32 @!p2 $0xFFFFE800  }
0x302: {  	v2 =	vld @!p2 [tilespmem:$0x30]  }
0x303: {  	v3 =	vld @!p2 [tilespmem:$0x40]  }
0x304: {  	v4 =	vld @!p2 [tilespmem:$0x50];
	_ =	sdelay $0x1  }
0x305: {  	s29 =	smov.u32 s0;
	s0 =	rddreg [dreg:$0x1d]  }
0x306: {  	s1 =	sadd.s32 @!p2 s25, s0;
	[tilespmem:$0xF0] =	vst @!p2 v2  }
0x307: {  	s28 =	smov.u32 s31;
	s1 =	sshrl.u32 @!p2 s1, $0x3;
	[tilespmem:$0x100] =	vst @!p2 v3  }
0x308: {  	s4 =	simm.s32 @!p2 $0x30;
	s0 =	rddreg [dreg:$0x4];
	s2 =	sadd.s32 @!p2 s20, s1;
	[tilespmem:$0x110] =	vst @!p2 v4  }
0x309: {  	[tilespmem:s4], [sflag:$0x2] =	stream.linear.gather @!p2 [hbm4b:s2+s3], $0x28, $0x38;
	[tilespmem:$0x1F1F0] =	vst v63  }
0x30a: {  	s31 =	simm.s32 $0x1620;
	s1 =	sadd.s32 @!p2 s0, s1;
	s2 =	simm.s32 @!p2 $0x90  }
0x30b: {  	[tilespmem:s2], [sflag:$0x4] =	stream.linear.gather @!p2 [hbm4b:s1+s3], $0x28, $0x38;
	[tilespmem:$0x1F1F0] =	vst v63  }
0x30c: {  	v2 =	vld [tilespmem:s31+$0x80]  }
0x30d: {  	s0 =	simm.s32 $0x8E20;
	v3 =	vld [tilespmem:s31+$0x90]  }
0x30e: {  	v4 =	vld [tilespmem:s0+$0x80]  }
0x30f: {  	s2 =	simm.s32 $0x5320;
	v5 =	vld [tilespmem:s0+$0x90]  }
0x310: {  	v6 =	vld [tilespmem:s2+$0x100]  }
0x311: {  	v7 =	vld [tilespmem:s2+$0x110];
	_ =	sdelay $0x2  }
0x312: {  	v2 =	vmul.f32 v4, v2;
	v3 =	vmul.f32 v5, v3;
	_ =	sdelay $0x1  }
0x313: {  	v2 =	vmul.f32 v2, v6;
	v3 =	vmul.f32 v3, v7;
	_ =	sdelay $0x1  }
0x314: {  	v8 =	vld [tilespmem:s31+$0xFFFFFF90];
	v2 =	vadd.f32 v3, v2  }
0x315: {  	v9 =	vld [tilespmem:s0+$0xFFFFFF80]  }
0x316: {  	v10 =	vld [tilespmem:s0+$0xFFFFFF90];
	(xrf2) =	vadd.scan.msk.f32 $0xffff, v2  }
0x317: {  	v11 =	vld [tilespmem:s31+$0x0]  }
0x318: {  	s5 =	simm.s32 $0x3;
	v12 =	vld [tilespmem:s2+$0xFFFFFE00]  }
0x319: {  	v5 =	vld [tilespmem:s31+$0xFFFFFF00];
	v4 =	vmov s5  }
0x31a: {  	v6 =	vld [tilespmem:s0+$0xFFFFFF00]  }
0x31b: {  	v3 =	vld [tilespmem:s31+$0xFFFFFF10]  }
0x31c: {  	v2 =	vld [tilespmem:s0+$0xFFFFFF10]  }
0x31d: {  	v13 =	vld [tilespmem:s2+$0xFFFFFE10]  }
0x31e: {  	v4 =	vld.idx.msk [tilespmem:v4+s16+$0x0], $0xffff  }
0x31f: {  	v14 =	vld [tilespmem:s2+$0x180]  }
0x320: {  	v16 =	vld [tilespmem:s31+$0x10];
	v5 =	vmul.f32 v6, v5;
	v15, _, _ =	vpop (xrf2)  }
0x321: {  	v7 =	vld [tilespmem:s31+$0xFFFFFF80];
	v2 =	vmul.f32 v2, v3;
	v15 =	vbroadcast v15, $0xF  }
0x322: {  	v17 =	vld [tilespmem:s2+$0xFFFFFF10];
	v5 =	vmul.f32 v5, v12  }
0x323: {  	s12 =	simm.s32 $0x1;
	v3 =	vld [tilespmem:s2+$0xFFFFFF00];
	v2 =	vmul.f32 v2, v13;
	v15 =	vmul.f32 v15, v4  }
0x324: {  	s6 =	simm.s32 $0x0;
	v18 =	vmov s12;
	v19 =	vld [tilespmem:s0+$0x0];
	v8 =	vmul.f32 v10, v8  }
0x325: {  	v6 =	vmov s6;
	v13 =	vld [tilespmem:s0+$0x10];
	v2 =	vadd.f32 v2, v5;
	v14 =	vmul.f32 v15, v14  }
0x326: {  	s19 =	simm.s32 $0xA270;
	v10 =	vld [tilespmem:s2+$0x10];
	v7 =	vmul.f32 v9, v7;
	v6 =	vand.u32 $0xFFFFFFFC, v6;
	v12 =	vand.u32 $0xFFFFFFFD, v18  }
0x327: {  	v9 =	vld [tilespmem:s2+$0x0];
	v5 =	vbroadcast v6, $0x0;
	v6 =	vbroadcast v12, $0x0;
	(xrf2) =	vadd.scan.msk.f32 $0xffff, v2;
	[tilespmem:s19+$0x80] =	vst v14  }
0x328: {  	v3 =	vmul.f32 v7, v3;
	v7 =	vmul.f32 v8, v17;
	v2 =	vld [tilespmem:s2+$0x190];
	_ =	sdelay $0x1  }
0x329: {  	v8 =	vmul.f32 v19, v11;
	v11 =	vmul.f32 v13, v16;
	v3 =	vadd.f32 v7, v3;
	_ =	sdelay $0x1  }
0x32a: {  	v7 =	vmul.f32 v8, v9;
	v10 =	vmul.f32 v11, v10;
	(xrf2) =	vadd.scan.msk.f32 $0xffff, v3  }
0x32b: {  	v9 =	vld.idx.msk [tilespmem:v5+s16+$0x0], $0xffff;
	v2 =	vmul.f32 v15, v2  }
0x32c: {  	v8 =	vld.idx.msk [tilespmem:v6+s16+$0x0], $0xffff;
	v3 =	vadd.f32 v10, v7  }
0x32d: {  	s14 =	simm.s32 $0x2;
	v5 =	vld [tilespmem:s2+$0xFFFFFE80];
	[tilespmem:s19+$0x90] =	vst v2  }
0x32e: {  	(xrf2) =	vadd.scan.msk.f32 $0xffff, v3;
	v2 =	vmov s14;
	v3 =	vld [tilespmem:s31+$0xA0]  }
0x32f: {  	v7, _, _ =	vpop (xrf2);
	v2 =	vand.u32 $0xFFFFFFFE, v2;
	v6 =	vld [tilespmem:s31+$0xB0]  }
0x330: {  	v7 =	vbroadcast v7, $0xF;
	v10 =	vld [tilespmem:s0+$0xA0];
	v2 =	vbroadcast v2, $0x0  }
0x331: {  	v12 =	vld [tilespmem:s0+$0xB0]  }
0x332: {  	v7 =	vmul.f32 v7, v9;
	v13 =	vld [tilespmem:s2+$0x120]  }
0x333: {  	v14 =	vld [tilespmem:s2+$0x130]  }
0x334: {  	v11, _, _ =	vpop (xrf2);
	v5 =	vmul.f32 v7, v5  }
0x335: {  	v16 =	vbroadcast v11, $0xF  }
0x336: {  	[tilespmem:s19+$0xFFFFFF00] =	vst v5;
	v11 =	vld.idx.msk [tilespmem:v2+s16+$0x0], $0xffff;
	v2 =	vmul.f32 v10, v3;
	v3 =	vmul.f32 v12, v6  }
0x337: {  	v5 =	vld [tilespmem:s2+$0xFFFFFE90]  }
0x338: {  	v15 =	vld [tilespmem:s2+$0xFFFFFF80];
	v2 =	vmul.f32 v2, v13;
	v3 =	vmul.f32 v3, v14;
	_ =	sdelay $0x1  }
0x339: {  	v2 =	vadd.f32 v3, v2  }
0x33a: {  	v6 =	vmul.f32 v16, v8  }
0x33b: {  	v5 =	vmul.f32 v7, v5;
	(xrf2) =	vadd.scan.msk.f32 $0xffff, v2  }
0x33c: {  	v10 =	vld [tilespmem:s2+$0x80];
	v12, _, _ =	vpop (xrf2);
	v13 =	vmul.f32 v6, v15  }
0x33d: {  	v12 =	vbroadcast v12, $0xF;
	[tilespmem:s19+$0xFFFFFF10] =	vst v5  }
0x33e: {  	[tilespmem:s19+$0xFFFFFF80] =	vst v13;
	v7 =	vld [tilespmem:s31+$0xFFFFFF20]  }
0x33f: {  	v3 =	vmul.f32 v12, v11;
	v2 =	vld [tilespmem:s2+$0xFFFFFF90]  }
0x340: {  	v13 =	vld [tilespmem:s2+$0x1A0]  }
0x341: {  	v18 =	vld [tilespmem:s2+$0xFFFFFE20];
	v10 =	vmul.f32 v3, v10  }
0x342: {  	v19 =	vld [tilespmem:s2+$0xFFFFFE30]  }
0x343: {  	[tilespmem:s19+$0x0] =	vst v10;
	v10 =	vld [tilespmem:s0+$0xFFFFFF20]  }
0x344: {  	v5 =	vld [tilespmem:s2+$0x90];
	v2 =	vmul.f32 v6, v2  }
0x345: {  	v6 =	vld [tilespmem:s31+$0xFFFFFF30];
	v14, _, _ =	vpop (xrf2)  }
0x346: {  	[tilespmem:s19+$0xFFFFFF90] =	vst v2;
	v2 =	vld [tilespmem:s0+$0xFFFFFF30];
	v14 =	vbroadcast v14, $0xF  }
0x347: {  	v12 =	vld [tilespmem:s31+$0xFFFFFFA0]  }
0x348: {  	v15 =	vld [tilespmem:s0+$0xFFFFFFA0];
	v14 =	vmul.f32 v14, v4  }
0x349: {  	v7 =	vmul.f32 v10, v7;
	v10 =	vld [tilespmem:s2+$0xFFFFFF30];
	v3 =	vmul.f32 v3, v5  }
0x34a: {  	v5 =	vld [tilespmem:s31+$0xFFFFFFB0];
	v13 =	vmul.f32 v14, v13  }
0x34b: {  	[tilespmem:s19+$0x10] =	vst v3;
	v3 =	vld [tilespmem:s0+$0xFFFFFFB0]  }
0x34c: {  	v16 =	vld [tilespmem:s31+$0x20];
	[tilespmem:s19+$0xA0] =	vst v13  }
0x34d: {  	v13 =	vld [tilespmem:s2+$0x1B0]  }
0x34e: {  	v17 =	vld [tilespmem:s31+$0x30]  }
0x34f: {  	v20 =	vld [tilespmem:s0+$0x20];
	v2 =	vmul.f32 v2, v6  }
0x350: {  	v6 =	vld [tilespmem:s2+$0xFFFFFF20]  }
0x351: {  	v7 =	vmul.f32 v7, v18;
	v21 =	vld [tilespmem:s0+$0x30];
	v2 =	vmul.f32 v2, v19  }
0x352: {  	v18 =	vld [tilespmem:s2+$0x20];
	v13 =	vmul.f32 v14, v13  }
0x353: {  	v12 =	vmul.f32 v15, v12;
	v3 =	vmul.f32 v3, v5;
	v5 =	vld [tilespmem:s2+$0x30];
	v2 =	vadd.f32 v2, v7  }
0x354: {  	[tilespmem:s19+$0xB0] =	vst v13  }
0x355: {  	v6 =	vmul.f32 v12, v6;
	v3 =	vmul.f32 v3, v10;
	(xrf2) =	vadd.scan.msk.f32 $0xffff, v2;
	v7 =	vld [tilespmem:s31+$0xC0]  }
0x356: {  	v2 =	vmul.f32 v20, v16;
	v10 =	vmul.f32 v21, v17;
	v12 =	vld [tilespmem:s31+$0xD0]  }
0x357: {  	v3 =	vadd.f32 v3, v6;
	v6 =	vld [tilespmem:s0+$0xC0]  }
0x358: {  	v2 =	vmul.f32 v2, v18;
	v5 =	vmul.f32 v10, v5;
	v10 =	vld [tilespmem:s0+$0xD0]  }
0x359: {  	(xrf2) =	vadd.scan.msk.f32 $0xffff, v3;
	v3 =	vld [tilespmem:s2+$0x140]  }
0x35a: {  	v2 =	vadd.f32 v5, v2;
	v5 =	vld [tilespmem:s2+$0x150];
	_ =	sdelay $0x1  }
0x35b: {  	(xrf2) =	vadd.scan.msk.f32 $0xffff, v2  }
0x35c: {  	v2 =	vmul.f32 v6, v7;
	v6 =	vmul.f32 v10, v12;
	_ =	sdelay $0x1  }
0x35d: {  	v7 =	vld [tilespmem:s2+$0xFFFFFEA0];
	v2 =	vmul.f32 v2, v3;
	v3 =	vmul.f32 v6, v5;
	v5, _, _ =	vpop (xrf2)  }
0x35e: {  	v5 =	vbroadcast v5, $0xF;
	_ =	sdelay $0x1  }
0x35f: {  	v2 =	vadd.f32 v3, v2;
	v3 =	vmul.f32 v5, v9  }
0x360: {  	v6, _, _ =	vpop (xrf2);
	v5 =	vld [tilespmem:s2+$0xFFFFFFA0]  }
0x361: {  	(xrf2) =	vadd.scan.msk.f32 $0xffff, v2;
	v2 =	vbroadcast v6, $0xF;
	v6 =	vmul.f32 v3, v7;
	_ =	sdelay $0x1  }
0x362: {  	v10, _, _ =	vpop (xrf2);
	v7 =	vld [tilespmem:s2+$0xA0];
	v2 =	vmul.f32 v2, v8;
	[tilespmem:s19+$0xFFFFFF20] =	vst v6  }
0x363: {  	v6 =	vbroadcast v10, $0xF;
	v10 =	vld [tilespmem:s2+$0xFFFFFEB0]  }
0x364: {  	v5 =	vmul.f32 v2, v5  }
0x365: {  	v6 =	vmul.f32 v6, v11  }
0x366: {  	[tilespmem:s19+$0xFFFFFFA0] =	vst v5  }
0x367: {  	s5 =	simm.s32 $0x1820;
	v5 =	vld [tilespmem:s2+$0xFFFFFFB0];
	v7 =	vmul.f32 v6, v7  }
0x368: {  	v41 =	vld [tilespmem:s5+$0x80];
	v3 =	vmul.f32 v3, v10  }
0x369: {  	[tilespmem:s19+$0x20] =	vst v7;
	v7 =	vld [tilespmem:s2+$0x1C0]  }
0x36a: {  	[tilespmem:s19+$0xFFFFFF30] =	vst v3;
	v3 =	vld [tilespmem:s2+$0xB0]  }
0x36b: {  	v12 =	vld [tilespmem:s31+$0xFFFFFF40]  }
0x36c: {  	v2 =	vmul.f32 v2, v5;
	v5 =	vld [tilespmem:s31+$0xFFFFFF50]  }
0x36d: {  	v13 =	vld [tilespmem:s0+$0xFFFFFF40]  }
0x36e: {  	v10, _, _ =	vpop (xrf2);
	v19 =	vld [tilespmem:s2+$0xFFFFFE40]  }
0x36f: {  	v10 =	vbroadcast v10, $0xF;
	v62 =	vld [tilespmem:s2+$0xFFFFFE50]  }
0x370: {  	[tilespmem:s19+$0xFFFFFFB0] =	vst v2;
	v2 =	vld [tilespmem:s0+$0xFFFFFF50]  }
0x371: {  	v10 =	vmul.f32 v10, v4;
	v14 =	vld [tilespmem:s31+$0xFFFFFFC0]  }
0x372: {  	v15 =	vld [tilespmem:s31+$0xFFFFFFD0]  }
0x373: {  	v7 =	vmul.f32 v10, v7;
	v63 =	vld [tilespmem:s2+$0xFFFFFF40]  }
0x374: {  	v36 =	vld [tilespmem:s2+$0xFFFFFF50]  }
0x375: {  	[tilespmem:s19+$0xC0] =	vst v7;
	v7 =	vld [tilespmem:s0+$0xFFFFFFC0]  }
0x376: {  	v3 =	vmul.f32 v6, v3;
	v12 =	vmul.f32 v13, v12;
	v13 =	vld [tilespmem:s5+$0x90]  }
0x377: {  	v6 =	vld [tilespmem:s2+$0x1D0]  }
0x378: {  	[tilespmem:s19+$0x30] =	vst v3;
	v3 =	vld [tilespmem:s0+$0xFFFFFFD0]  }
0x379: {  	v16 =	vld [tilespmem:s31+$0x40]  }
0x37a: {  	v17 =	vld [tilespmem:s31+$0x50]  }
0x37b: {  	v18 =	vld [tilespmem:s0+$0x40]  }
0x37c: {  	v39 =	vld [tilespmem:s2+$0x40];
	v6 =	vmul.f32 v10, v6  }
0x37d: {  	v40 =	vld [tilespmem:s2+$0x50]  }
0x37e: {  	v10 =	vld [tilespmem:s0+$0x50];
	[tilespmem:s19+$0xD0] =	vst v6  }
0x37f: {  	v6 =	vld [tilespmem:s31+$0xE0]  }
0x380: {  	v20 =	vld [tilespmem:s31+$0xF0]  }
0x381: {  	v21 =	vld [tilespmem:s0+$0xE0]  }
0x382: {  	v22 =	vld [tilespmem:s0+$0xF0]  }
0x383: {  	v23 =	vld [tilespmem:s2+$0x160]  }
0x384: {  	s6 =	simm.s32 $0x9020;
	v5 =	vmul.f32 v2, v5;
	v61 =	vld [tilespmem:s2+$0x170]  }
0x385: {  	v7 =	vmul.f32 v7, v14;
	v14 =	vmul.f32 v3, v15;
	v15 =	vld [tilespmem:s6+$0x80]  }
0x386: {  	s3 =	simm.s32 $0x5720;
	v12 =	vmul.f32 v12, v19;
	v2 =	vmul.f32 v21, v6;
	v6 =	vld [tilespmem:s6+$0x90]  }
0x387: {  	v19 =	vld [tilespmem:s3+$0x110];
	v5 =	vmul.f32 v5, v62;
	v3 =	vmul.f32 v22, v20  }
0x388: {  	v16 =	vmul.f32 v18, v16;
	v10 =	vmul.f32 v10, v17;
	v17 =	vld [tilespmem:s3+$0x100]  }
0x389: {  	v18 =	vmul.f32 v2, v23;
	v20 =	vmul.f32 v3, v61  }
0x38a: {  	v7 =	vmul.f32 v7, v63;
	v14 =	vmul.f32 v14, v36  }
0x38b: {  	v43 =	vld [tilespmem:s3+$0xFFFFFE10];
	v15 =	vmul.f32 v15, v41;
	v18 =	vadd.f32 v20, v18;
	v6 =	vmul.f32 v6, v13  }
0x38c: {  	v45 =	vld [tilespmem:s3+$0xFFFFFF10];
	v5 =	vadd.f32 v5, v12;
	v12 =	vmul.f32 v16, v39;
	v10 =	vmul.f32 v10, v40  }
0x38d: {  	v46 =	vld [tilespmem:s6+$0x0];
	v7 =	vadd.f32 v14, v7;
	v15 =	vmul.f32 v15, v17;
	(xrf2) =	vadd.scan.msk.f32 $0xffff, v18;
	v6 =	vmul.f32 v6, v19  }
0x38e: {  	v16 =	vld [tilespmem:s2+$0x1E0];
	v10 =	vadd.f32 v10, v12;
	(xrf2) =	vadd.scan.msk.f32 $0xffff, v5  }
0x38f: {  	v14 =	vld [tilespmem:s5+$0xFFFFFF10];
	(xrf2) =	vadd.scan.msk.f32 $0xffff, v7;
	v5 =	vadd.f32 v6, v15  }
0x390: {  	v22 =	vld [tilespmem:s3+$0xFFFFFE00];
	(xrf2) =	vadd.scan.msk.f32 $0xffff, v10  }
0x391: {  	v12 =	vld [tilespmem:s6+$0xFFFFFF00];
	(xrf2) =	vadd.scan.msk.f32 $0xffff, v5  }
0x392: {  	v13 =	vld [tilespmem:s5+$0xFFFFFF00]  }
0x393: {  	s25 =	simm.s32 $0x7;
	v17 =	vld [tilespmem:s6+$0xFFFFFF80]  }
0x394: {  	v7 =	vld [tilespmem:s6+$0xFFFFFF10];
	v5 =	vmov s25  }
0x395: {  	s22 =	simm.s32 $0x5;
	v6 =	vld [tilespmem:s5+$0xFFFFFF80]  }
0x396: {  	v38 =	vmov s22;
	v20 =	vld [tilespmem:s5+$0x10]  }
0x397: {  	v29 =	vand.u32 $0xFFFFFFFD, v38;
	v18 =	vld [tilespmem:s6+$0xFFFFFF90];
	v12 =	vmul.f32 v12, v13;
	v10, _, _ =	vpop (xrf2)  }
0x398: {  	v29 =	vbroadcast v29, $0x0;
	v15 =	vld [tilespmem:s5+$0xFFFFFF90];
	v23, _, _ =	vpop (xrf2)  }
0x399: {  	v12 =	vmul.f32 v12, v22;
	v7 =	vmul.f32 v7, v14;
	v5 =	vld.idx.msk [tilespmem:v5+s16+$0x0], $0xffff;
	v42, _, _ =	vpop (xrf2)  }
0x39a: {  	s30 =	smov.u32 s20;
	s20 =	simm.s32 $0x4;
	v6 =	vmul.f32 v17, v6;
	v17 =	vld [tilespmem:s6+$0x10];
	v10 =	vbroadcast v10, $0xF;
	v13, _, _ =	vpop (xrf2)  }
0x39b: {  	v37 =	vmov s20;
	v7 =	vmul.f32 v7, v43;
	v14 =	vbroadcast v23, $0xF;
	v23 =	vld [tilespmem:s3+$0x180];
	v44, _, _ =	vpop (xrf2)  }
0x39c: {  	v28 =	vand.u32 $0xFFFFFFFC, v37;
	v10 =	vmul.f32 v10, v4;
	v4 =	vld [tilespmem:s3+$0xFFFFFF00];
	v26 =	vbroadcast v44, $0xF  }
0x39d: {  	v28 =	vbroadcast v28, $0x0;
	v21 =	vld [tilespmem:s2+$0xFFFFFEC0];
	v15 =	vmul.f32 v18, v15;
	v7 =	vadd.f32 v7, v12  }
0x39e: {  	v19 =	vld [tilespmem:s5+$0x0];
	v24 =	vbroadcast v42, $0xF;
	v22 =	vmul.f32 v26, v5  }
0x39f: {  	(xrf2) =	vadd.scan.msk.f32 $0xffff, v7;
	v7 =	vld [tilespmem:s2+$0xFFFFFFC0];
	v17 =	vmul.f32 v17, v20;
	v16 =	vmul.f32 v10, v16  }
0x3a0: {  	s26 =	simm.s32 $0x6;
	v18 =	vld [tilespmem:s3+$0x0];
	v14 =	vmul.f32 v14, v9;
	v23 =	vmul.f32 v22, v23  }
0x3a1: {  	s4 =	simm.s32 $0xA470;
	[tilespmem:s19+$0xE0] =	vst v16;
	v16 =	vld [tilespmem:s3+$0x10];
	v4 =	vmul.f32 v6, v4;
	v6 =	vmul.f32 v15, v45;
	v15 =	vmov s26  }
0x3a2: {  	v47 =	vld [tilespmem:s3+$0xFFFFFF80];
	v20 =	vmul.f32 v14, v21;
	v21 =	vmul.f32 v24, v8;
	v15 =	vand.u32 $0xFFFFFFFE, v15;
	[tilespmem:s4+$0x80] =	vst v23  }
0x3a3: {  	v4 =	vadd.f32 v6, v4;
	v6 =	vbroadcast v15, $0x0;
	v15 =	vld [tilespmem:s3+$0x190]  }
0x3a4: {  	v2 =	vld.idx.msk [tilespmem:v28+s16+$0x0], $0xffff;
	v19 =	vmul.f32 v46, v19;
	v7 =	vmul.f32 v21, v7  }
0x3a5: {  	v3 =	vld.idx.msk [tilespmem:v29+s16+$0x0], $0xffff  }
0x3a6: {  	v18 =	vmul.f32 v19, v18;
	v19 =	vld [tilespmem:s2+$0xC0];
	[tilespmem:s19+$0xFFFFFFC0] =	vst v7;
	v16 =	vmul.f32 v17, v16  }
0x3a7: {  	v7 =	vld [tilespmem:s2+$0xFFFFFFD0];
	(xrf2) =	vadd.scan.msk.f32 $0xffff, v4  }
0x3a8: {  	[tilespmem:s19+$0xFFFFFF40] =	vst v20;
	v23 =	vld [tilespmem:s3+$0xFFFFFE80];
	v4 =	vadd.f32 v16, v18;
	v15 =	vmul.f32 v22, v15  }
0x3a9: {  	v16 =	vld [tilespmem:s2+$0xFFFFFED0]  }
0x3aa: {  	(xrf2) =	vadd.scan.msk.f32 $0xffff, v4;
	v4 =	vld.idx.msk [tilespmem:v6+s16+$0x0], $0xffff;
	v6 =	vbroadcast v13, $0xF;
	[tilespmem:s4+$0x90] =	vst v15  }
0x3ab: {  	v15 =	vld [tilespmem:s5+$0xA0]  }
0x3ac: {  	v13, _, _ =	vpop (xrf2);
	v6 =	vmul.f32 v6, v11;
	v18 =	vld [tilespmem:s5+$0xB0]  }
0x3ad: {  	v13 =	vbroadcast v13, $0xF;
	v20 =	vld [tilespmem:s6+$0xA0]  }
0x3ae: {  	v19 =	vmul.f32 v6, v19;
	v22 =	vld [tilespmem:s6+$0xB0]  }
0x3af: {  	v14 =	vmul.f32 v14, v16;
	v16 =	vld [tilespmem:s3+$0x120]  }
0x3b0: {  	v7 =	vmul.f32 v21, v7;
	[tilespmem:s19+$0x40] =	vst v19;
	v19 =	vld [tilespmem:s3+$0x130]  }
0x3b1: {  	v12 =	vld [tilespmem:s2+$0x1F0];
	v48 =	vmul.f32 v13, v2;
	v13, _, _ =	vpop (xrf2)  }
0x3b2: {  	v17 =	vld [tilespmem:s3+$0x80];
	[tilespmem:s19+$0xFFFFFFD0] =	vst v7;
	v13 =	vbroadcast v13, $0xF  }
0x3b3: {  	v38 =	vld [tilespmem:s2+$0xFFFFFFE0];
	v15 =	vmul.f32 v20, v15;
	v18 =	vmul.f32 v22, v18  }
0x3b4: {  	[tilespmem:s19+$0xFFFFFF50] =	vst v14;
	v14 =	vmul.f32 v48, v23;
	v56 =	vld [tilespmem:s3+$0x1A0];
	v21 =	vmul.f32 v13, v3  }
0x3b5: {  	v23 =	vld [tilespmem:s2+$0xD0];
	v51 =	vmul.f32 v15, v16;
	v18 =	vmul.f32 v18, v19  }
0x3b6: {  	[tilespmem:s4+$0xFFFFFF00] =	vst v14;
	v14 =	vld [tilespmem:s31+$0xFFFFFF70];
	v49, _, _ =	vpop (xrf2)  }
0x3b7: {  	v20 =	vld [tilespmem:s3+$0xFFFFFE90];
	v22 =	vmul.f32 v21, v47;
	v50 =	vbroadcast v49, $0xF;
	v18 =	vadd.f32 v18, v51  }
0x3b8: {  	v13 =	vld [tilespmem:s31+$0xFFFFFF60]  }
0x3b9: {  	v49 =	vld [tilespmem:s0+$0xFFFFFFF0];
	[tilespmem:s4+$0xFFFFFF80] =	vst v22;
	v22 =	vmul.f32 v50, v4;
	(xrf2) =	vadd.scan.msk.f32 $0xffff, v18  }
0x3ba: {  	v15 =	vld [tilespmem:s0+$0xFFFFFF60]  }
0x3bb: {  	v16 =	vld [tilespmem:s0+$0xFFFFFF70];
	v19 =	vmul.f32 v22, v17  }
0x3bc: {  	v7 =	vld [tilespmem:s3+$0xFFFFFF90];
	v20 =	vmul.f32 v48, v20  }
0x3bd: {  	v17 =	vld [tilespmem:s31+$0xFFFFFFE0];
	[tilespmem:s4+$0x0] =	vst v19  }
0x3be: {  	[tilespmem:s4+$0xFFFFFF10] =	vst v20;
	v20 =	vld [tilespmem:s3+$0x90]  }
0x3bf: {  	v52 =	vld [tilespmem:s5+$0xFFFFFF20]  }
0x3c0: {  	v53 =	vld [tilespmem:s6+$0xFFFFFF20]  }
0x3c1: {  	v62 =	vld [tilespmem:s3+$0xFFFFFE20]  }
0x3c2: {  	v63 =	vld [tilespmem:s3+$0xFFFFFE30];
	v7 =	vmul.f32 v21, v7  }
0x3c3: {  	v21 =	vld [tilespmem:s5+$0xFFFFFF30];
	v57, _, _ =	vpop (xrf2)  }
0x3c4: {  	[tilespmem:s4+$0xFFFFFF90] =	vst v7;
	v7 =	vld [tilespmem:s6+$0xFFFFFF30];
	v29 =	vbroadcast v57, $0xF  }
0x3c5: {  	v54 =	vld [tilespmem:s5+$0xFFFFFFA0]  }
0x3c6: {  	v55 =	vld [tilespmem:s5+$0xFFFFFFB0];
	v29 =	vmul.f32 v29, v5  }
0x3c7: {  	v40 =	vld [tilespmem:s3+$0xFFFFFF20];
	v20 =	vmul.f32 v22, v20  }
0x3c8: {  	v22 =	vld [tilespmem:s6+$0xFFFFFFA0];
	v28 =	vmul.f32 v29, v56  }
0x3c9: {  	[tilespmem:s4+$0x10] =	vst v20;
	v20 =	vld [tilespmem:s6+$0xFFFFFFB0]  }
0x3ca: {  	v58 =	vld [tilespmem:s5+$0x20];
	[tilespmem:s4+$0xA0] =	vst v28  }
0x3cb: {  	v28 =	vld [tilespmem:s3+$0x1B0]  }
0x3cc: {  	v24 =	vmul.f32 v53, v52;
	v59 =	vld [tilespmem:s5+$0x30]  }
0x3cd: {  	v7 =	vmul.f32 v7, v21;
	v21 =	vld [tilespmem:s3+$0xFFFFFF30]  }
0x3ce: {  	v6 =	vmul.f32 v6, v23;
	v24 =	vmul.f32 v24, v62;
	v60 =	vld [tilespmem:s6+$0x20]  }
0x3cf: {  	v61 =	vld [tilespmem:s6+$0x30];
	v22 =	vmul.f32 v22, v54;
	v7 =	vmul.f32 v7, v63  }
0x3d0: {  	v41 =	vld [tilespmem:s3+$0x20];
	v20 =	vmul.f32 v20, v55;
	v28 =	vmul.f32 v29, v28  }
0x3d1: {  	[tilespmem:s19+$0x50] =	vst v6;
	v42 =	vld [tilespmem:s3+$0x30]  }
0x3d2: {  	v50 =	vld [tilespmem:s31+$0x60];
	v7 =	vadd.f32 v7, v24;
	v22 =	vmul.f32 v22, v40;
	v20 =	vmul.f32 v20, v21;
	[tilespmem:s4+$0xB0] =	vst v28  }
0x3d3: {  	v28 =	vld [tilespmem:s5+$0xC0]  }
0x3d4: {  	v45 =	vmul.f32 v61, v59;
	(xrf2) =	vadd.scan.msk.f32 $0xffff, v7;
	v7 =	vmul.f32 v60, v58;
	v20 =	vadd.f32 v20, v22;
	v22 =	vld [tilespmem:s5+$0xD0]  }
0x3d5: {  	v48 =	vld [tilespmem:s6+$0xD0]  }
0x3d6: {  	v47 =	vmul.f32 v45, v42;
	v7 =	vmul.f32 v7, v41;
	(xrf2) =	vadd.scan.msk.f32 $0xffff, v20;
	v46 =	vld [tilespmem:s6+$0xC0]  }
0x3d7: {  	v23 =	vld [tilespmem:s3+$0x150]  }
0x3d8: {  	v51 =	vld [tilespmem:s0+$0x60];
	v7 =	vadd.f32 v47, v7  }
0x3d9: {  	v20 =	vld [tilespmem:s3+$0x140]  }
0x3da: {  	v18 =	vld [tilespmem:s31+$0xFFFFFFF0];
	(xrf2) =	vadd.scan.msk.f32 $0xffff, v7;
	v7 =	vmul.f32 v48, v22  }
0x3db: {  	v19 =	vld [tilespmem:s0+$0xFFFFFFE0]  }
0x3dc: {  	v43 =	vld [tilespmem:s3+$0xFFFFFEA0];
	v6 =	vmul.f32 v46, v28;
	v7 =	vmul.f32 v7, v23  }
0x3dd: {  	v44 =	vld [tilespmem:s3+$0xFFFFFFA0]  }
0x3de: {  	v52 =	vld [tilespmem:s2+$0xFFFFFE60];
	v6 =	vmul.f32 v6, v20;
	v20, _, _ =	vpop (xrf2)  }
0x3df: {  	v53 =	vld [tilespmem:s2+$0xFFFFFE70];
	v20 =	vbroadcast v20, $0xF  }
0x3e0: {  	v54 =	vld [tilespmem:s2+$0xFFFFFF60];
	v6 =	vadd.f32 v7, v6;
	v7, _, _ =	vpop (xrf2)  }
0x3e1: {  	v63 =	vld [tilespmem:s2+$0xE0];
	v20 =	vmul.f32 v20, v2;
	v7 =	vbroadcast v7, $0xF  }
0x3e2: {  	s22 =	simm.s32 $0x8;
	v56 =	vld [tilespmem:s2+$0xFFFFFF70];
	(xrf2) =	vadd.scan.msk.f32 $0xffff, v6  }
0x3e3: {  	v55 =	vmov s22;
	v21 =	vld [tilespmem:s3+$0xA0];
	v27 =	vmul.f32 v20, v43  }
0x3e4: {  	v22 =	vld [tilespmem:s31+$0x70];
	s31 =	simm.s32 $0x9;
	v6 =	vand.u32 $0xFFFFFFFC, v55  }
0x3e5: {  	v58 =	vld [tilespmem:s2+$0x60];
	v57 =	vmov s31;
	v6 =	vbroadcast v6, $0x0;
	v59 =	vmul.f32 v7, v3;
	[tilespmem:s4+$0xFFFFFF20] =	vst v27;
	v7, _, _ =	vpop (xrf2)  }
0x3e6: {  	v32 =	vand.u32 $0xFFFFFFFD, v57;
	v61 =	vld [tilespmem:s3+$0xFFFFFEB0];
	v7 =	vbroadcast v7, $0xF  }
0x3e7: {  	v60 =	vld [tilespmem:s2+$0x70];
	v32 =	vbroadcast v32, $0x0;
	v24 =	vmul.f32 v59, v44  }
0x3e8: {  	v23 =	vld [tilespmem:s0+$0x70];
	v62 =	vmul.f32 v7, v4  }
0x3e9: {  	v27 =	vld [tilespmem:s2+$0xFFFFFEE0];
	[tilespmem:s4+$0xFFFFFFA0] =	vst v24  }
0x3ea: {  	v40 =	vld [tilespmem:s3+$0xFFFFFFB0];
	v21 =	vmul.f32 v62, v21  }
0x3eb: {  	v13 =	vmul.f32 v15, v13;
	v7 =	vld.idx.msk [tilespmem:v6+s16+$0x0], $0xffff;
	v20 =	vmul.f32 v20, v61  }
0x3ec: {  	v14 =	vmul.f32 v16, v14;
	v18 =	vmul.f32 v49, v18;
	v44, _, _ =	vpop (xrf2);
	[tilespmem:s4+$0x20] =	vst v21;
	v21 =	vld [tilespmem:s3+$0x1C0]  }
0x3ed: {  	v17 =	vmul.f32 v19, v17;
	v6 =	vld.idx.msk [tilespmem:v32+s16+$0x0], $0xffff;
	[tilespmem:s4+$0xFFFFFF30] =	vst v20;
	v32 =	vbroadcast v44, $0xF  }
0x3ee: {  	v13 =	vmul.f32 v13, v52;
	v14 =	vmul.f32 v14, v53;
	v45 =	vld [tilespmem:s5+$0xFFFFFF40]  }
0x3ef: {  	v20 =	vld [tilespmem:s3+$0xB0];
	v32 =	vmul.f32 v32, v5  }
0x3f0: {  	v13 =	vadd.f32 v14, v13;
	v17 =	vmul.f32 v17, v54;
	v14 =	vmul.f32 v18, v56;
	v46 =	vld [tilespmem:s5+$0xFFFFFF50]  }
0x3f1: {  	v22 =	vmul.f32 v23, v22;
	v41 =	vld [tilespmem:s6+$0xFFFFFF40];
	v21 =	vmul.f32 v32, v21  }
0x3f2: {  	v47 =	vld [tilespmem:s6+$0xFFFFFF50]  }
0x3f3: {  	v14 =	vadd.f32 v14, v17;
	v17 =	vmul.f32 v22, v60;
	v22 =	vld [tilespmem:s3+$0xFFFFFE40];
	v35 =	vmul.f32 v59, v40;
	[tilespmem:s4+$0xC0] =	vst v21  }
0x3f4: {  	s12 =	simm.s32 $0x1A20;
	v16 =	vmul.f32 v62, v20;
	v20 =	vld [tilespmem:s3+$0x1D0]  }
0x3f5: {  	v59 =	vld [tilespmem:s12+$0x90];
	[tilespmem:s4+$0xFFFFFFB0] =	vst v35  }
0x3f6: {  	v42 =	vld [tilespmem:s5+$0xFFFFFFC0]  }
0x3f7: {  	v15 =	vld [tilespmem:s5+$0xFFFFFFD0]  }
0x3f8: {  	v19 =	vld [tilespmem:s6+$0xFFFFFFC0];
	v21 =	vmul.f32 v51, v50  }
0x3f9: {  	s1 =	simm.s32 $0x5B20;
	v52 =	vld [tilespmem:s3+$0xFFFFFF40];
	v20 =	vmul.f32 v32, v20  }
0x3fa: {  	v62 =	vld [tilespmem:s1+$0x110];
	v21 =	vmul.f32 v21, v58  }
0x3fb: {  	(xrf2) =	vadd.scan.msk.f32 $0xffff, v13;
	v51 =	vld [tilespmem:s3+$0xFFFFFE50];
	[tilespmem:s4+$0xD0] =	vst v20  }
0x3fc: {  	(xrf2) =	vadd.scan.msk.f32 $0xffff, v14;
	v17 =	vadd.f32 v17, v21;
	v14 =	vld [tilespmem:s5+$0xE0]  }
0x3fd: {  	v20 =	vld [tilespmem:s5+$0xF0]  }
0x3fe: {  	(xrf2) =	vadd.scan.msk.f32 $0xffff, v17;
	v17 =	vld [tilespmem:s6+$0xE0]  }
0x3ff: {  	v21 =	vld [tilespmem:s6+$0xF0]  }
0x400: {  	v49 =	vld [tilespmem:s3+$0x160]  }
0x401: {  	v50 =	vld [tilespmem:s3+$0x170]  }
0x402: {  	[tilespmem:s4+$0x30] =	vst v16;
	v16 =	vld [tilespmem:s6+$0xFFFFFFD0]  }
0x403: {  	v23 =	vld [tilespmem:s5+$0x40];
	v14 =	vmul.f32 v17, v14  }
0x404: {  	v12 =	vmul.f32 v10, v12;
	v18 =	vld [tilespmem:s5+$0x50];
	v20 =	vmul.f32 v21, v20  }
0x405: {  	v54 =	vmul.f32 v41, v45;
	v56 =	vmul.f32 v47, v46;
	v48 =	vld [tilespmem:s6+$0x40]  }
0x406: {  	v13 =	vld [tilespmem:s6+$0x50];
	v17, _, _ =	vpop (xrf2);
	v26 =	vmul.f32 v14, v49;
	v20 =	vmul.f32 v20, v50  }
0x407: {  	v22 =	vmul.f32 v54, v22;
	v53 =	vld [tilespmem:s3+$0x50];
	v10 =	vbroadcast v17, $0xF;
	v14, _, _ =	vpop (xrf2)  }
0x408: {  	v19 =	vmul.f32 v19, v42;
	v21 =	vld [tilespmem:s3+$0xFFFFFF50];
	v20 =	vadd.f32 v20, v26;
	v55 =	vbroadcast v14, $0xF  }
0x409: {  	s14 =	simm.s32 $0x9220;
	v60 =	vmul.f32 v56, v51;
	v17 =	vld [tilespmem:s3+$0x40];
	v9 =	vmul.f32 v10, v9;
	v57, _, _ =	vpop (xrf2)  }
0x40a: {  	(xrf2) =	vadd.scan.msk.f32 $0xffff, v20;
	v20 =	vld [tilespmem:s14+$0x90];
	v10 =	vmul.f32 v55, v8;
	v8 =	vbroadcast v57, $0xF  }
0x40b: {  	v58 =	vld [tilespmem:s12+$0x80];
	v15 =	vmul.f32 v16, v15;
	v13 =	vmul.f32 v13, v18  }
0x40c: {  	[tilespmem:s19+$0xF0] =	vst v12;
	v16 =	vld [tilespmem:s14+$0x80];
	v12 =	vadd.f32 v60, v22;
	v8 =	vmul.f32 v8, v11;
	v11 =	vmul.f32 v48, v23  }
0x40d: {  	v61 =	vmul.f32 v19, v52;
	v19 =	vld [tilespmem:s14+$0xFFFFFF00];
	v15 =	vmul.f32 v15, v21  }
0x40e: {  	v13 =	vmul.f32 v13, v53;
	(xrf2) =	vadd.scan.msk.f32 $0xffff, v12;
	v23 =	vld [tilespmem:s1+$0x100];
	v11 =	vmul.f32 v11, v17  }
0x40f: {  	v18 =	vld [tilespmem:s12+$0xFFFFFF10];
	v22 =	vmul.f32 v20, v59;
	v24 =	vmul.f32 v8, v63;
	v63 =	vadd.f32 v15, v61  }
0x410: {  	v14 =	vld [tilespmem:s3+$0xFFFFFEC0];
	v21 =	vmul.f32 v9, v27  }
0x411: {  	v16 =	vmul.f32 v16, v58;
	v17 =	vld [tilespmem:s12+$0xFFFFFF00];
	v11 =	vadd.f32 v13, v11;
	v13 =	vmul.f32 v22, v62;
	(xrf2) =	vadd.scan.msk.f32 $0xffff, v63  }
0x412: {  	[tilespmem:s19+$0xFFFFFF60] =	vst v21;
	v21 =	vmul.f32 v10, v38;
	v20 =	vld [tilespmem:s14+$0xFFFFFF10]  }
0x413: {  	v15 =	vld [tilespmem:s12+$0xFFFFFF80];
	v12 =	vmul.f32 v16, v23  }
0x414: {  	[tilespmem:s19+$0xFFFFFFE0] =	vst v21;
	v16 =	vld [tilespmem:s12+$0xFFFFFF90];
	(xrf2) =	vadd.scan.msk.f32 $0xffff, v11  }
0x415: {  	s9 =	simm.s32 $0xA470;
	s25 =	simm.s32 $0xC;
	[tilespmem:s19+$0x60] =	vst v24;
	v11 =	vld [tilespmem:s3+$0x1E0];
	v12 =	vadd.f32 v13, v12;
	v13, _, _ =	vpop (xrf2)  }
.LBB2_9:
0x416: {  	p2 =	slt.u32 s25, $0x24;
	v17 =	vmul.f32 v19, v17;
	v19 =	vld [tilespmem:s14+$0xFFFFFF80];
	v13 =	vbroadcast v13, $0xF  }
0x417: {  	v18 =	vmul.f32 v20, v18;
	v20 =	vld [tilespmem:s14+$0xFFFFFF90];
	(xrf2) =	vadd.scan.msk.f32 $0xffff, v12  }
0x418: {  	s26 =	sadd.s32 $0x3, s22;
	v12 =	vld [tilespmem:s12+$0x0];
	v13 =	vmul.f32 v13, v5;
	v5, _, _ =	vpop (xrf2)  }
0x419: {  	v22 =	vmov s26;
	v21 =	vld [tilespmem:s12+$0x10];
	v25 =	vbroadcast v5, $0xF  }
0x41a: {  	v23 =	vld [tilespmem:s14+$0x0];
	v11 =	vmul.f32 v13, v11  }
0x41b: {  	v15 =	vmul.f32 v19, v15;
	v19 =	vld [tilespmem:s14+$0x10];
	v24 =	vmul.f32 v25, v2;
	v5, _, _ =	vpop (xrf2)  }
0x41c: {  	v25 =	vld [tilespmem:s1+$0xFFFFFE00];
	v16 =	vmul.f32 v20, v16;
	v20 =	vbroadcast v5, $0xF;
	[tilespmem:s4+$0xE0] =	vst v11  }
0x41d: {  	v11 =	vmul.f32 v24, v14;
	v14 =	vld [tilespmem:s3+$0x1F0]  }
0x41e: {  	v5 =	vld.idx.msk [tilespmem:v22+s16+$0x0], $0xffff;
	v20 =	vmul.f32 v20, v3;
	v22, _, _ =	vpop (xrf2)  }
0x41f: {  	v26 =	vld [tilespmem:s1+$0xFFFFFE10];
	v12 =	vmul.f32 v23, v12;
	[tilespmem:s4+$0xFFFFFF40] =	vst v11;
	v11 =	vbroadcast v22, $0xF  }
0x420: {  	v22 =	vld [tilespmem:s1+$0xFFFFFF00];
	v19 =	vmul.f32 v19, v21  }
0x421: {  	v17 =	vmul.f32 v17, v25;
	v21 =	vld [tilespmem:s1+$0x180];
	v23, _, _ =	vpop (xrf2);
	v25 =	vmul.f32 v11, v4  }
0x422: {  	v11 =	vld [tilespmem:s1+$0xFFFFFF10];
	v23 =	vbroadcast v23, $0xF;
	v13 =	vmul.f32 v13, v14  }
0x423: {  	v14 =	vld [tilespmem:s1+$0x0]  }
0x424: {  	v18 =	vmul.f32 v18, v26;
	v26 =	vld [tilespmem:s1+$0x10];
	v23 =	vmul.f32 v23, v5;
	[tilespmem:s4+$0xF0] =	vst v13  }
0x425: {  	v13 =	vld [tilespmem:s1+$0xFFFFFE80];
	v15 =	vmul.f32 v15, v22  }
0x426: {  	s26 =	sadd.s32 $0x2, s22;
	s22 =	smov.u32 s25;
	v17 =	vadd.f32 v18, v17;
	v18 =	vld [tilespmem:s1+$0xFFFFFF80];
	v21 =	vmul.f32 v23, v21  }
0x427: {  	s4 =	sadd.s32 $0x200, s4;
	v11 =	vmul.f32 v16, v11;
	v16 =	vmov s26;
	v22 =	vld [tilespmem:s1+$0x80]  }
0x428: {  	v16 =	vand.u32 $0xFFFFFFFE, v16;
	v12 =	vmul.f32 v12, v14;
	[tilespmem:s4+$0x80] =	vst v21;
	(xrf2) =	vadd.scan.msk.f32 $0xffff, v17;
	v14 =	vld [tilespmem:s3+$0xFFFFFFC0]  }
0x429: {  	v11 =	vadd.f32 v11, v15;
	v15 =	vbroadcast v16, $0x0;
	v16 =	vmul.f32 v19, v26;
	v17 =	vld [tilespmem:s1+$0x190]  }
0x42a: {  	v19 =	vld [tilespmem:s3+$0xC0]  }
0x42b: {  	v12 =	vadd.f32 v16, v12;
	(xrf2) =	vadd.scan.msk.f32 $0xffff, v11;
	v16 =	vld [tilespmem:s3+$0xFFFFFED0]  }
0x42c: {  	v21 =	vld [tilespmem:s2+$0xFFFFFEF0]  }
0x42d: {  	v14 =	vmul.f32 v20, v14;
	v26 =	vld [tilespmem:s2+$0xFFFFFFF0]  }
0x42e: {  	v17 =	vmul.f32 v23, v17;
	(xrf2) =	vadd.scan.msk.f32 $0xffff, v12;
	v12 =	vld [tilespmem:s2+$0xF0];
	s2 =	smov.u32 s3;
	s3 =	smov.u32 s1  }
0x42f: {  	v11 =	vld.idx.msk [tilespmem:v15+s16+$0x0], $0xffff;
	[tilespmem:s9+$0xFFFFFFC0] =	vst v14;
	v14 =	vmul.f32 v25, v19  }
0x430: {  	[tilespmem:s4+$0x90] =	vst v17;
	v15 =	vmul.f32 v24, v16;
	v16 =	vld [tilespmem:s2+$0xFFFFFFD0]  }
0x431: {  	v17 =	vld [tilespmem:s12+$0xA0];
	[tilespmem:s9+$0x40] =	vst v14;
	v9 =	vmul.f32 v9, v21  }
0x432: {  	v14 =	vld [tilespmem:s12+$0xB0];
	v19, _, _ =	vpop (xrf2);
	[tilespmem:s9+$0xFFFFFF50] =	vst v15;
	v10 =	vmul.f32 v10, v26  }
0x433: {  	v21 =	vbroadcast v19, $0xF;
	v19 =	vld [tilespmem:s14+$0xA0];
	[tilespmem:s19+$0xFFFFFF70] =	vst v9;
	v8 =	vmul.f32 v8, v12  }
0x434: {  	v9 =	vld [tilespmem:s14+$0xB0];
	[tilespmem:s19+$0xFFFFFFF0] =	vst v10  }
0x435: {  	v10 =	vmul.f32 v21, v7;
	v12 =	vld [tilespmem:s1+$0x120];
	v15, _, _ =	vpop (xrf2);
	v16 =	vmul.f32 v20, v16;
	[tilespmem:s19+$0x70] =	vst v8;
	s19 =	smov.u32 s9;
	s9 =	smov.u32 s4  }
0x436: {  	v21 =	vbroadcast v15, $0xF;
	v15 =	vld [tilespmem:s1+$0x130]  }
0x437: {  	v13 =	vmul.f32 v10, v13;
	[tilespmem:s19+$0xFFFFFFD0] =	vst v16;
	v16 =	vld [tilespmem:s2+$0xD0]  }
0x438: {  	v20 =	vmul.f32 v21, v6;
	v8, _, _ =	vpop (xrf2);
	v21 =	vld [tilespmem:s5+$0xFFFFFF60]  }
0x439: {  	[tilespmem:s4+$0xFFFFFF00] =	vst v13;
	v13 =	vmul.f32 v19, v17;
	v9 =	vmul.f32 v9, v14;
	v14 =	vld [tilespmem:s5+$0xFFFFFF70]  }
0x43a: {  	v8 =	vbroadcast v8, $0xF;
	v17 =	vld [tilespmem:s1+$0xFFFFFE90];
	v18 =	vmul.f32 v20, v18  }
0x43b: {  	v12 =	vmul.f32 v13, v12;
	v9 =	vmul.f32 v9, v15;
	v13 =	vld [tilespmem:s6+$0xFFFFFF60]  }
0x43c: {  	v15 =	vmul.f32 v8, v11;
	[tilespmem:s4+$0xFFFFFF80] =	vst v18;
	v18 =	vld [tilespmem:s6+$0xFFFFFF70];
	v8 =	vmul.f32 v25, v16  }
0x43d: {  	v16 =	vld [tilespmem:s1+$0xFFFFFF90];
	v9 =	vadd.f32 v9, v12  }
0x43e: {  	v12 =	vmul.f32 v15, v22;
	v19 =	vld [tilespmem:s5+$0xFFFFFFE0];
	[tilespmem:s19+$0x50] =	vst v8  }
0x43f: {  	v10 =	vmul.f32 v10, v17;
	(xrf2) =	vadd.scan.msk.f32 $0xffff, v9;
	v17 =	vld [tilespmem:s5+$0xFFFFFFF0]  }
0x440: {  	[tilespmem:s4+$0x0] =	vst v12;
	v8 =	vmul.f32 v13, v21;
	v12 =	vld [tilespmem:s6+$0xFFFFFFE0]  }
0x441: {  	[tilespmem:s4+$0xFFFFFF10] =	vst v10;
	v13 =	vld [tilespmem:s1+$0x90];
	v9 =	vmul.f32 v18, v14  }
0x442: {  	v14 =	vld [tilespmem:s12+$0xFFFFFF20];
	v10 =	vmul.f32 v20, v16  }
0x443: {  	v16 =	vld [tilespmem:s12+$0xFFFFFF30]  }
0x444: {  	v18 =	vld [tilespmem:s14+$0xFFFFFF20];
	[tilespmem:s4+$0xFFFFFF90] =	vst v10  }
0x445: {  	v20 =	vld [tilespmem:s14+$0xFFFFFF30];
	v10 =	vmul.f32 v12, v19  }
0x446: {  	v12 =	vld [tilespmem:s12+$0xFFFFFFA0];
	v13 =	vmul.f32 v15, v13  }
0x447: {  	v15 =	vld [tilespmem:s12+$0xFFFFFFB0]  }
0x448: {  	v19 =	vld [tilespmem:s14+$0xFFFFFFA0];
	[tilespmem:s4+$0x10] =	vst v13  }
0x449: {  	v13 =	vmul.f32 v18, v14;
	v14 =	vld [tilespmem:s1+$0x1A0];
	v18, _, _ =	vpop (xrf2)  }
0x44a: {  	v16 =	vmul.f32 v20, v16;
	v20 =	vld [tilespmem:s14+$0xFFFFFFB0];
	v18 =	vbroadcast v18, $0xF  }
0x44b: {  	v21 =	vld [tilespmem:s12+$0x20]  }
0x44c: {  	v22 =	vld [tilespmem:s12+$0x30];
	v18 =	vmul.f32 v18, v5  }
0x44d: {  	v12 =	vmul.f32 v19, v12;
	v19 =	vld [tilespmem:s14+$0x20]  }
0x44e: {  	v23 =	vld [tilespmem:s14+$0x30];
	v14 =	vmul.f32 v18, v14  }
0x44f: {  	v24 =	vld [tilespmem:s1+$0xFFFFFE20];
	v15 =	vmul.f32 v20, v15  }
0x450: {  	v20 =	vld [tilespmem:s1+$0xFFFFFE30];
	[tilespmem:s4+$0xA0] =	vst v14  }
0x451: {  	v14 =	vld [tilespmem:s1+$0x1B0]  }
0x452: {  	v25 =	vld [tilespmem:s1+$0xFFFFFF20];
	v19 =	vmul.f32 v19, v21  }
0x453: {  	v21 =	vld [tilespmem:s1+$0xFFFFFF30];
	v22 =	vmul.f32 v23, v22  }
0x454: {  	v13 =	vmul.f32 v13, v24;
	v23 =	vld [tilespmem:s1+$0x20]  }
0x455: {  	v16 =	vmul.f32 v16, v20;
	v20 =	vld [tilespmem:s1+$0x30]  }
0x456: {  	v24 =	vld [tilespmem:s1+$0xFFFFFEA0];
	v14 =	vmul.f32 v18, v14  }
0x457: {  	v13 =	vadd.f32 v16, v13;
	v12 =	vmul.f32 v12, v25;
	v16 =	vld [tilespmem:s1+$0xFFFFFFA0]  }
0x458: {  	v15 =	vmul.f32 v15, v21;
	v18 =	vld [tilespmem:s1+$0xA0];
	[tilespmem:s4+$0xB0] =	vst v14  }
0x459: {  	v14 =	vmul.f32 v19, v23;
	v19 =	vld [tilespmem:s12+$0xC0];
	(xrf2) =	vadd.scan.msk.f32 $0xffff, v13  }
0x45a: {  	v12 =	vadd.f32 v15, v12;
	v13 =	vmul.f32 v22, v20;
	v15 =	vld [tilespmem:s12+$0xD0]  }
0x45b: {  	v20 =	vld [tilespmem:s14+$0xC0]  }
0x45c: {  	v13 =	vadd.f32 v13, v14;
	v14 =	vld [tilespmem:s14+$0xD0];
	(xrf2) =	vadd.scan.msk.f32 $0xffff, v12  }
0x45d: {  	v12 =	vld [tilespmem:s1+$0x140]  }
0x45e: {  	v21 =	vld [tilespmem:s1+$0x150]  }
0x45f: {  	(xrf2) =	vadd.scan.msk.f32 $0xffff, v13;
	v13 =	vld [tilespmem:s6+$0xFFFFFFF0]  }
0x460: {  	v22 =	vld [tilespmem:s5+$0x60]  }
0x461: {  	v25 =	vmul.f32 v20, v19;
	v14 =	vmul.f32 v14, v15;
	v15 =	vld [tilespmem:s5+$0x70];
	s5 =	smov.u32 s12  }
0x462: {  	v20 =	vmov s25;
	v23 =	vld [tilespmem:s6+$0x60]  }
0x463: {  	s26 =	sadd.s32 $0x1, s25;
	v20 =	vand.u32 $0xFFFFFFFC, v20;
	v12 =	vmul.f32 v25, v12;
	v14 =	vmul.f32 v14, v21;
	v19, _, _ =	vpop (xrf2);
	v21 =	vld [tilespmem:s6+$0x70];
	s6 =	smov.u32 s14  }
0x464: {  	v27 =	vmov s26;
	v19 =	vbroadcast v19, $0xF;
	v26 =	vld [tilespmem:s2+$0xFFFFFE60];
	v13 =	vmul.f32 v13, v17  }
0x465: {  	v17 =	vbroadcast v20, $0x0;
	v20 =	vand.u32 $0xFFFFFFFD, v27;
	v12 =	vadd.f32 v14, v12;
	v14 =	vld [tilespmem:s2+$0xFFFFFE70]  }
0x466: {  	v20 =	vbroadcast v20, $0x0;
	v19 =	vmul.f32 v19, v7;
	v25, _, _ =	vpop (xrf2);
	v27 =	vld [tilespmem:s2+$0xFFFFFF60]  }
0x467: {  	v28 =	vbroadcast v25, $0xF;
	(xrf2) =	vadd.scan.msk.f32 $0xffff, v12;
	v12 =	vld [tilespmem:s2+$0xFFFFFF70];
	v22 =	vmul.f32 v23, v22  }
0x468: {  	v23 =	vmul.f32 v19, v24;
	v24 =	vld [tilespmem:s2+$0x60];
	v15 =	vmul.f32 v21, v15  }
0x469: {  	v21 =	vmul.f32 v28, v6;
	v25, _, _ =	vpop (xrf2);
	v8 =	vmul.f32 v8, v26;
	v26 =	vld [tilespmem:s2+$0x70]  }
0x46a: {  	[tilespmem:s4+$0xFFFFFF20] =	vst v23;
	v23 =	vbroadcast v25, $0xF;
	v9 =	vmul.f32 v9, v14;
	v14 =	vld [tilespmem:s2+$0xFFFFFEE0]  }
0x46b: {  	v25 =	vld [tilespmem:s1+$0xFFFFFEB0];
	v16 =	vmul.f32 v21, v16;
	v10 =	vmul.f32 v10, v27  }
0x46c: {  	v23 =	vmul.f32 v23, v11;
	v8 =	vadd.f32 v9, v8;
	v9 =	vmul.f32 v13, v12;
	v12 =	vld [tilespmem:s2+$0xFFFFFFE0]  }
0x46d: {  	[tilespmem:s4+$0xFFFFFFA0] =	vst v16;
	v13 =	vmul.f32 v22, v24;
	v16 =	vld [tilespmem:s2+$0xE0]  }
0x46e: {  	v22 =	vld [tilespmem:s1+$0xFFFFFFB0];
	v24 =	vmul.f32 v23, v18;
	v9 =	vadd.f32 v9, v10;
	v10 =	vmul.f32 v15, v26;
	(xrf2) =	vadd.scan.msk.f32 $0xffff, v8  }
0x46f: {  	v8 =	vld.idx.msk [tilespmem:v17+s16+$0x0], $0xffff  }
0x470: {  	v15 =	vld.idx.msk [tilespmem:v20+s16+$0x0], $0xffff;
	v17 =	vmul.f32 v19, v25;
	[tilespmem:s4+$0x20] =	vst v24;
	v10 =	vadd.f32 v10, v13  }
0x471: {  	v13 =	vld [tilespmem:s1+$0x1C0];
	v18, _, _ =	vpop (xrf2);
	(xrf2) =	vadd.scan.msk.f32 $0xffff, v9  }
0x472: {  	[tilespmem:s4+$0xFFFFFF30] =	vst v17;
	v9 =	vld [tilespmem:s1+$0xB0];
	v17 =	vbroadcast v18, $0xF  }
0x473: {  	v18 =	vld [tilespmem:s12+$0xFFFFFF40];
	v19 =	vmul.f32 v21, v22  }
0x474: {  	v20 =	vld [tilespmem:s12+$0xFFFFFF50];
	v17 =	vmul.f32 v17, v5;
	(xrf2) =	vadd.scan.msk.f32 $0xffff, v10  }
0x475: {  	v10 =	vld [tilespmem:s14+$0xFFFFFF40];
	[tilespmem:s4+$0xFFFFFFB0] =	vst v19  }
0x476: {  	v19 =	vld [tilespmem:s14+$0xFFFFFF50];
	v24 =	vmul.f32 v17, v13  }
0x477: {  	v21 =	vld [tilespmem:s12+$0xFFFFFFC0];
	v9 =	vmul.f32 v23, v9  }
0x478: {  	v22 =	vld [tilespmem:s12+$0xFFFFFFD0];
	[tilespmem:s4+$0xC0] =	vst v24;
	v13, _, _ =	vpop (xrf2)  }
0x479: {  	[tilespmem:s4+$0x30] =	vst v9;
	v23 =	vld [tilespmem:s1+$0x1D0];
	v9 =	vbroadcast v13, $0xF  }
0x47a: {  	v13 =	vmul.f32 v10, v18;
	v18 =	vld [tilespmem:s14+$0xFFFFFFC0]  }
0x47b: {  	v19 =	vmul.f32 v19, v20;
	v20 =	vld [tilespmem:s14+$0xFFFFFFD0];
	v9 =	vmul.f32 v9, v2;
	v10, _, _ =	vpop (xrf2);
	v2 =	vmov v7  }
0x47c: {  	v7 =	vmov v8;
	v24 =	vld [tilespmem:s12+$0x40];
	v10 =	vbroadcast v10, $0xF  }
0x47d: {  	v25 =	vld [tilespmem:s12+$0x50];
	v8 =	vmul.f32 v9, v14  }
0x47e: {  	v14 =	vld [tilespmem:s14+$0x40];
	v17 =	vmul.f32 v17, v23;
	v10 =	vmul.f32 v10, v3;
	v23, _, _ =	vpop (xrf2);
	v3 =	vmov v6  }
0x47f: {  	v6 =	vmov v15;
	v18 =	vmul.f32 v18, v21;
	v21 =	vld [tilespmem:s14+$0x50];
	[tilespmem:s19+$0xFFFFFF60] =	vst v8;
	v8 =	vbroadcast v23, $0xF  }
0x480: {  	v15 =	vld [tilespmem:s1+$0xFFFFFE40];
	v20 =	vmul.f32 v20, v22;
	[tilespmem:s4+$0xD0] =	vst v17;
	v12 =	vmul.f32 v10, v12  }
0x481: {  	v17 =	vld [tilespmem:s12+$0xE0];
	v8 =	vmul.f32 v8, v4;
	v4 =	vmov v11  }
0x482: {  	v11 =	vld [tilespmem:s12+$0xF0];
	[tilespmem:s19+$0xFFFFFFE0] =	vst v12  }
0x483: {  	v12 =	vmul.f32 v14, v24;
	v14 =	vld [tilespmem:s14+$0xE0];
	v16 =	vmul.f32 v8, v16  }
0x484: {  	v21 =	vmul.f32 v21, v25;
	v22 =	vld [tilespmem:s14+$0xF0]  }
0x485: {  	v13 =	vmul.f32 v13, v15;
	v15 =	vld [tilespmem:s1+$0x160];
	[tilespmem:s19+$0x60] =	vst v16  }
0x486: {  	v16 =	vld [tilespmem:s1+$0x170]  }
0x487: {  	v23 =	vld [tilespmem:s1+$0xFFFFFE50]  }
0x488: {  	v24 =	vld [tilespmem:s1+$0xFFFFFF40]  }
0x489: {  	v14 =	vmul.f32 v14, v17;
	v25 =	vld [tilespmem:s1+$0xFFFFFF50];
	v11 =	vmul.f32 v22, v11  }
0x48a: {  	v17 =	vld [tilespmem:s1+$0x40]  }
0x48b: {  	v15 =	vmul.f32 v14, v15;
	v22 =	vld [tilespmem:s1+$0x50];
	v11 =	vmul.f32 v11, v16  }
0x48c: {  	s12 =	sadd.s32 $0x200, s12;
	v16 =	vmul.f32 v19, v23;
	v14 =	vld [tilespmem:s1+$0xFFFFFEC0]  }
0x48d: {  	v23 =	vld [tilespmem:s12+$0x80];
	v18 =	vmul.f32 v18, v24;
	v11 =	vadd.f32 v11, v15  }
0x48e: {  	s14 =	sadd.s32 $0x200, s14;
	v15 =	vld [tilespmem:s12+$0x90];
	v13 =	vadd.f32 v16, v13;
	v16 =	vmul.f32 v20, v25  }
0x48f: {  	v20 =	vld [tilespmem:s14+$0x80];
	v12 =	vmul.f32 v12, v17;
	(xrf2) =	vadd.scan.msk.f32 $0xffff, v11  }
0x490: {  	s1 =	sadd.s32 $0x400, s1;
	v11 =	vld [tilespmem:s14+$0x90];
	v16 =	vadd.f32 v16, v18;
	v17 =	vmul.f32 v21, v22  }
0x491: {  	v21 =	vld [tilespmem:s1+$0x100]  }
0x492: {  	v22 =	vld [tilespmem:s1+$0x110];
	v12 =	vadd.f32 v17, v12;
	(xrf2) =	vadd.scan.msk.f32 $0xffff, v13  }
0x493: {  	v17 =	vld [tilespmem:s12+$0xFFFFFF00]  }
0x494: {  	v18 =	vld [tilespmem:s12+$0xFFFFFF10]  }
.Ltmp3:
0x495: {  	v13 =	vmul.f32 v20, v23;
	v19 =	vld [tilespmem:s14+$0xFFFFFF00];
	v11 =	vmul.f32 v11, v15;
	(xrf2) =	vadd.scan.msk.f32 $0xffff, v16;
	(pc) =	sbr.rel @p2 .LBB2_9-.Ltmp3, $4  }
0x496: {  	v20 =	vld [tilespmem:s14+$0xFFFFFF10]  }
0x497: {  	v21 =	vmul.f32 v13, v21;
	v15 =	vld [tilespmem:s12+$0xFFFFFF80];
	v11 =	vmul.f32 v11, v22  }
0x498: {  	v16 =	vld [tilespmem:s12+$0xFFFFFF90];
	(xrf2) =	vadd.scan.msk.f32 $0xffff, v12  }
0x499: {  	s25 =	sadd.s32 $0x4, s25;
	v12 =	vadd.f32 v11, v21;
	v11 =	vld [tilespmem:s3+$0x1E0];
	v13, _, _ =	vpop (xrf2)  }
0x49a: {  	_ = 	snop  }
0x49b: {  	(xrf2) =	vadd.scan.msk.f32 $0xffff, v12;
	_ =	sdelay $0x1  }
0x49c: {  	s25 =	sadd.s32 $0x3, s22  }
0x49d: {  	v39 =	vmov s25;
	_ =	sdelay $0x1  }
0x49e: {  	v21 =	vld [tilespmem:s14+$0xFFFFFF80]  }
0x49f: {  	v22 =	vld [tilespmem:s14+$0xFFFFFF90]  }
0x4a0: {  	v23 =	vld [tilespmem:s12+$0x0];
	v24, _, _ =	vpop (xrf2)  }
0x4a1: {  	v26, _, _ =	vpop (xrf2);
	v12 =	vld.idx.msk [tilespmem:v39+s16+$0x0], $0xffff  }
0x4a2: {  	v27 =	vld [tilespmem:s1+$0xFFFFFE00];
	v28, _, _ =	vpop (xrf2)  }
0x4a3: {  	v29 =	vld [tilespmem:s1+$0x180];
	v30, _, _ =	vpop (xrf2)  }
0x4a4: {  	v31 =	vld [tilespmem:s1+$0xFFFFFE10];
	v30 =	vbroadcast v30, $0xF  }
0x4a5: {  	v25 =	vld [tilespmem:s12+$0x10]  }
0x4a6: {  	v32 =	vld [tilespmem:s14+$0x0];
	v30 =	vmul.f32 v30, v12  }
0x4a7: {  	v33 =	vld [tilespmem:s14+$0x10];
	v17 =	vmul.f32 v19, v17;
	v18 =	vmul.f32 v20, v18  }
0x4a8: {  	v40 =	vld [tilespmem:s1+$0xFFFFFF00];
	v29 =	vmul.f32 v30, v29  }
0x4a9: {  	v41 =	vld [tilespmem:s1+$0xFFFFFF10];
	s20 =	sadd.s32 $0x200, s4;
	v17 =	vmul.f32 v17, v27;
	v18 =	vmul.f32 v18, v31  }
0x4aa: {  	v42 =	vld [tilespmem:s1+$0x0];
	[tilespmem:s20+$0x80] =	vst v29  }
0x4ab: {  	v17 =	vadd.f32 v18, v17;
	v44 =	vld [tilespmem:s1+$0x190]  }
0x4ac: {  	v43 =	vld [tilespmem:s1+$0x10]  }
0x4ad: {  	v15 =	vmul.f32 v21, v15;
	(xrf2) =	vadd.scan.msk.f32 $0xffff, v17  }
0x4ae: {  	v16 =	vmul.f32 v22, v16;
	v45 =	vmul.f32 v32, v23  }
0x4af: {  	v46 =	vmul.f32 v33, v25;
	v15 =	vmul.f32 v15, v40  }
0x4b0: {  	v16 =	vmul.f32 v16, v41;
	v49 =	vmul.f32 v30, v44  }
0x4b1: {  	v50 =	vld [tilespmem:s1+$0xFFFFFE80];
	v47 =	vmul.f32 v45, v42;
	v48 =	vmul.f32 v46, v43  }
0x4b2: {  	v51 =	vld [tilespmem:s3+$0xFFFFFFC0];
	v15 =	vadd.f32 v16, v15;
	[tilespmem:s20+$0x90] =	vst v49  }
0x4b3: {  	s26 =	sadd.s32 $0x2, s22;
	v52 =	vbroadcast v24, $0xF;
	v16 =	vadd.f32 v48, v47;
	v53 =	vld [tilespmem:s12+$0xA0]  }
0x4b4: {  	v54 =	vmov s26;
	(xrf2) =	vadd.scan.msk.f32 $0xffff, v15;
	v55 =	vld [tilespmem:s12+$0xB0]  }
0x4b5: {  	v20 =	vand.u32 $0xFFFFFFFE, v54;
	v58 =	vbroadcast v26, $0xF;
	v17 =	vmul.f32 v52, v2;
	(xrf2) =	vadd.scan.msk.f32 $0xffff, v16;
	v56 =	vld [tilespmem:s14+$0xA0]  }
0x4b6: {  	v20 =	vbroadcast v20, $0x0;
	v57 =	vld [tilespmem:s14+$0xB0]  }
0x4b7: {  	v23 =	vmul.f32 v58, v3;
	v14 =	vmul.f32 v17, v14;
	v59, _, _ =	vpop (xrf2);
	v60 =	vld [tilespmem:s1+$0x120]  }
0x4b8: {  	v24 =	vbroadcast v59, $0xF;
	v62 =	vld [tilespmem:s1+$0x130]  }
0x4b9: {  	v15 =	vmul.f32 v23, v51;
	[tilespmem:s4+$0xFFFFFF40] =	vst v14  }
0x4ba: {  	v34 =	vld [tilespmem:s3+$0xFFFFFED0];
	v24 =	vmul.f32 v24, v7  }
0x4bb: {  	v63 =	vld [tilespmem:s3+$0xC0];
	[tilespmem:s9+$0xFFFFFFC0] =	vst v15;
	v19 =	vmul.f32 v56, v53;
	v16 =	vmul.f32 v57, v55  }
0x4bc: {  	v61 =	vbroadcast v28, $0xF;
	v43 =	vld [tilespmem:s3+$0xFFFFFFD0];
	v18 =	vmul.f32 v24, v50  }
0x4bd: {  	v14 =	vld.idx.msk [tilespmem:v20+s16+$0x0], $0xffff;
	v19 =	vmul.f32 v19, v60;
	v16 =	vmul.f32 v16, v62  }
0x4be: {  	v33 =	vld [tilespmem:s1+$0xFFFFFF80];
	v26 =	vmul.f32 v61, v4;
	v35, _, _ =	vpop (xrf2)  }
0x4bf: {  	v37 =	vld [tilespmem:s1+$0x80];
	v42 =	vmul.f32 v17, v34;
	v36 =	vbroadcast v35, $0xF;
	v39, _, _ =	vpop (xrf2);
	[tilespmem:s20+$0xFFFFFF00] =	vst v18;
	v16 =	vadd.f32 v16, v19  }
0x4c0: {  	v38 =	vmul.f32 v26, v63;
	v25 =	vbroadcast v39, $0xF;
	v41 =	vld [tilespmem:s1+$0xFFFFFE90]  }
0x4c1: {  	v17 =	vmul.f32 v23, v43;
	[tilespmem:s9+$0xFFFFFF50] =	vst v42;
	v40 =	vmul.f32 v36, v6;
	(xrf2) =	vadd.scan.msk.f32 $0xffff, v16  }
0x4c2: {  	[tilespmem:s9+$0x40] =	vst v38;
	v15 =	vld [tilespmem:s5+$0xFFFFFF60];
	v45 =	vmul.f32 v25, v14  }
0x4c3: {  	[tilespmem:s9+$0xFFFFFFD0] =	vst v17;
	v17 =	vld [tilespmem:s6+$0xFFFFFF70];
	v44 =	vmul.f32 v40, v33  }
0x4c4: {  	v25 =	vld [tilespmem:s3+$0xD0];
	v46 =	vmul.f32 v45, v37  }
0x4c5: {  	v51 =	vld [tilespmem:s1+$0x1A0];
	[tilespmem:s20+$0xFFFFFF80] =	vst v44;
	v20 =	vmul.f32 v24, v41  }
0x4c6: {  	v47 =	vld [tilespmem:s1+$0xFFFFFF90];
	[tilespmem:s20+$0x0] =	vst v46  }
0x4c7: {  	[tilespmem:s20+$0xFFFFFF10] =	vst v20;
	v19 =	vld [tilespmem:s1+$0x90]  }
0x4c8: {  	v20 =	vld [tilespmem:s12+$0xFFFFFF20]  }
0x4c9: {  	v48 =	vld [tilespmem:s12+$0xFFFFFF30]  }
0x4ca: {  	v49 =	vld [tilespmem:s14+$0xFFFFFF20]  }
0x4cb: {  	v18 =	vmul.f32 v40, v47;
	v50 =	vld [tilespmem:s14+$0xFFFFFF30];
	v52, _, _ =	vpop (xrf2)  }
0x4cc: {  	v34 =	vld [tilespmem:s1+$0xFFFFFE20];
	v28 =	vbroadcast v52, $0xF  }
0x4cd: {  	[tilespmem:s20+$0xFFFFFF90] =	vst v18;
	v35 =	vld [tilespmem:s1+$0xFFFFFE30]  }
0x4ce: {  	v53 =	vld [tilespmem:s12+$0xFFFFFFA0];
	v28 =	vmul.f32 v28, v12  }
0x4cf: {  	v54 =	vld [tilespmem:s12+$0xFFFFFFB0]  }
0x4d0: {  	v55 =	vld [tilespmem:s14+$0xFFFFFFA0];
	v18 =	vmul.f32 v28, v51  }
0x4d1: {  	v56 =	vld [tilespmem:s14+$0xFFFFFFB0]  }
0x4d2: {  	v60 =	vld [tilespmem:s1+$0xFFFFFF20];
	v19 =	vmul.f32 v45, v19;
	[tilespmem:s20+$0xA0] =	vst v18  }
0x4d3: {  	v18 =	vld [tilespmem:s1+$0x1B0]  }
0x4d4: {  	v61 =	vld [tilespmem:s1+$0xFFFFFF30];
	[tilespmem:s20+$0x10] =	vst v19  }
0x4d5: {  	v20 =	vmul.f32 v49, v20;
	v57 =	vld [tilespmem:s12+$0x20]  }
0x4d6: {  	v24 =	vmul.f32 v50, v48;
	v29 =	vmul.f32 v55, v53;
	v58 =	vld [tilespmem:s12+$0x30]  }
0x4d7: {  	v19 =	vmul.f32 v56, v54;
	v59 =	vld [tilespmem:s14+$0x20];
	v20 =	vmul.f32 v20, v34  }
0x4d8: {  	v36 =	vld [tilespmem:s14+$0x30];
	v24 =	vmul.f32 v24, v35;
	v18 =	vmul.f32 v28, v18  }
0x4d9: {  	v62 =	vld [tilespmem:s1+$0x20];
	v21 =	vmul.f32 v29, v60;
	v19 =	vmul.f32 v19, v61  }
0x4da: {  	v63 =	vld [tilespmem:s1+$0x30];
	v20 =	vadd.f32 v24, v20;
	[tilespmem:s20+$0xB0] =	vst v18  }
0x4db: {  	v19 =	vadd.f32 v19, v21;
	v18 =	vld [tilespmem:s12+$0xC0]  }
0x4dc: {  	(xrf2) =	vadd.scan.msk.f32 $0xffff, v20;
	v35 =	vld [tilespmem:s12+$0xD0]  }
0x4dd: {  	(xrf2) =	vadd.scan.msk.f32 $0xffff, v19;
	v37 =	vld [tilespmem:s14+$0xC0]  }
0x4de: {  	v40 =	vld [tilespmem:s14+$0xD0]  }
0x4df: {  	v41 =	vld [tilespmem:s1+$0x140]  }
0x4e0: {  	v42 =	vld [tilespmem:s1+$0x150]  }
0x4e1: {  	v30 =	vld [tilespmem:s5+$0xFFFFFFE0];
	v46 =	vmul.f32 v26, v25  }
0x4e2: {  	v22 =	vld [tilespmem:s6+$0xFFFFFFE0];
	v38 =	vmul.f32 v59, v57;
	v39 =	vmul.f32 v36, v58  }
0x4e3: {  	v23 =	vld [tilespmem:s6+$0xFFFFFFF0];
	v18 =	vmul.f32 v37, v18;
	v44 =	vmul.f32 v40, v35  }
0x4e4: {  	v32 =	vld [tilespmem:s3+$0xFFFFFE60];
	v43 =	vmul.f32 v39, v63;
	v28 =	vmul.f32 v38, v62  }
0x4e5: {  	v33 =	vld [tilespmem:s3+$0xFFFFFE70];
	[tilespmem:s9+$0x50] =	vst v46;
	v18 =	vmul.f32 v18, v41;
	v19 =	vmul.f32 v44, v42  }
0x4e6: {  	v26 =	vld [tilespmem:s5+$0x70];
	v49, _, _ =	vpop (xrf2);
	v21 =	vadd.f32 v43, v28  }
0x4e7: {  	v47 =	vld [tilespmem:s1+$0xFFFFFFA0];
	v50, _, _ =	vpop (xrf2);
	v18 =	vadd.f32 v19, v18  }
0x4e8: {  	v27 =	vld [tilespmem:s6+$0x60];
	v31 =	vbroadcast v50, $0xF;
	(xrf2) =	vadd.scan.msk.f32 $0xffff, v21  }
0x4e9: {  	v16 =	vld [tilespmem:s5+$0xFFFFFF70];
	(xrf2) =	vadd.scan.msk.f32 $0xffff, v18  }
0x4ea: {  	v45 =	vld [tilespmem:s1+$0xFFFFFEA0];
	v52 =	vmul.f32 v31, v6  }
0x4eb: {  	v55 =	vld [tilespmem:s3+$0xFFFFFF60];
	v25 =	vbroadcast v49, $0xF  }
0x4ec: {  	v56 =	vld [tilespmem:s3+$0xFFFFFF70];
	v24 =	vmul.f32 v52, v47  }
0x4ed: {  	v48 =	vld [tilespmem:s1+$0xA0];
	v25 =	vmul.f32 v25, v7  }
0x4ee: {  	v29 =	vld [tilespmem:s6+$0xFFFFFF60];
	[tilespmem:s20+$0xFFFFFFA0] =	vst v24  }
0x4ef: {  	v21 =	vmul.f32 v25, v45;
	v58 =	vld [tilespmem:s1+$0xFFFFFFB0]  }
0x4f0: {  	v20 =	vld [tilespmem:s5+$0xFFFFFFF0]  }
0x4f1: {  	v59 =	vld [tilespmem:s3+$0x70];
	[tilespmem:s20+$0xFFFFFF20] =	vst v21  }
0x4f2: {  	v54 =	vld [tilespmem:s1+$0xFFFFFEB0];
	v51, _, _ =	vpop (xrf2)  }
0x4f3: {  	v37 =	vld [tilespmem:s1+$0x1C0];
	v38, _, _ =	vpop (xrf2)  }
0x4f4: {  	v39 =	vld [tilespmem:s3+$0x60];
	v21 =	vmul.f32 v52, v58;
	v57 =	vbroadcast v38, $0xF  }
0x4f5: {  	v28 =	vld [tilespmem:s6+$0x70]  }
0x4f6: {  	[tilespmem:s20+$0xFFFFFFB0] =	vst v21;
	v18 =	vld [tilespmem:s5+$0x60];
	v60 =	vmul.f32 v57, v12  }
0x4f7: {  	v25 =	vmul.f32 v25, v54;
	v41 =	vld [tilespmem:s12+$0xFFFFFFC0]  }
0x4f8: {  	v42 =	vld [tilespmem:s14+$0xFFFFFFC0];
	v37 =	vmul.f32 v60, v37  }
0x4f9: {  	[tilespmem:s20+$0xFFFFFF30] =	vst v25;
	v49 =	vld [tilespmem:s14+$0xFFFFFFD0]  }
0x4fa: {  	v53 =	vbroadcast v51, $0xF;
	v25 =	vld [tilespmem:s12+$0xFFFFFF40];
	[tilespmem:s20+$0xC0] =	vst v37  }
0x4fb: {  	v37 =	vld [tilespmem:s1+$0x1D0]  }
0x4fc: {  	v40 =	vld [tilespmem:s12+$0xFFFFFF50];
	v31 =	vmul.f32 v53, v14  }
0x4fd: {  	v62 =	vld [tilespmem:s14+$0xFFFFFF40]  }
0x4fe: {  	v22 =	vmul.f32 v22, v30;
	v63 =	vld [tilespmem:s14+$0xFFFFFF50];
	v19 =	vmul.f32 v31, v48  }
0x4ff: {  	v43 =	vld [tilespmem:s1+$0xFFFFFE40]  }
0x500: {  	v22 =	vmul.f32 v22, v55;
	v55 =	vld [tilespmem:s1+$0xFFFFFE50];
	[tilespmem:s20+$0x20] =	vst v19;
	v19 =	vmul.f32 v60, v37  }
0x501: {  	v48 =	vld [tilespmem:s12+$0xFFFFFFD0]  }
0x502: {  	v61 =	vld [tilespmem:s1+$0xB0];
	[tilespmem:s20+$0xD0] =	vst v19  }
0x503: {  	v19 =	vld [tilespmem:s12+$0xE0]  }
0x504: {  	v44 =	vld [tilespmem:s12+$0xF0]  }
0x505: {  	v16 =	vmul.f32 v17, v16;
	v51 =	vld [tilespmem:s14+$0xE0]  }
0x506: {  	v15 =	vmul.f32 v29, v15;
	v20 =	vmul.f32 v23, v20;
	v52 =	vld [tilespmem:s14+$0xF0]  }
0x507: {  	v26 =	vmul.f32 v28, v26;
	v24 =	vmul.f32 v31, v61;
	v53 =	vld [tilespmem:s1+$0x160]  }
0x508: {  	v16 =	vmul.f32 v16, v33;
	v15 =	vmul.f32 v15, v32;
	v54 =	vld [tilespmem:s1+$0x170]  }
0x509: {  	v20 =	vmul.f32 v20, v56;
	v26 =	vmul.f32 v26, v59;
	v61 =	vld [tilespmem:s1+$0xFFFFFF50];
	[tilespmem:s20+$0x30] =	vst v24  }
0x50a: {  	v18 =	vmul.f32 v27, v18;
	v59 =	vmul.f32 v62, v25;
	v50 =	vld [tilespmem:s12+$0x40]  }
0x50b: {  	v56 =	vld [tilespmem:s12+$0x50];
	v17 =	vmul.f32 v51, v19;
	v57 =	vmul.f32 v52, v44  }
0x50c: {  	v15 =	vadd.f32 v16, v15;
	v21 =	vmul.f32 v63, v40;
	v18 =	vmul.f32 v18, v39;
	v58 =	vld [tilespmem:s14+$0x40]  }
0x50d: {  	v20 =	vadd.f32 v20, v22;
	v63 =	vld [tilespmem:s14+$0x50];
	v17 =	vmul.f32 v17, v53;
	v19 =	vmul.f32 v57, v54  }
0x50e: {  	(xrf2) =	vadd.scan.msk.f32 $0xffff, v15;
	v16 =	vmul.f32 v59, v43;
	v21 =	vmul.f32 v21, v55;
	v62 =	vadd.f32 v26, v18;
	v28 =	vld [tilespmem:s1+$0x40]  }
0x50f: {  	(xrf2) =	vadd.scan.msk.f32 $0xffff, v20;
	v60 =	vld [tilespmem:s1+$0xFFFFFF40];
	v17 =	vadd.f32 v19, v17  }
0x510: {  	v16 =	vadd.f32 v21, v16;
	(xrf2) =	vadd.scan.msk.f32 $0xffff, v62;
	v32 =	vld [tilespmem:s1+$0x50]  }
0x511: {  	v31 =	vmul.f32 v49, v48;
	(xrf2) =	vadd.scan.msk.f32 $0xffff, v17  }
0x512: {  	v29 =	vmul.f32 v42, v41;
	v34 =	vmul.f32 v58, v50;
	(xrf2) =	vadd.scan.msk.f32 $0xffff, v16  }
0x513: {  	v33 =	vmul.f32 v31, v61;
	v18 =	vmul.f32 v63, v56  }
0x514: {  	v15 =	vmul.f32 v29, v60;
	v16 =	vmul.f32 v34, v28  }
0x515: {  	v35 =	vmul.f32 v18, v32  }
0x516: {  	v15 =	vadd.f32 v33, v15  }
0x517: {  	v36 =	vadd.f32 v35, v16  }
0x518: {  	(xrf2) =	vadd.scan.msk.f32 $0xffff, v15;
	v16, _, _ =	vpop (xrf2)  }
0x519: {  	v17, _, _ =	vpop (xrf2);
	(xrf2) =	vadd.scan.msk.f32 $0xffff, v36  }
0x51a: {  	v15, _, _ =	vpop (xrf2)  }
0x51b: {  	v18, _, _ =	vpop (xrf2)  }
0x51c: {  	v37 =	vld [tilespmem:s1+$0xFFFFFEC0];
	v38, _, _ =	vpop (xrf2)  }
0x51d: {  	v20 =	vbroadcast v38, $0xF;
	_ =	sdelay $0x1  }
0x51e: {  	v20 =	vmul.f32 v20, v7;
	_ =	sdelay $0x1  }
0x51f: {  	v19 =	vmul.f32 v20, v37  }
0x520: {  	v40 =	vld [tilespmem:s1+$0xFFFFFFC0];
	v39, _, _ =	vpop (xrf2)  }
0x521: {  	v42 =	vld [tilespmem:s1+$0xC0];
	v21 =	vbroadcast v39, $0xF;
	v41, _, _ =	vpop (xrf2);
	[tilespmem:s20+$0xFFFFFF40] =	vst v19  }
0x522: {  	v23 =	vbroadcast v41, $0xF;
	v43 =	vld [tilespmem:s1+$0xFFFFFED0]  }
0x523: {  	v21 =	vmul.f32 v21, v6  }
0x524: {  	v23 =	vmul.f32 v23, v14  }
0x525: {  	v22 =	vmul.f32 v21, v40  }
0x526: {  	v19 =	vmul.f32 v23, v42  }
0x527: {  	[tilespmem:s20+$0xFFFFFFC0] =	vst v22;
	v20 =	vmul.f32 v20, v43  }
0x528: {  	v22 =	vld [tilespmem:s1+$0xFFFFFFD0];
	[tilespmem:s20+$0x40] =	vst v19  }
0x529: {  	v19 =	vld [tilespmem:s1+$0xD0];
	[tilespmem:s20+$0xFFFFFF50] =	vst v20  }
0x52a: {  	v20 =	vld [tilespmem:s12+$0xFFFFFF60]  }
0x52b: {  	v44 =	vld [tilespmem:s12+$0xFFFFFF70]  }
0x52c: {  	v45 =	vld [tilespmem:s14+$0xFFFFFF60]  }
0x52d: {  	v21 =	vmul.f32 v21, v22;
	v46 =	vld [tilespmem:s14+$0xFFFFFF70]  }
0x52e: {  	v55 =	vld [tilespmem:s1+$0xFFFFFE60]  }
0x52f: {  	[tilespmem:s20+$0xFFFFFFD0] =	vst v21;
	v56 =	vld [tilespmem:s1+$0xFFFFFE70]  }
0x530: {  	v47 =	vld [tilespmem:s12+$0xFFFFFFE0]  }
0x531: {  	v48 =	vld [tilespmem:s12+$0xFFFFFFF0]  }
0x532: {  	v49 =	vld [tilespmem:s14+$0xFFFFFFE0]  }
0x533: {  	v50 =	vld [tilespmem:s14+$0xFFFFFFF0];
	v19 =	vmul.f32 v23, v19  }
0x534: {  	v57 =	vld [tilespmem:s1+$0xFFFFFF60]  }
0x535: {  	v58 =	vld [tilespmem:s1+$0xFFFFFF70];
	[tilespmem:s20+$0x50] =	vst v19  }
0x536: {  	v13 =	vbroadcast v13, $0xF;
	v51 =	vld [tilespmem:s12+$0x60]  }
0x537: {  	v52 =	vld [tilespmem:s12+$0x70]  }
0x538: {  	v5 =	vmul.f32 v13, v5;
	v53 =	vld [tilespmem:s14+$0x60]  }
0x539: {  	v54 =	vld [tilespmem:s14+$0x70]  }
0x53a: {  	v11 =	vmul.f32 v5, v11;
	v60 =	vld [tilespmem:s1+$0x60]  }
0x53b: {  	v59 =	vmul.f32 v45, v20;
	v21 =	vmul.f32 v46, v44;
	v62 =	vld [tilespmem:s1+$0x70]  }
0x53c: {  	v61 =	vmul.f32 v49, v47;
	v19 =	vmul.f32 v50, v48  }
0x53d: {  	v13 =	vmul.f32 v59, v55;
	v21 =	vmul.f32 v21, v56  }
0x53e: {  	v63 =	vmul.f32 v53, v51;
	v28 =	vmul.f32 v54, v52  }
0x53f: {  	v22 =	vmul.f32 v61, v57;
	v19 =	vmul.f32 v19, v58  }
0x540: {  	[tilespmem:s4+$0xE0] =	vst v11;
	v13 =	vadd.f32 v21, v13;
	v20 =	vmul.f32 v63, v60;
	v29 =	vmul.f32 v28, v62  }
0x541: {  	v31 =	vld [tilespmem:s3+$0x1F0];
	v30 =	vadd.f32 v19, v22  }
0x542: {  	v33 =	vld [tilespmem:s2+$0xFFFFFEF0];
	(xrf2) =	vadd.scan.msk.f32 $0xffff, v13;
	v32 =	vadd.f32 v29, v20  }
0x543: {  	(xrf2) =	vadd.scan.msk.f32 $0xffff, v30  }
0x544: {  	v34 =	vld [tilespmem:s2+$0xFFFFFFF0];
	(xrf2) =	vadd.scan.msk.f32 $0xffff, v32;
	_ =	sdelay $0x1  }
0x545: {  	v36 =	vld [tilespmem:s3+$0xFFFFFFE0]  }
0x546: {  	v5 =	vmul.f32 v5, v31;
	v9 =	vmul.f32 v9, v33;
	v37 =	vld [tilespmem:s1+$0x1E0]  }
0x547: {  	v17 =	vbroadcast v17, $0xF;
	v38 =	vbroadcast v18, $0xF  }
0x548: {  	v35 =	vld [tilespmem:s3+$0xFFFFFEE0];
	v16 =	vbroadcast v16, $0xF;
	v10 =	vmul.f32 v10, v34  }
0x549: {  	v3 =	vmul.f32 v17, v3;
	v12 =	vmul.f32 v38, v12  }
0x54a: {  	v2 =	vmul.f32 v16, v2;
	v39 =	vld [tilespmem:s3+$0xE0];
	v40 =	vbroadcast v15, $0xF  }
0x54b: {  	[tilespmem:s4+$0xF0] =	vst v5;
	v41 =	vmul.f32 v3, v36;
	v42 =	vld [tilespmem:s1+$0xFFFFFEE0];
	v44 =	vmul.f32 v12, v37;
	v43, _, _ =	vpop (xrf2)  }
0x54c: {  	[tilespmem:s19+$0xFFFFFF70] =	vst v9;
	v45 =	vld [tilespmem:s1+$0xFFFFFFE0];
	v47 =	vmul.f32 v40, v4;
	v17 =	vbroadcast v43, $0xF;
	v46, _, _ =	vpop (xrf2)  }
0x54d: {  	[tilespmem:s9+$0xFFFFFFE0] =	vst v41;
	v48 =	vld [tilespmem:s1+$0xE0];
	v13 =	vmul.f32 v2, v35;
	v49 =	vbroadcast v46, $0xF;
	v50, _, _ =	vpop (xrf2)  }
0x54e: {  	[tilespmem:s19+$0xFFFFFFF0] =	vst v10;
	v58 =	vld [tilespmem:s3+$0xFFFFFFF0];
	v52 =	vmul.f32 v17, v7;
	v53 =	vbroadcast v50, $0xF  }
0x54f: {  	v11 =	vmul.f32 v47, v39;
	v51 =	vld [tilespmem:s2+$0xF0];
	[tilespmem:s9+$0xFFFFFF60] =	vst v13;
	v55 =	vmul.f32 v49, v6  }
0x550: {  	[tilespmem:s20+$0xE0] =	vst v44;
	v56 =	vld [tilespmem:s3+$0xFFFFFEF0];
	v57 =	vmul.f32 v52, v42;
	v9 =	vmul.f32 v53, v14  }
0x551: {  	v54 =	vld [tilespmem:s1+$0x1F0];
	[tilespmem:s9+$0x60] =	vst v11;
	v59 =	vmul.f32 v55, v45  }
0x552: {  	v60 =	vld [tilespmem:s3+$0xF0];
	[tilespmem:s20+$0xFFFFFF60] =	vst v57;
	v5 =	vmul.f32 v9, v48  }
0x553: {  	v3 =	vmul.f32 v3, v58;
	[tilespmem:s20+$0xFFFFFFE0] =	vst v59;
	v61 =	vld [tilespmem:s1+$0xFFFFFEF0]  }
0x554: {  	v8 =	vmul.f32 v8, v51;
	v62 =	vld [tilespmem:s1+$0xFFFFFFF0];
	[tilespmem:s20+$0x60] =	vst v5  }
0x555: {  	[tilespmem:s9+$0xFFFFFFF0] =	vst v3;
	v2 =	vmul.f32 v2, v56;
	v63 =	vld [tilespmem:s1+$0xF0]  }
0x556: {  	v12 =	vmul.f32 v12, v54;
	[tilespmem:s19+$0x70] =	vst v8  }
0x557: {  	s15 =	sadd.s32 $0x1, s15;
	[tilespmem:s9+$0xFFFFFF70] =	vst v2;
	v2 =	vmul.f32 v47, v60  }
0x558: {  	p2 =	sne.s32 s15, $0x7D;
	[tilespmem:s20+$0xF0] =	vst v12;
	v3 =	vmul.f32 v52, v61  }
.Ltmp4:
0x559: {  	[tilespmem:s9+$0x70] =	vst v2;
	v2 =	vmul.f32 v55, v62;
	(pc) =	sbr.rel @p2 .LBB2_6-.Ltmp4, $4  }
0x55a: {  	[tilespmem:s20+$0xFFFFFF70] =	vst v3;
	v3 =	vmul.f32 v9, v63  }
0x55b: {  	[tilespmem:s20+$0xFFFFFFF0] =	vst v2  }
0x55c: {  	s0 =	rddreg [dreg:$0x5];
	s31 =	simm.s32 $0xF0;
	[tilespmem:s20+$0x70] =	vst v3  }
0x55d: {  	[spmem:s0] =	stream.indirect.scatter.add.f32 [tilespmem:s17], [sflag:$0xD], $0x80, s31, s24, $0xb8;
	[tilespmem:$0x1F1F0] =	vst v63  }
0x55e: {  	s0 =	simm.s32 $0xD  }
0x55f: {  	_ =	swait.ge [sflag:s0], $0x1800  }
0x560: {  	[sflag:s0] =	ssyncset.done $0x0  }
0x561: {  	[sflag:s0] =	ssyncadd.s32 $0xFFFFE800  }
0x562: {  	[bflag:$0x0] =	sbarrier.arrive $0xFFFF  }
0x563: {  	s1 =	simm.s32 @p1 $0x1;
	s2 =	simm.s32 @p1 $0x4;
	s0 =	rddreg [dreg:$0x10]  }
0x564: {  	s3 =	simm.s32 @p1 $0x10;
	s4 =	simm.s32 @p1 $0x1FCE;
	s5 =	rddreg [dreg:$0x15]  }
0x565: {  	[hbm:s0@s2], [sflag:s4] =	dma.strided @p1 [spmem:s5@s3], $0xA00, s1, $0x4   }
0x566: {  	s5 =	simm.s32 @p1 $0xE  }
0x567: {  	_ =	swait.ge @p1 [sflag:s5], $0xA00  }
0x568: {  	[sflag:s5] =	ssyncset.done @p1 $0x0;
	s0 =	rddreg [dreg:$0x11]  }
0x569: {  	s6 =	rddreg [dreg:$0x16];
	[sflag:s5] =	ssyncadd.s32 @p1 $0xFFFFF600  }
0x56a: {  	[hbm:s0@s2], [sflag:s4] =	dma.strided @p1 [spmem:s6@s3], $0xA00, s1, $0x4   }
0x56b: {  	_ =	swait.ge @p1 [sflag:s5], $0xA00  }
0x56c: {  	[sflag:s5] =	ssyncset.done @p1 $0x0;
	s0 =	rddreg [dreg:$0x12]  }
0x56d: {  	s6 =	rddreg [dreg:$0x17];
	[sflag:s5] =	ssyncadd.s32 @p1 $0xFFFFF600  }
0x56e: {  	[hbm:s0@s2], [sflag:s4] =	dma.strided @p1 [spmem:s6@s3], $0xA00, s1, $0x4   }
0x56f: {  	_ =	swait.ge @p1 [sflag:s5], $0xA00  }
0x570: {  	[sflag:s5] =	ssyncset.done @p1 $0x0;
	s0 =	rddreg [dreg:$0x13]  }
0x571: {  	s6 =	rddreg [dreg:$0x18];
	[sflag:s5] =	ssyncadd.s32 @p1 $0xFFFFF600  }
0x572: {  	[hbm:s0@s2], [sflag:s4] =	dma.strided @p1 [spmem:s6@s3], $0xA00, s1, $0x4   }
0x573: {  	s0 =	stileid.u32;
	s2 =	sshrl.u32 @!p1 s11, $0x3  }
0x574: {  	s3 =	simm.s32 @!p1 $0x1;
	_ =	swait.ge @p1 [sflag:s5], $0xA00;
	s1 =	sshll.u32 @!p1 s0, $0x6  }
0x575: {  	s4 =	simm.s32 @!p1 $0x4;
	[sflag:s5] =	ssyncset.done @p1 $0x0;
	s1 =	sor.u32 @!p1 $0x1C0E, s1  }
0x576: {  	s0 =	rddreg [dreg:$0xf];
	[sflag:s5] =	ssyncadd.s32 @p1 $0xFFFFF600;
	s5 =	simm.s32 @!p1 $0x10  }
0x577: {  	[hbm:s0@s4], [sflag:s1] =	dma.strided @!p1 [spmem:s2@s5], $0x9C0, s3, $0x4   }
0x578: {  	s2 =	simm.s32 @!p1 $0xE  }
0x579: {  	_ =	swait.ge @!p1 [sflag:s2], $0x9C0  }
0x57a: {  	[sflag:s2] =	ssyncset.done @!p1 $0x0;
	s0 =	rddreg [dreg:$0x19]  }
0x57b: {  	s6 =	rddreg [dreg:$0x1e];
	[sflag:s2] =	ssyncadd.s32 @!p1 $0xFFFFF640  }
0x57c: {  	[hbm:s6@s4], [sflag:s1] =	dma.strided @!p1 [spmem:s0@s5], $0x9C0, s3, $0x4   }
0x57d: {  	_ =	swait.ge @!p1 [sflag:s2], $0x9C0  }
0x57e: {  	[sflag:s2] =	ssyncset.done @!p1 $0x0;
	s0 =	rddreg [dreg:$0x1a]  }
0x57f: {  	s6 =	rddreg [dreg:$0x1f];
	[sflag:s2] =	ssyncadd.s32 @!p1 $0xFFFFF640  }
0x580: {  	[hbm:s6@s4], [sflag:s1] =	dma.strided @!p1 [spmem:s0@s5], $0x9C0, s3, $0x4   }
0x581: {  	_ =	swait.ge @!p1 [sflag:s2], $0x9C0  }
0x582: {  	s6 =	sld [smem:$0x7FD]  }
0x583: {  	[sflag:s2] =	ssyncset.done @!p1 $0x0  }
0x584: {  	s0 =	rddreg [dreg:$0x1b];
	[sflag:s2] =	ssyncadd.s32 @!p1 $0xFFFFF640  }
0x585: {  	[hbm:s6@s4], [sflag:s1] =	dma.strided @!p1 [spmem:s0@s5], $0x9C0, s3, $0x4   }
0x586: {  	_ =	swait.ge @!p1 [sflag:s2], $0x9C0  }
0x587: {  	s26 =	sld [smem:$0x7FC];
	_ =	sdelay $0x2  }
0x588: {  	s31 =	rddreg [dreg:$0x14];
	s1 =	sadd.s32 $0x1, s26  }
0x589: {  	p2 =	sne.s32 s1, s31  }
.Ltmp5:
0x58a: {  	_ = 	snop;
	(pc) =	sbr.rel @p2 .LBB2_1-.Ltmp5, $3  }
0x58b: {  	_ =	sdelay $0x1  }
0x58c: {  	[sflag:s2] =	ssyncset.done @!p1 $0x0  }
0x58d: {  	[sflag:s2] =	ssyncadd.s32 @!p1 $0xFFFFF640  }
0x58e: {  	_ =	sfence.sel $0x180000  }
0x58f: {  	[bflag:$0x0] =	sbarrier.arrive $0xFFFF  }
0x590: {  	_ =	strace $0x90000047  }
0x591: {  	s0 =	stileid.u32;
	[bflag:$0x2] =	sbarrier.arrive $0xFFFF  }
0x592: {  	p0 =	sne.s32 s0, $0x0;
	s0 =	rddreg [dreg:$0x6]  }
0x593: {  	s0 =	sadd.s32 @!p0 $0x100000, s0  }
0x594: {  	[sflag:s0] =	ssyncadd.tile.s32 @!p0 $0x1;
	_ =	shalt  }
.Lfunc_end2:
_tile_overlayer_lowered:
.L_overlay_start_2:
0x595: {  	(tag) =	ssettag $0x2  }
0x596: {  	s0 =	rddreg [dreg:$0x0];
	s2 =	stileid.u32  }
0x597: {  	s1 =	rddreg [dreg:$0x1];
	p0 =	sne.s32 s2, $0x0  }
0x598: {  	s3 =	rddreg [dreg:$0x2];
	[bflag:$0x3] =	sbarrier.arrive $0xFFFF;
	s2 =	simm.s32 @!p0 $0x1C0E  }
0x599: {  	[timem:s3], [sflag:s2] =	dma.local @!p0 [hbm:s0], s1  }
0x59a: {  	s0 =	simm.s32 @!p0 $0xE  }
0x59b: {  	_ =	swait.ge @!p0 [sflag:s0], s1  }
0x59c: {  	s1 =	ssub.s32 @!p0 $0x0, s1;
	[sflag:s0] =	ssyncset.done @!p0 $0x0  }
0x59d: {  	[sflag:s0] =	ssyncadd.s32 @!p0 s1  }
0x59e: {  	[bflag:$0x3] =	sbarrier.arrive $0xFFFF  }
0x59f: {  	_ =	shalt  }

</sc_bundles>
